<compile_context>
chip_gen: v7x
topology: tpu7x:2x2x1
jax: 0.10.2.dev20260603
libtpu: 0.0.44.dev20260713+nightly
codegen_flags: <defaults>
</compile_context>

<pallas_src>
import functools

import jax
import jax.numpy as jnp
from jax import lax
from jax.experimental import pallas as pl
from jax.experimental.pallas import tpu as pltpu
from jax.experimental.pallas import tpu_sc as plsc

N_NODES = 10000
N_PAD = 10240
E_EDGES = 320000
D = 128
C_OUT = 40
NC, NS = 2, 16
NW = NC * NS
EPT = E_EDGES // NW
CHUNK = 125
NCHUNK = EPT // CHUNK
RPS_PAD = N_PAD // NS
WIN_OFF = 624
WIN_LEN = 640
ZR = 64

_mesh = plsc.VectorSubcoreMesh(core_axis_name="c", subcore_axis_name="s")


@functools.partial(
    pl.kernel,
    mesh=_mesh,
    out_type=jax.ShapeDtypeStruct((NC, N_PAD), jnp.float32),
    scratch_types=[
        pltpu.VMEM_SHARED((N_PAD,), jnp.float32),
        pltpu.VMEM((NCHUNK, CHUNK), jnp.int32),
        pltpu.VMEM((128,), jnp.float32),
        pltpu.VMEM((RPS_PAD,), jnp.float32),
        pltpu.SemaphoreType.DMA,
    ],
)
def _deg_call(dst_hbm, degp_hbm, acc, dstv, ones_v, zv, dsem):
    c = lax.axis_index("c")
    s = lax.axis_index("s")
    w = c * NS + s

    def fill_ones(i, carry):
        ones_v[pl.ds(i * 16, 16)] = jnp.ones((16,), jnp.float32)
        return carry

    lax.fori_loop(0, 128 // 16, fill_ones, 0)

    def fill_z(i, carry):
        zv[pl.ds(i * 16, 16)] = jnp.zeros((16,), jnp.float32)
        return carry

    lax.fori_loop(0, RPS_PAD // 16, fill_z, 0)

    pltpu.sync_copy(zv, acc.at[pl.ds(s * RPS_PAD, RPS_PAD)])
    plsc.subcore_barrier()

    pltpu.sync_copy(dst_hbm.at[pl.ds(w * NCHUNK, NCHUNK)], dstv)

    def group(g, carry):
        for k in range(16):
            pltpu.async_copy(ones_v.at[pl.ds(0, CHUNK)],
                             acc.at[dstv.at[g * 16 + k]], dsem, add=True)
        for k in range(16):
            pltpu.make_async_copy(ones_v.at[pl.ds(0, CHUNK)],
                                  acc.at[dstv.at[g * 16 + k]], dsem).wait()
        return carry

    lax.fori_loop(0, NCHUNK // 16, group, 0)
    plsc.subcore_barrier()
    pltpu.sync_copy(acc.at[pl.ds(s * RPS_PAD, RPS_PAD)],
                    degp_hbm.at[c, pl.ds(s * RPS_PAD, RPS_PAD)])


PCH = NCHUNK // 2
PAIRS = PCH // 2


@functools.partial(
    pl.kernel,
    mesh=_mesh,
    out_type=jax.ShapeDtypeStruct((NC, N_NODES, D), jnp.float32),
    scratch_types=[
        pltpu.VMEM_SHARED((N_NODES, D), jnp.float32),
        pltpu.VMEM((PCH, CHUNK), jnp.int32),
        pltpu.VMEM((PCH, CHUNK), jnp.int32),
        pltpu.VMEM((CHUNK, D), jnp.float32),
        pltpu.VMEM((CHUNK, D), jnp.float32),
        pltpu.SemaphoreType.DMA,
        pltpu.SemaphoreType.DMA,
    ],
)
def _hop_call(x_hbm, src_hbm, dst_hbm, outp_hbm, acc, srcv, dstv,
              rows0, rows1, sem0, sem1):
    c = lax.axis_index("c")
    s = lax.axis_index("s")
    w = c * NS + s

    pltpu.sync_copy(src_hbm.at[pl.ds(w * NCHUNK, PCH)], srcv)
    pltpu.sync_copy(dst_hbm.at[pl.ds(w * NCHUNK, PCH)], dstv)
    pltpu.async_copy(x_hbm.at[srcv.at[0]], rows0, sem0)

    def fill_z(i, carry):
        rows1[i // 8, pl.ds((i % 8) * 16, 16)] = jnp.zeros((16,), jnp.float32)
        return carry

    lax.fori_loop(0, CHUNK * 8, fill_z, 0)

    def zero_acc(q, carry):
        pltpu.sync_copy(rows1.at[pl.ds(0, 80)],
                        acc.at[pl.ds(s * WIN_OFF + q * 80, 80)])
        return carry

    lax.fori_loop(0, WIN_LEN // 80, zero_acc, 0)
    plsc.subcore_barrier()

    for h in range(NCHUNK // PCH):
        if h > 0:
            pltpu.sync_copy(src_hbm.at[pl.ds(w * NCHUNK + h * PCH, PCH)], srcv)
            pltpu.sync_copy(dst_hbm.at[pl.ds(w * NCHUNK + h * PCH, PCH)], dstv)
            pltpu.async_copy(x_hbm.at[srcv.at[0]], rows0, sem0)

        def pair(t, carry):
            a = 2 * t
            b = 2 * t + 1
            hb = pltpu.async_copy(x_hbm.at[srcv.at[b]], rows1, sem1)
            pltpu.make_async_copy(x_hbm.at[srcv.at[a]], rows0, sem0).wait()
            pltpu.sync_copy(rows0, acc.at[dstv.at[a]], add=True)

            @pl.when(t < PAIRS - 1)
            def _():
                pltpu.async_copy(x_hbm.at[srcv.at[a + 2]], rows0, sem0)

            hb.wait()
            pltpu.sync_copy(rows1, acc.at[dstv.at[b]], add=True)
            return carry

        lax.fori_loop(0, PAIRS, pair, 0)

    plsc.subcore_barrier()
    pltpu.sync_copy(acc.at[pl.ds(s * WIN_OFF, WIN_LEN)],
                    outp_hbm.at[c, pl.ds(s * WIN_OFF, WIN_LEN)])


R = 2048
GRID = (N_NODES + R - 1) // R


def _deg_slice(degp_ref):
    i = pl.program_id(0)
    return degp_ref[0, pl.ds(i * R, R)] + degp_ref[1, pl.ds(i * R, R)]


def _scale_feat_body(degp_ref, feat_ref, x1_ref):
    deg = _deg_slice(degp_ref)
    norm = lax.rsqrt(jnp.maximum(deg, 1.0))
    x1_ref[...] = feat_ref[...] * norm[:, None]


def _combine_mid_body(degp_ref, yp_ref, x2_ref):
    deg = _deg_slice(degp_ref)
    dinv = 1.0 / jnp.maximum(deg, 1.0)
    x2_ref[...] = (yp_ref[0] + yp_ref[1]) * dinv[:, None]


def _head_body(degp_ref, yp_ref, wsg_ref, bsg_ref, wout_ref, bout_ref, out_ref):
    deg = _deg_slice(degp_ref)
    norm = lax.rsqrt(jnp.maximum(deg, 1.0))
    h = (yp_ref[0] + yp_ref[1]) * norm[:, None]
    g = jnp.dot(h, wsg_ref[...], preferred_element_type=jnp.float32) + bsg_ref[...]
    g = jnp.maximum(g, 0.0)
    out_ref[...] = (jnp.dot(g, wout_ref[...], preferred_element_type=jnp.float32)
                    + bout_ref[...])


_deg_spec = pl.BlockSpec((NC, N_PAD), lambda i: (0, 0))
_row_spec = pl.BlockSpec((R, D), lambda i: (i, 0))
_part_spec = pl.BlockSpec((2, R, D), lambda i: (0, i, 0))


def kernel(features, edge_index, W_sg, b_sg, W_out, b_out):
    src2 = edge_index[0].reshape(E_EDGES // CHUNK, CHUNK)
    dst2 = edge_index[1].reshape(E_EDGES // CHUNK, CHUNK)

    degp = _deg_call(dst2)

    x1 = pl.pallas_call(
        _scale_feat_body,
        grid=(GRID,),
        in_specs=[_deg_spec, _row_spec],
        out_specs=_row_spec,
        out_shape=jax.ShapeDtypeStruct((N_NODES, D), jnp.float32),
    )(degp, features)

    y1p = _hop_call(x1, src2, dst2)

    x2 = pl.pallas_call(
        _combine_mid_body,
        grid=(GRID,),
        in_specs=[_deg_spec, _part_spec],
        out_specs=_row_spec,
        out_shape=jax.ShapeDtypeStruct((N_NODES, D), jnp.float32),
    )(degp, y1p)

    y2p = _hop_call(x2, src2, dst2)

    out = pl.pallas_call(
        _head_body,
        grid=(GRID,),
        in_specs=[
            _deg_spec,
            _part_spec,
            pl.BlockSpec((D, D), lambda i: (0, 0)),
            pl.BlockSpec((1, D), lambda i: (0, 0)),
            pl.BlockSpec((D, C_OUT), lambda i: (0, 0)),
            pl.BlockSpec((1, C_OUT), lambda i: (0, 0)),
        ],
        out_specs=pl.BlockSpec((R, C_OUT), lambda i: (i, 0)),
        out_shape=jax.ShapeDtypeStruct((N_NODES, C_OUT), jnp.float32),
    )(degp, y2p, W_sg, b_sg.reshape(1, D), W_out, b_out.reshape(1, C_OUT))
    return out

# --- scband reference (transcript-rebuilt; emitter-appended) ---
"""Pipeline reference for scband-sgc-17428977287560 (READ-ONLY COPY).

The authoritative reference and input builder live on the scoring server;
editing this copy changes nothing except your own understanding.
"""

import jax, jax.numpy as jnp
import numpy as np

N = 10000
E = 320000
D_IN = 128
D_HID = 128
N_CLASSES = 40
K_HOPS = 2


def setup_inputs(seed: int = 0) -> dict:
    key = jax.random.key(seed)
    k1, k2, k3, k4, k5, k6 = jax.random.split(key, 6)
    features = jax.random.normal(k1, (N, D_IN), dtype=jnp.float32)
    edge_index = jax.random.randint(k2, (2, E), 0, N, dtype=jnp.int32)
    # SGConv fc: Linear(in_feats, n_hidden)
    W_sg = jax.random.normal(k3, (D_IN, D_HID), dtype=jnp.float32) * (1.0 / np.sqrt(D_IN))
    b_sg = jax.random.normal(k4, (D_HID,), dtype=jnp.float32) * 0.01
    # output linear: Linear(n_hidden, n_classes)
    W_out = jax.random.normal(k5, (D_HID, N_CLASSES), dtype=jnp.float32) * (1.0 / np.sqrt(D_HID))
    b_out = jax.random.normal(k6, (N_CLASSES,), dtype=jnp.float32) * 0.01
    return {"features": features, "edge_index": edge_index, "W_sg": W_sg, "b_sg": b_sg, "W_out": W_out, "b_out": b_out}


def reference(features, edge_index, W_sg, b_sg, W_out, b_out):
    src = edge_index[0]
    dst = edge_index[1]
    # symmetric normalization using in-degrees (DGL SGConv semantics)
    deg = jnp.zeros((N,), jnp.float32).at[dst].add(1.0)
    deg = jnp.clip(deg, 1.0)
    norm = deg ** -0.5
    h = features
    for _ in range(K_HOPS):
        h = h * norm[:, None]
        # copy_u + sum aggregation: scatter-add messages from src into dst
        h = jnp.zeros((N, h.shape[1]), h.dtype).at[dst].add(h[src])
        h = h * norm[:, None]
    # SGConv fc
    h = h @ W_sg + b_sg
    # activation
    h = jax.nn.relu(h)
    # final classifier linear (dropout is identity in eval / unused in forward)
    out = h @ W_out + b_out
    return out

if __name__ == "__main__":
    import jax
    _d = setup_inputs()
    print(jax.jit(kernel)(*tuple(_d.values())))

</pallas_src>

<mosaic_0001>
#map = affine_map<(d0, d1) -> (0, 0)>
#map1 = affine_map<(d0, d1) -> (0, 0, 0)>
module attributes {stable_mosaic.version = 14 : i64} {
  func.func @_hop_call(%arg0: i32, %arg1: i32, %arg2: memref<10000x128xf32, #tpu.memory_space<hbm>>, %arg3: memref<2560x125xi32, #tpu.memory_space<hbm>>, %arg4: memref<2560x125xi32, #tpu.memory_space<hbm>>, %arg5: memref<2x10000x128xf32, #tpu.memory_space<hbm>>, %arg6: memref<10000x128xf32, #tpu.memory_space<vmem_shared>>, %arg7: memref<40x125xi32, #tpu.memory_space<vmem>>, %arg8: memref<40x125xi32, #tpu.memory_space<vmem>>, %arg9: memref<125x128xf32, #tpu.memory_space<vmem>>, %arg10: memref<125x128xf32, #tpu.memory_space<vmem>>, %arg11: memref<!tpu.dma_semaphore, #tpu.memory_space<semaphore_mem>>, %arg12: memref<!tpu.dma_semaphore, #tpu.memory_space<semaphore_mem>>) attributes {dimension_semantics = [#tpu.dimension_semantics<core_parallel>, #tpu.dimension_semantics<subcore_parallel>], iteration_bounds = array<i64: 2, 16>, scalar_prefetch = 0 : i64, scratch_operands = 7 : i64, tpu.core_type = #tpu.core_type<sc_vector_subcore>, window_params = [{transform_indices = #map}, {transform_indices = #map}, {transform_indices = #map}, {transform_indices = #map1}]} {
    %mul3A = arith.constant 16 : i32
    %mul3A_0 = arith.muli %arg0, %mul3A : i32
    %add3A = arith.addi %mul3A_0, %arg1 : i32
    %mul3A_1 = arith.constant 80 : i32
    %mul3A_2 = arith.muli %add3A, %mul3A_1 : i32
    "tpu.region"() ({
      %run_scoped3A = tpu.sem_alloc : memref<!tpu.dma_semaphore, #tpu.memory_space<semaphore_mem>>
      %dma_start3A_54 = arith.constant 0 : i32
      %dma_start3A_55 = tpu.memref_slice %arg3[%mul3A_2, %dma_start3A_54] : memref<2560x125xi32, #tpu.memory_space<hbm>> -> memref<40x125xi32, #tpu.memory_space<hbm>>
      %dma_start3A_56 = arith.constant 0 : i32
      %dma_start3A_57 = tpu.memref_slice %arg3[%mul3A_2, %dma_start3A_56] : memref<2560x125xi32, #tpu.memory_space<hbm>> -> memref<40x125xi32, #tpu.memory_space<hbm>>
      tpu.enqueue_dma source(%dma_start3A_57 : memref<40x125xi32, #tpu.memory_space<hbm>>) target(%arg7 : memref<40x125xi32, #tpu.memory_space<vmem>>) target_semaphore(%run_scoped3A : memref<!tpu.dma_semaphore, #tpu.memory_space<semaphore_mem>>)
      %dma_wait3A = arith.constant 0 : i32
      %dma_wait3A_58 = tpu.memref_slice %arg3[%mul3A_2, %dma_wait3A] : memref<2560x125xi32, #tpu.memory_space<hbm>> -> memref<40x125xi32, #tpu.memory_space<hbm>>
      %dma_wait3A_59 = arith.constant 0 : i32
      %dma_wait3A_60 = tpu.memref_slice %arg3[%mul3A_2, %dma_wait3A_59] : memref<2560x125xi32, #tpu.memory_space<hbm>> -> memref<40x125xi32, #tpu.memory_space<hbm>>
      tpu.wait_dma2 semaphore(%run_scoped3A : memref<!tpu.dma_semaphore, #tpu.memory_space<semaphore_mem>>) src(%dma_wait3A_60 : memref<40x125xi32, #tpu.memory_space<hbm>>) dst(%arg7 : memref<40x125xi32, #tpu.memory_space<vmem>>)
      tpu.yield
    }) : () -> ()
    %mul3A_3 = arith.constant 80 : i32
    %mul3A_4 = arith.muli %add3A, %mul3A_3 : i32
    "tpu.region"() ({
      %run_scoped3A = tpu.sem_alloc : memref<!tpu.dma_semaphore, #tpu.memory_space<semaphore_mem>>
      %dma_start3A_54 = arith.constant 0 : i32
      %dma_start3A_55 = tpu.memref_slice %arg4[%mul3A_4, %dma_start3A_54] : memref<2560x125xi32, #tpu.memory_space<hbm>> -> memref<40x125xi32, #tpu.memory_space<hbm>>
      %dma_start3A_56 = arith.constant 0 : i32
      %dma_start3A_57 = tpu.memref_slice %arg4[%mul3A_4, %dma_start3A_56] : memref<2560x125xi32, #tpu.memory_space<hbm>> -> memref<40x125xi32, #tpu.memory_space<hbm>>
      tpu.enqueue_dma source(%dma_start3A_57 : memref<40x125xi32, #tpu.memory_space<hbm>>) target(%arg8 : memref<40x125xi32, #tpu.memory_space<vmem>>) target_semaphore(%run_scoped3A : memref<!tpu.dma_semaphore, #tpu.memory_space<semaphore_mem>>)
      %dma_wait3A = arith.constant 0 : i32
      %dma_wait3A_58 = tpu.memref_slice %arg4[%mul3A_4, %dma_wait3A] : memref<2560x125xi32, #tpu.memory_space<hbm>> -> memref<40x125xi32, #tpu.memory_space<hbm>>
      %dma_wait3A_59 = arith.constant 0 : i32
      %dma_wait3A_60 = tpu.memref_slice %arg4[%mul3A_4, %dma_wait3A_59] : memref<2560x125xi32, #tpu.memory_space<hbm>> -> memref<40x125xi32, #tpu.memory_space<hbm>>
      tpu.wait_dma2 semaphore(%run_scoped3A : memref<!tpu.dma_semaphore, #tpu.memory_space<semaphore_mem>>) src(%dma_wait3A_60 : memref<40x125xi32, #tpu.memory_space<hbm>>) dst(%arg8 : memref<40x125xi32, #tpu.memory_space<vmem>>)
      tpu.yield
    }) : () -> ()
    %dma_start3A = arith.constant 0 : i32
    %dma_start3A_5 = arith.constant 0 : i32
    %dma_start3A_6 = tpu.memref_slice %arg7[%dma_start3A, %dma_start3A_5] : memref<40x125xi32, #tpu.memory_space<vmem>> -> memref<1x125xi32, #tpu.memory_space<vmem>>
    %dma_start3A_7 = tpu.memref_squeeze %dma_start3A_6 : memref<1x125xi32, #tpu.memory_space<vmem>> -> memref<125xi32, #tpu.memory_space<vmem>>
    %dma_start3A_8 = arith.constant 0 : i32
    %dma_start3A_9 = arith.constant 0 : i32
    %dma_start3A_10 = tpu.memref_slice %arg2[%dma_start3A_8, %dma_start3A_9] : memref<10000x128xf32, #tpu.memory_space<hbm>> -> memref<10000x128xf32, #tpu.memory_space<hbm>>
    tpu.enqueue_indirect_dma source(%dma_start3A_10 : memref<10000x128xf32, #tpu.memory_space<hbm>>) target(%arg9 : memref<125x128xf32, #tpu.memory_space<vmem>>) offsets(%dma_start3A_7 : memref<125xi32, #tpu.memory_space<vmem>>) semaphore(%arg11 : memref<!tpu.dma_semaphore, #tpu.memory_space<semaphore_mem>>)
    %scan3A = arith.constant 0 : i32
    %scan3A_11 = arith.constant 0 : i32
    %scan3A_12 = arith.constant 1000 : i32
    %scan3A_13 = arith.addi %scan3A_11, %scan3A_12 : i32
    %scan3A_14 = arith.constant 1 : i32
    scf.for %scan3A_54 = %scan3A_11 to %scan3A_13 step %scan3A_14  : i32 {
      %broadcast_in_dim3A = arith.constant 0.000000e+00 : f32
      %broadcast_in_dim3A_55 = vector.broadcast %broadcast_in_dim3A : f32 to vector<16xf32>
      %jit3A = arith.constant 8 : i32
      %div3A = arith.divsi %scan3A_54, %jit3A : i32
      %sign3A = arith.constant 0 : i32
      %sign3A_56 = arith.cmpi sgt, %scan3A_54, %sign3A : i32
      %sign3A_57 = arith.extui %sign3A_56 : i1 to i32
      %sign3A_58 = arith.constant 0 : i32
      %sign3A_59 = arith.cmpi slt, %scan3A_54, %sign3A_58 : i32
      %sign3A_60 = arith.extui %sign3A_59 : i1 to i32
      %sign3A_61 = arith.subi %sign3A_57, %sign3A_60 : i32
      %sign3A_62 = arith.constant 0 : i32
      %sign3A_63 = arith.cmpi sgt, %jit3A, %sign3A_62 : i32
      %sign3A_64 = arith.extui %sign3A_63 : i1 to i32
      %sign3A_65 = arith.constant 0 : i32
      %sign3A_66 = arith.cmpi slt, %jit3A, %sign3A_65 : i32
      %sign3A_67 = arith.extui %sign3A_66 : i1 to i32
      %sign3A_68 = arith.subi %sign3A_64, %sign3A_67 : i32
      %ne3A = arith.cmpi ne, %sign3A_61, %sign3A_68 : i32
      %rem3A = arith.remsi %scan3A_54, %jit3A : i32
      %ne3A_69 = arith.constant 0 : i32
      %ne3A_70 = arith.cmpi ne, %rem3A, %ne3A_69 : i32
      %and3A = arith.andi %ne3A, %ne3A_70 : i1
      %sub3A = arith.constant 1 : i32
      %sub3A_71 = arith.subi %div3A, %sub3A : i32
      %select_n3A = arith.select %and3A, %sub3A_71, %div3A : i32
      %jit3A_72 = arith.constant 8 : i32
      %eq3A = arith.constant 0 : i32
      %eq3A_73 = arith.cmpi eq, %jit3A_72, %eq3A : i32
      %jit3A_74 = arith.constant 1 : i32
      %select_n3A_75 = arith.select %eq3A_73, %jit3A_74, %jit3A_72 : i32
      %rem3A_76 = arith.remsi %scan3A_54, %select_n3A_75 : i32
      %ne3A_77 = arith.constant 0 : i32
      %ne3A_78 = arith.cmpi ne, %rem3A_76, %ne3A_77 : i32
      %lt3A = arith.constant 0 : i32
      %lt3A_79 = arith.cmpi slt, %rem3A_76, %lt3A : i32
      %lt3A_80 = arith.constant 0 : i32
      %lt3A_81 = arith.cmpi slt, %select_n3A_75, %lt3A_80 : i32
      %ne3A_82 = arith.xori %lt3A_79, %lt3A_81 : i1
      %and3A_83 = arith.andi %ne3A_82, %ne3A_78 : i1
      %add3A_84 = arith.addi %rem3A_76, %select_n3A_75 : i32
      %select_n3A_85 = arith.select %and3A_83, %add3A_84, %rem3A_76 : i32
      %mul3A_86 = arith.constant 16 : i32
      %mul3A_87 = arith.muli %select_n3A_85, %mul3A_86 : i32
      %swap3A = arith.index_cast %select_n3A : i32 to index
      %swap3A_88 = arith.index_cast %mul3A_87 : i32 to index
      %swap3A_89 = tpu.vector_load %arg10[%swap3A, %swap3A_88] {strides = array<i32>} : memref<125x128xf32, #tpu.memory_space<vmem>>, vector<1x16xf32>,
      %swap3A_90 = vector.shape_cast %swap3A_89 : vector<1x16xf32> to vector<16xf32>
      %swap3A_91 = vector.shape_cast %broadcast_in_dim3A_55 : vector<16xf32> to vector<1x16xf32>
      tpu.vector_store %arg10[%swap3A, %swap3A_88], %swap3A_91 {strides = array<i32>} : memref<125x128xf32, #tpu.memory_space<vmem>>, vector<1x16xf32>,
    }
    %scan3A_15 = arith.constant 1000 : i32
    %scan3A_16 = arith.constant 0 : i32
    %scan3A_17 = arith.constant 0 : i32
    %scan3A_18 = arith.constant 8 : i32
    %scan3A_19 = arith.addi %scan3A_17, %scan3A_18 : i32
    %scan3A_20 = arith.constant 1 : i32
    scf.for %scan3A_54 = %scan3A_17 to %scan3A_19 step %scan3A_20  : i32 {
      %mul3A_55 = arith.constant 624 : i32
      %mul3A_56 = arith.muli %arg1, %mul3A_55 : i32
      %mul3A_57 = arith.constant 80 : i32
      %mul3A_58 = arith.muli %scan3A_54, %mul3A_57 : i32
      %add3A_59 = arith.addi %mul3A_56, %mul3A_58 : i32
      "tpu.region"() ({
        %run_scoped3A = tpu.sem_alloc : memref<!tpu.dma_semaphore, #tpu.memory_space<semaphore_mem>>
        %dma_start3A_60 = arith.constant 0 : i32
        %dma_start3A_61 = arith.constant 0 : i32
        %dma_start3A_62 = tpu.memref_slice %arg10[%dma_start3A_60, %dma_start3A_61] : memref<125x128xf32, #tpu.memory_space<vmem>> -> memref<80x128xf32, #tpu.memory_space<vmem>>
        %dma_start3A_63 = arith.constant 0 : i32
        %dma_start3A_64 = tpu.memref_slice %arg6[%add3A_59, %dma_start3A_63] : memref<10000x128xf32, #tpu.memory_space<vmem_shared>> -> memref<80x128xf32, #tpu.memory_space<vmem_shared>>
        %dma_start3A_65 = arith.constant 0 : i32
        %dma_start3A_66 = tpu.memref_slice %arg6[%add3A_59, %dma_start3A_65] : memref<10000x128xf32, #tpu.memory_space<vmem_shared>> -> memref<80x128xf32, #tpu.memory_space<vmem_shared>>
        %dma_start3A_67 = arith.constant 0 : i32
        %dma_start3A_68 = arith.constant 0 : i32
        %dma_start3A_69 = tpu.memref_slice %arg10[%dma_start3A_67, %dma_start3A_68] : memref<125x128xf32, #tpu.memory_space<vmem>> -> memref<80x128xf32, #tpu.memory_space<vmem>>
        tpu.enqueue_dma source(%dma_start3A_69 : memref<80x128xf32, #tpu.memory_space<vmem>>) target(%dma_start3A_66 : memref<80x128xf32, #tpu.memory_space<vmem_shared>>) target_semaphore(%run_scoped3A : memref<!tpu.dma_semaphore, #tpu.memory_space<semaphore_mem>>)
        %dma_wait3A = arith.constant 0 : i32
        %dma_wait3A_70 = arith.constant 0 : i32
        %dma_wait3A_71 = tpu.memref_slice %arg10[%dma_wait3A, %dma_wait3A_70] : memref<125x128xf32, #tpu.memory_space<vmem>> -> memref<80x128xf32, #tpu.memory_space<vmem>>
        %dma_wait3A_72 = arith.constant 0 : i32
        %dma_wait3A_73 = tpu.memref_slice %arg6[%add3A_59, %dma_wait3A_72] : memref<10000x128xf32, #tpu.memory_space<vmem_shared>> -> memref<80x128xf32, #tpu.memory_space<vmem_shared>>
        %dma_wait3A_74 = arith.constant 0 : i32
        %dma_wait3A_75 = tpu.memref_slice %arg6[%add3A_59, %dma_wait3A_74] : memref<10000x128xf32, #tpu.memory_space<vmem_shared>> -> memref<80x128xf32, #tpu.memory_space<vmem_shared>>
        %dma_wait3A_76 = arith.constant 0 : i32
        %dma_wait3A_77 = arith.constant 0 : i32
        %dma_wait3A_78 = tpu.memref_slice %arg10[%dma_wait3A_76, %dma_wait3A_77] : memref<125x128xf32, #tpu.memory_space<vmem>> -> memref<80x128xf32, #tpu.memory_space<vmem>>
        tpu.wait_dma2 semaphore(%run_scoped3A : memref<!tpu.dma_semaphore, #tpu.memory_space<semaphore_mem>>) src(%dma_wait3A_78 : memref<80x128xf32, #tpu.memory_space<vmem>>) dst(%dma_wait3A_75 : memref<80x128xf32, #tpu.memory_space<vmem_shared>>)
        tpu.yield
      }) : () -> ()
    }
    %scan3A_21 = arith.constant 8 : i32
    %barrier3A = arith.constant 0 : index
    tpu.barrier barrier_id(%barrier3A)
    %scan3A_22 = arith.constant 0 : i32
    %scan3A_23 = arith.constant 0 : i32
    %scan3A_24 = arith.constant 20 : i32
    %scan3A_25 = arith.addi %scan3A_23, %scan3A_24 : i32
    %scan3A_26 = arith.constant 1 : i32
    scf.for %scan3A_54 = %scan3A_23 to %scan3A_25 step %scan3A_26  : i32 {
      %mul3A_55 = arith.constant 2 : i32
      %mul3A_56 = arith.muli %mul3A_55, %scan3A_54 : i32
      %mul3A_57 = arith.constant 2 : i32
      %mul3A_58 = arith.muli %mul3A_57, %scan3A_54 : i32
      %add3A_59 = arith.constant 1 : i32
      %add3A_60 = arith.addi %mul3A_58, %add3A_59 : i32
      %dma_start3A_61 = arith.constant 0 : i32
      %dma_start3A_62 = tpu.memref_slice %arg7[%add3A_60, %dma_start3A_61] : memref<40x125xi32, #tpu.memory_space<vmem>> -> memref<1x125xi32, #tpu.memory_space<vmem>>
      %dma_start3A_63 = tpu.memref_squeeze %dma_start3A_62 : memref<1x125xi32, #tpu.memory_space<vmem>> -> memref<125xi32, #tpu.memory_space<vmem>>
      %dma_start3A_64 = arith.constant 0 : i32
      %dma_start3A_65 = arith.constant 0 : i32
      %dma_start3A_66 = tpu.memref_slice %arg2[%dma_start3A_64, %dma_start3A_65] : memref<10000x128xf32, #tpu.memory_space<hbm>> -> memref<10000x128xf32, #tpu.memory_space<hbm>>
      tpu.enqueue_indirect_dma source(%dma_start3A_66 : memref<10000x128xf32, #tpu.memory_space<hbm>>) target(%arg10 : memref<125x128xf32, #tpu.memory_space<vmem>>) offsets(%dma_start3A_63 : memref<125xi32, #tpu.memory_space<vmem>>) semaphore(%arg12 : memref<!tpu.dma_semaphore, #tpu.memory_space<semaphore_mem>>)
      %dma_wait3A = arith.constant 0 : i32
      %dma_wait3A_67 = tpu.memref_slice %arg7[%mul3A_56, %dma_wait3A] : memref<40x125xi32, #tpu.memory_space<vmem>> -> memref<1x125xi32, #tpu.memory_space<vmem>>
      %dma_wait3A_68 = tpu.memref_squeeze %dma_wait3A_67 : memref<1x125xi32, #tpu.memory_space<vmem>> -> memref<125xi32, #tpu.memory_space<vmem>>
      %dma_wait3A_69 = arith.constant 0 : i32
      %dma_wait3A_70 = arith.constant 0 : i32
      %dma_wait3A_71 = tpu.memref_slice %arg2[%dma_wait3A_69, %dma_wait3A_70] : memref<10000x128xf32, #tpu.memory_space<hbm>> -> memref<10000x128xf32, #tpu.memory_space<hbm>>
      tpu.wait_indirect_dma semaphore(%arg11 : memref<!tpu.dma_semaphore, #tpu.memory_space<semaphore_mem>>) src(%dma_wait3A_71 : memref<10000x128xf32, #tpu.memory_space<hbm>>) dst(%arg9 : memref<125x128xf32, #tpu.memory_space<vmem>>)
      "tpu.region"() ({
        %run_scoped3A = tpu.sem_alloc : memref<!tpu.dma_semaphore, #tpu.memory_space<semaphore_mem>>
        %dma_start3A_80 = arith.constant 0 : i32
        %dma_start3A_81 = tpu.memref_slice %arg8[%mul3A_56, %dma_start3A_80] : memref<40x125xi32, #tpu.memory_space<vmem>> -> memref<1x125xi32, #tpu.memory_space<vmem>>
        %dma_start3A_82 = tpu.memref_squeeze %dma_start3A_81 : memref<1x125xi32, #tpu.memory_space<vmem>> -> memref<125xi32, #tpu.memory_space<vmem>>
        %dma_start3A_83 = arith.constant 0 : i32
        %dma_start3A_84 = arith.constant 0 : i32
        %dma_start3A_85 = tpu.memref_slice %arg6[%dma_start3A_83, %dma_start3A_84] : memref<10000x128xf32, #tpu.memory_space<vmem_shared>> -> memref<10000x128xf32, #tpu.memory_space<vmem_shared>>
        tpu.enqueue_indirect_dma source(%arg9 : memref<125x128xf32, #tpu.memory_space<vmem>>) target(%dma_start3A_85 : memref<10000x128xf32, #tpu.memory_space<vmem_shared>>) offsets(%dma_start3A_82 : memref<125xi32, #tpu.memory_space<vmem>>) semaphore(%run_scoped3A : memref<!tpu.dma_semaphore, #tpu.memory_space<semaphore_mem>>) {add = true}
        %dma_wait3A_86 = arith.constant 0 : i32
        %dma_wait3A_87 = tpu.memref_slice %arg8[%mul3A_56, %dma_wait3A_86] : memref<40x125xi32, #tpu.memory_space<vmem>> -> memref<1x125xi32, #tpu.memory_space<vmem>>
        %dma_wait3A_88 = tpu.memref_squeeze %dma_wait3A_87 : memref<1x125xi32, #tpu.memory_space<vmem>> -> memref<125xi32, #tpu.memory_space<vmem>>
        %dma_wait3A_89 = arith.constant 0 : i32
        %dma_wait3A_90 = arith.constant 0 : i32
        %dma_wait3A_91 = tpu.memref_slice %arg6[%dma_wait3A_89, %dma_wait3A_90] : memref<10000x128xf32, #tpu.memory_space<vmem_shared>> -> memref<10000x128xf32, #tpu.memory_space<vmem_shared>>
        tpu.wait_indirect_dma semaphore(%run_scoped3A : memref<!tpu.dma_semaphore, #tpu.memory_space<semaphore_mem>>) src(%arg9 : memref<125x128xf32, #tpu.memory_space<vmem>>) dst(%dma_wait3A_91 : memref<10000x128xf32, #tpu.memory_space<vmem_shared>>)
        tpu.yield
      }) : () -> ()
      %lt3A = arith.constant 19 : i32
      %lt3A_72 = arith.cmpi slt, %scan3A_54, %lt3A : i32
      %convert_element_type3A = arith.extui %lt3A_72 : i1 to i32
      %cond3A = arith.constant 0 : i32
      %cond3A_73 = arith.cmpi ne, %convert_element_type3A, %cond3A : i32
      scf.if %cond3A_73 {
        %add3A_80 = arith.constant 2 : i32
        %add3A_81 = arith.addi %mul3A_56, %add3A_80 : i32
        %dma_start3A_82 = arith.constant 0 : i32
        %dma_start3A_83 = tpu.memref_slice %arg7[%add3A_81, %dma_start3A_82] : memref<40x125xi32, #tpu.memory_space<vmem>> -> memref<1x125xi32, #tpu.memory_space<vmem>>
        %dma_start3A_84 = tpu.memref_squeeze %dma_start3A_83 : memref<1x125xi32, #tpu.memory_space<vmem>> -> memref<125xi32, #tpu.memory_space<vmem>>
        %dma_start3A_85 = arith.constant 0 : i32
        %dma_start3A_86 = arith.constant 0 : i32
        %dma_start3A_87 = tpu.memref_slice %arg2[%dma_start3A_85, %dma_start3A_86] : memref<10000x128xf32, #tpu.memory_space<hbm>> -> memref<10000x128xf32, #tpu.memory_space<hbm>>
        tpu.enqueue_indirect_dma source(%dma_start3A_87 : memref<10000x128xf32, #tpu.memory_space<hbm>>) target(%arg9 : memref<125x128xf32, #tpu.memory_space<vmem>>) offsets(%dma_start3A_84 : memref<125xi32, #tpu.memory_space<vmem>>) semaphore(%arg11 : memref<!tpu.dma_semaphore, #tpu.memory_space<semaphore_mem>>)
      } else {
      }
      %dma_wait3A_74 = arith.constant 0 : i32
      %dma_wait3A_75 = tpu.memref_slice %arg7[%add3A_60, %dma_wait3A_74] : memref<40x125xi32, #tpu.memory_space<vmem>> -> memref<1x125xi32, #tpu.memory_space<vmem>>
      %dma_wait3A_76 = tpu.memref_squeeze %dma_wait3A_75 : memref<1x125xi32, #tpu.memory_space<vmem>> -> memref<125xi32, #tpu.memory_space<vmem>>
      %dma_wait3A_77 = arith.constant 0 : i32
      %dma_wait3A_78 = arith.constant 0 : i32
      %dma_wait3A_79 = tpu.memref_slice %arg2[%dma_wait3A_77, %dma_wait3A_78] : memref<10000x128xf32, #tpu.memory_space<hbm>> -> memref<10000x128xf32, #tpu.memory_space<hbm>>
      tpu.wait_indirect_dma semaphore(%arg12 : memref<!tpu.dma_semaphore, #tpu.memory_space<semaphore_mem>>) src(%dma_wait3A_79 : memref<10000x128xf32, #tpu.memory_space<hbm>>) dst(%arg10 : memref<125x128xf32, #tpu.memory_space<vmem>>)
      "tpu.region"() ({
        %run_scoped3A = tpu.sem_alloc : memref<!tpu.dma_semaphore, #tpu.memory_space<semaphore_mem>>
        %dma_start3A_80 = arith.constant 0 : i32
        %dma_start3A_81 = tpu.memref_slice %arg8[%add3A_60, %dma_start3A_80] : memref<40x125xi32, #tpu.memory_space<vmem>> -> memref<1x125xi32, #tpu.memory_space<vmem>>
        %dma_start3A_82 = tpu.memref_squeeze %dma_start3A_81 : memref<1x125xi32, #tpu.memory_space<vmem>> -> memref<125xi32, #tpu.memory_space<vmem>>
        %dma_start3A_83 = arith.constant 0 : i32
        %dma_start3A_84 = arith.constant 0 : i32
        %dma_start3A_85 = tpu.memref_slice %arg6[%dma_start3A_83, %dma_start3A_84] : memref<10000x128xf32, #tpu.memory_space<vmem_shared>> -> memref<10000x128xf32, #tpu.memory_space<vmem_shared>>
        tpu.enqueue_indirect_dma source(%arg10 : memref<125x128xf32, #tpu.memory_space<vmem>>) target(%dma_start3A_85 : memref<10000x128xf32, #tpu.memory_space<vmem_shared>>) offsets(%dma_start3A_82 : memref<125xi32, #tpu.memory_space<vmem>>) semaphore(%run_scoped3A : memref<!tpu.dma_semaphore, #tpu.memory_space<semaphore_mem>>) {add = true}
        %dma_wait3A_86 = arith.constant 0 : i32
        %dma_wait3A_87 = tpu.memref_slice %arg8[%add3A_60, %dma_wait3A_86] : memref<40x125xi32, #tpu.memory_space<vmem>> -> memref<1x125xi32, #tpu.memory_space<vmem>>
        %dma_wait3A_88 = tpu.memref_squeeze %dma_wait3A_87 : memref<1x125xi32, #tpu.memory_space<vmem>> -> memref<125xi32, #tpu.memory_space<vmem>>
        %dma_wait3A_89 = arith.constant 0 : i32
        %dma_wait3A_90 = arith.constant 0 : i32
        %dma_wait3A_91 = tpu.memref_slice %arg6[%dma_wait3A_89, %dma_wait3A_90] : memref<10000x128xf32, #tpu.memory_space<vmem_shared>> -> memref<10000x128xf32, #tpu.memory_space<vmem_shared>>
        tpu.wait_indirect_dma semaphore(%run_scoped3A : memref<!tpu.dma_semaphore, #tpu.memory_space<semaphore_mem>>) src(%arg10 : memref<125x128xf32, #tpu.memory_space<vmem>>) dst(%dma_wait3A_91 : memref<10000x128xf32, #tpu.memory_space<vmem_shared>>)
        tpu.yield
      }) : () -> ()
    }
    %scan3A_27 = arith.constant 20 : i32
    %mul3A_28 = arith.constant 80 : i32
    %mul3A_29 = arith.muli %add3A, %mul3A_28 : i32
    %add3A_30 = arith.constant 40 : i32
    %add3A_31 = arith.addi %mul3A_29, %add3A_30 : i32
    "tpu.region"() ({
      %run_scoped3A = tpu.sem_alloc : memref<!tpu.dma_semaphore, #tpu.memory_space<semaphore_mem>>
      %dma_start3A_54 = arith.constant 0 : i32
      %dma_start3A_55 = tpu.memref_slice %arg3[%add3A_31, %dma_start3A_54] : memref<2560x125xi32, #tpu.memory_space<hbm>> -> memref<40x125xi32, #tpu.memory_space<hbm>>
      %dma_start3A_56 = arith.constant 0 : i32
      %dma_start3A_57 = tpu.memref_slice %arg3[%add3A_31, %dma_start3A_56] : memref<2560x125xi32, #tpu.memory_space<hbm>> -> memref<40x125xi32, #tpu.memory_space<hbm>>
      tpu.enqueue_dma source(%dma_start3A_57 : memref<40x125xi32, #tpu.memory_space<hbm>>) target(%arg7 : memref<40x125xi32, #tpu.memory_space<vmem>>) target_semaphore(%run_scoped3A : memref<!tpu.dma_semaphore, #tpu.memory_space<semaphore_mem>>)
      %dma_wait3A = arith.constant 0 : i32
      %dma_wait3A_58 = tpu.memref_slice %arg3[%add3A_31, %dma_wait3A] : memref<2560x125xi32, #tpu.memory_space<hbm>> -> memref<40x125xi32, #tpu.memory_space<hbm>>
      %dma_wait3A_59 = arith.constant 0 : i32
      %dma_wait3A_60 = tpu.memref_slice %arg3[%add3A_31, %dma_wait3A_59] : memref<2560x125xi32, #tpu.memory_space<hbm>> -> memref<40x125xi32, #tpu.memory_space<hbm>>
      tpu.wait_dma2 semaphore(%run_scoped3A : memref<!tpu.dma_semaphore, #tpu.memory_space<semaphore_mem>>) src(%dma_wait3A_60 : memref<40x125xi32, #tpu.memory_space<hbm>>) dst(%arg7 : memref<40x125xi32, #tpu.memory_space<vmem>>)
      tpu.yield
    }) : () -> ()
    %mul3A_32 = arith.constant 80 : i32
    %mul3A_33 = arith.muli %add3A, %mul3A_32 : i32
    %add3A_34 = arith.constant 40 : i32
    %add3A_35 = arith.addi %mul3A_33, %add3A_34 : i32
    "tpu.region"() ({
      %run_scoped3A = tpu.sem_alloc : memref<!tpu.dma_semaphore, #tpu.memory_space<semaphore_mem>>
      %dma_start3A_54 = arith.constant 0 : i32
      %dma_start3A_55 = tpu.memref_slice %arg4[%add3A_35, %dma_start3A_54] : memref<2560x125xi32, #tpu.memory_space<hbm>> -> memref<40x125xi32, #tpu.memory_space<hbm>>
      %dma_start3A_56 = arith.constant 0 : i32
      %dma_start3A_57 = tpu.memref_slice %arg4[%add3A_35, %dma_start3A_56] : memref<2560x125xi32, #tpu.memory_space<hbm>> -> memref<40x125xi32, #tpu.memory_space<hbm>>
      tpu.enqueue_dma source(%dma_start3A_57 : memref<40x125xi32, #tpu.memory_space<hbm>>) target(%arg8 : memref<40x125xi32, #tpu.memory_space<vmem>>) target_semaphore(%run_scoped3A : memref<!tpu.dma_semaphore, #tpu.memory_space<semaphore_mem>>)
      %dma_wait3A = arith.constant 0 : i32
      %dma_wait3A_58 = tpu.memref_slice %arg4[%add3A_35, %dma_wait3A] : memref<2560x125xi32, #tpu.memory_space<hbm>> -> memref<40x125xi32, #tpu.memory_space<hbm>>
      %dma_wait3A_59 = arith.constant 0 : i32
      %dma_wait3A_60 = tpu.memref_slice %arg4[%add3A_35, %dma_wait3A_59] : memref<2560x125xi32, #tpu.memory_space<hbm>> -> memref<40x125xi32, #tpu.memory_space<hbm>>
      tpu.wait_dma2 semaphore(%run_scoped3A : memref<!tpu.dma_semaphore, #tpu.memory_space<semaphore_mem>>) src(%dma_wait3A_60 : memref<40x125xi32, #tpu.memory_space<hbm>>) dst(%arg8 : memref<40x125xi32, #tpu.memory_space<vmem>>)
      tpu.yield
    }) : () -> ()
    %dma_start3A_36 = arith.constant 0 : i32
    %dma_start3A_37 = arith.constant 0 : i32
    %dma_start3A_38 = tpu.memref_slice %arg7[%dma_start3A_36, %dma_start3A_37] : memref<40x125xi32, #tpu.memory_space<vmem>> -> memref<1x125xi32, #tpu.memory_space<vmem>>
    %dma_start3A_39 = tpu.memref_squeeze %dma_start3A_38 : memref<1x125xi32, #tpu.memory_space<vmem>> -> memref<125xi32, #tpu.memory_space<vmem>>
    %dma_start3A_40 = arith.constant 0 : i32
    %dma_start3A_41 = arith.constant 0 : i32
    %dma_start3A_42 = tpu.memref_slice %arg2[%dma_start3A_40, %dma_start3A_41] : memref<10000x128xf32, #tpu.memory_space<hbm>> -> memref<10000x128xf32, #tpu.memory_space<hbm>>
    tpu.enqueue_indirect_dma source(%dma_start3A_42 : memref<10000x128xf32, #tpu.memory_space<hbm>>) target(%arg9 : memref<125x128xf32, #tpu.memory_space<vmem>>) offsets(%dma_start3A_39 : memref<125xi32, #tpu.memory_space<vmem>>) semaphore(%arg11 : memref<!tpu.dma_semaphore, #tpu.memory_space<semaphore_mem>>)
    %scan3A_43 = arith.constant 0 : i32
    %scan3A_44 = arith.constant 0 : i32
    %scan3A_45 = arith.constant 20 : i32
    %scan3A_46 = arith.addi %scan3A_44, %scan3A_45 : i32
    %scan3A_47 = arith.constant 1 : i32
    scf.for %scan3A_54 = %scan3A_44 to %scan3A_46 step %scan3A_47  : i32 {
      %mul3A_55 = arith.constant 2 : i32
      %mul3A_56 = arith.muli %mul3A_55, %scan3A_54 : i32
      %mul3A_57 = arith.constant 2 : i32
      %mul3A_58 = arith.muli %mul3A_57, %scan3A_54 : i32
      %add3A_59 = arith.constant 1 : i32
      %add3A_60 = arith.addi %mul3A_58, %add3A_59 : i32
      %dma_start3A_61 = arith.constant 0 : i32
      %dma_start3A_62 = tpu.memref_slice %arg7[%add3A_60, %dma_start3A_61] : memref<40x125xi32, #tpu.memory_space<vmem>> -> memref<1x125xi32, #tpu.memory_space<vmem>>
      %dma_start3A_63 = tpu.memref_squeeze %dma_start3A_62 : memref<1x125xi32, #tpu.memory_space<vmem>> -> memref<125xi32, #tpu.memory_space<vmem>>
      %dma_start3A_64 = arith.constant 0 : i32
      %dma_start3A_65 = arith.constant 0 : i32
      %dma_start3A_66 = tpu.memref_slice %arg2[%dma_start3A_64, %dma_start3A_65] : memref<10000x128xf32, #tpu.memory_space<hbm>> -> memref<10000x128xf32, #tpu.memory_space<hbm>>
      tpu.enqueue_indirect_dma source(%dma_start3A_66 : memref<10000x128xf32, #tpu.memory_space<hbm>>) target(%arg10 : memref<125x128xf32, #tpu.memory_space<vmem>>) offsets(%dma_start3A_63 : memref<125xi32, #tpu.memory_space<vmem>>) semaphore(%arg12 : memref<!tpu.dma_semaphore, #tpu.memory_space<semaphore_mem>>)
      %dma_wait3A = arith.constant 0 : i32
      %dma_wait3A_67 = tpu.memref_slice %arg7[%mul3A_56, %dma_wait3A] : memref<40x125xi32, #tpu.memory_space<vmem>> -> memref<1x125xi32, #tpu.memory_space<vmem>>
      %dma_wait3A_68 = tpu.memref_squeeze %dma_wait3A_67 : memref<1x125xi32, #tpu.memory_space<vmem>> -> memref<125xi32, #tpu.memory_space<vmem>>
      %dma_wait3A_69 = arith.constant 0 : i32
      %dma_wait3A_70 = arith.constant 0 : i32
      %dma_wait3A_71 = tpu.memref_slice %arg2[%dma_wait3A_69, %dma_wait3A_70] : memref<10000x128xf32, #tpu.memory_space<hbm>> -> memref<10000x128xf32, #tpu.memory_space<hbm>>
      tpu.wait_indirect_dma semaphore(%arg11 : memref<!tpu.dma_semaphore, #tpu.memory_space<semaphore_mem>>) src(%dma_wait3A_71 : memref<10000x128xf32, #tpu.memory_space<hbm>>) dst(%arg9 : memref<125x128xf32, #tpu.memory_space<vmem>>)
      "tpu.region"() ({
        %run_scoped3A = tpu.sem_alloc : memref<!tpu.dma_semaphore, #tpu.memory_space<semaphore_mem>>
        %dma_start3A_80 = arith.constant 0 : i32
        %dma_start3A_81 = tpu.memref_slice %arg8[%mul3A_56, %dma_start3A_80] : memref<40x125xi32, #tpu.memory_space<vmem>> -> memref<1x125xi32, #tpu.memory_space<vmem>>
        %dma_start3A_82 = tpu.memref_squeeze %dma_start3A_81 : memref<1x125xi32, #tpu.memory_space<vmem>> -> memref<125xi32, #tpu.memory_space<vmem>>
        %dma_start3A_83 = arith.constant 0 : i32
        %dma_start3A_84 = arith.constant 0 : i32
        %dma_start3A_85 = tpu.memref_slice %arg6[%dma_start3A_83, %dma_start3A_84] : memref<10000x128xf32, #tpu.memory_space<vmem_shared>> -> memref<10000x128xf32, #tpu.memory_space<vmem_shared>>
        tpu.enqueue_indirect_dma source(%arg9 : memref<125x128xf32, #tpu.memory_space<vmem>>) target(%dma_start3A_85 : memref<10000x128xf32, #tpu.memory_space<vmem_shared>>) offsets(%dma_start3A_82 : memref<125xi32, #tpu.memory_space<vmem>>) semaphore(%run_scoped3A : memref<!tpu.dma_semaphore, #tpu.memory_space<semaphore_mem>>) {add = true}
        %dma_wait3A_86 = arith.constant 0 : i32
        %dma_wait3A_87 = tpu.memref_slice %arg8[%mul3A_56, %dma_wait3A_86] : memref<40x125xi32, #tpu.memory_space<vmem>> -> memref<1x125xi32, #tpu.memory_space<vmem>>
        %dma_wait3A_88 = tpu.memref_squeeze %dma_wait3A_87 : memref<1x125xi32, #tpu.memory_space<vmem>> -> memref<125xi32, #tpu.memory_space<vmem>>
        %dma_wait3A_89 = arith.constant 0 : i32
        %dma_wait3A_90 = arith.constant 0 : i32
        %dma_wait3A_91 = tpu.memref_slice %arg6[%dma_wait3A_89, %dma_wait3A_90] : memref<10000x128xf32, #tpu.memory_space<vmem_shared>> -> memref<10000x128xf32, #tpu.memory_space<vmem_shared>>
        tpu.wait_indirect_dma semaphore(%run_scoped3A : memref<!tpu.dma_semaphore, #tpu.memory_space<semaphore_mem>>) src(%arg9 : memref<125x128xf32, #tpu.memory_space<vmem>>) dst(%dma_wait3A_91 : memref<10000x128xf32, #tpu.memory_space<vmem_shared>>)
        tpu.yield
      }) : () -> ()
      %lt3A = arith.constant 19 : i32
      %lt3A_72 = arith.cmpi slt, %scan3A_54, %lt3A : i32
      %convert_element_type3A = arith.extui %lt3A_72 : i1 to i32
      %cond3A = arith.constant 0 : i32
      %cond3A_73 = arith.cmpi ne, %convert_element_type3A, %cond3A : i32
      scf.if %cond3A_73 {
        %add3A_80 = arith.constant 2 : i32
        %add3A_81 = arith.addi %mul3A_56, %add3A_80 : i32
        %dma_start3A_82 = arith.constant 0 : i32
        %dma_start3A_83 = tpu.memref_slice %arg7[%add3A_81, %dma_start3A_82] : memref<40x125xi32, #tpu.memory_space<vmem>> -> memref<1x125xi32, #tpu.memory_space<vmem>>
        %dma_start3A_84 = tpu.memref_squeeze %dma_start3A_83 : memref<1x125xi32, #tpu.memory_space<vmem>> -> memref<125xi32, #tpu.memory_space<vmem>>
        %dma_start3A_85 = arith.constant 0 : i32
        %dma_start3A_86 = arith.constant 0 : i32
        %dma_start3A_87 = tpu.memref_slice %arg2[%dma_start3A_85, %dma_start3A_86] : memref<10000x128xf32, #tpu.memory_space<hbm>> -> memref<10000x128xf32, #tpu.memory_space<hbm>>
        tpu.enqueue_indirect_dma source(%dma_start3A_87 : memref<10000x128xf32, #tpu.memory_space<hbm>>) target(%arg9 : memref<125x128xf32, #tpu.memory_space<vmem>>) offsets(%dma_start3A_84 : memref<125xi32, #tpu.memory_space<vmem>>) semaphore(%arg11 : memref<!tpu.dma_semaphore, #tpu.memory_space<semaphore_mem>>)
      } else {
      }
      %dma_wait3A_74 = arith.constant 0 : i32
      %dma_wait3A_75 = tpu.memref_slice %arg7[%add3A_60, %dma_wait3A_74] : memref<40x125xi32, #tpu.memory_space<vmem>> -> memref<1x125xi32, #tpu.memory_space<vmem>>
      %dma_wait3A_76 = tpu.memref_squeeze %dma_wait3A_75 : memref<1x125xi32, #tpu.memory_space<vmem>> -> memref<125xi32, #tpu.memory_space<vmem>>
      %dma_wait3A_77 = arith.constant 0 : i32
      %dma_wait3A_78 = arith.constant 0 : i32
      %dma_wait3A_79 = tpu.memref_slice %arg2[%dma_wait3A_77, %dma_wait3A_78] : memref<10000x128xf32, #tpu.memory_space<hbm>> -> memref<10000x128xf32, #tpu.memory_space<hbm>>
      tpu.wait_indirect_dma semaphore(%arg12 : memref<!tpu.dma_semaphore, #tpu.memory_space<semaphore_mem>>) src(%dma_wait3A_79 : memref<10000x128xf32, #tpu.memory_space<hbm>>) dst(%arg10 : memref<125x128xf32, #tpu.memory_space<vmem>>)
      "tpu.region"() ({
        %run_scoped3A = tpu.sem_alloc : memref<!tpu.dma_semaphore, #tpu.memory_space<semaphore_mem>>
        %dma_start3A_80 = arith.constant 0 : i32
        %dma_start3A_81 = tpu.memref_slice %arg8[%add3A_60, %dma_start3A_80] : memref<40x125xi32, #tpu.memory_space<vmem>> -> memref<1x125xi32, #tpu.memory_space<vmem>>
        %dma_start3A_82 = tpu.memref_squeeze %dma_start3A_81 : memref<1x125xi32, #tpu.memory_space<vmem>> -> memref<125xi32, #tpu.memory_space<vmem>>
        %dma_start3A_83 = arith.constant 0 : i32
        %dma_start3A_84 = arith.constant 0 : i32
        %dma_start3A_85 = tpu.memref_slice %arg6[%dma_start3A_83, %dma_start3A_84] : memref<10000x128xf32, #tpu.memory_space<vmem_shared>> -> memref<10000x128xf32, #tpu.memory_space<vmem_shared>>
        tpu.enqueue_indirect_dma source(%arg10 : memref<125x128xf32, #tpu.memory_space<vmem>>) target(%dma_start3A_85 : memref<10000x128xf32, #tpu.memory_space<vmem_shared>>) offsets(%dma_start3A_82 : memref<125xi32, #tpu.memory_space<vmem>>) semaphore(%run_scoped3A : memref<!tpu.dma_semaphore, #tpu.memory_space<semaphore_mem>>) {add = true}
        %dma_wait3A_86 = arith.constant 0 : i32
        %dma_wait3A_87 = tpu.memref_slice %arg8[%add3A_60, %dma_wait3A_86] : memref<40x125xi32, #tpu.memory_space<vmem>> -> memref<1x125xi32, #tpu.memory_space<vmem>>
        %dma_wait3A_88 = tpu.memref_squeeze %dma_wait3A_87 : memref<1x125xi32, #tpu.memory_space<vmem>> -> memref<125xi32, #tpu.memory_space<vmem>>
        %dma_wait3A_89 = arith.constant 0 : i32
        %dma_wait3A_90 = arith.constant 0 : i32
        %dma_wait3A_91 = tpu.memref_slice %arg6[%dma_wait3A_89, %dma_wait3A_90] : memref<10000x128xf32, #tpu.memory_space<vmem_shared>> -> memref<10000x128xf32, #tpu.memory_space<vmem_shared>>
        tpu.wait_indirect_dma semaphore(%run_scoped3A : memref<!tpu.dma_semaphore, #tpu.memory_space<semaphore_mem>>) src(%arg10 : memref<125x128xf32, #tpu.memory_space<vmem>>) dst(%dma_wait3A_91 : memref<10000x128xf32, #tpu.memory_space<vmem_shared>>)
        tpu.yield
      }) : () -> ()
    }
    %scan3A_48 = arith.constant 20 : i32
    %barrier3A_49 = arith.constant 0 : index
    tpu.barrier barrier_id(%barrier3A_49)
    %mul3A_50 = arith.constant 624 : i32
    %mul3A_51 = arith.muli %arg1, %mul3A_50 : i32
    %mul3A_52 = arith.constant 624 : i32
    %mul3A_53 = arith.muli %arg1, %mul3A_52 : i32
    "tpu.region"() ({
      %run_scoped3A = tpu.sem_alloc : memref<!tpu.dma_semaphore, #tpu.memory_space<semaphore_mem>>
      %dma_start3A_54 = arith.constant 0 : i32
      %dma_start3A_55 = tpu.memref_slice %arg5[%arg0, %mul3A_53, %dma_start3A_54] : memref<2x10000x128xf32, #tpu.memory_space<hbm>> -> memref<1x640x128xf32, #tpu.memory_space<hbm>>
      %dma_start3A_56 = tpu.memref_squeeze %dma_start3A_55 : memref<1x640x128xf32, #tpu.memory_space<hbm>> -> memref<640x128xf32, #tpu.memory_space<hbm>>
      %dma_start3A_57 = arith.constant 0 : i32
      %dma_start3A_58 = tpu.memref_slice %arg6[%mul3A_51, %dma_start3A_57] : memref<10000x128xf32, #tpu.memory_space<vmem_shared>> -> memref<640x128xf32, #tpu.memory_space<vmem_shared>>
      tpu.enqueue_dma source(%dma_start3A_58 : memref<640x128xf32, #tpu.memory_space<vmem_shared>>) target(%dma_start3A_56 : memref<640x128xf32, #tpu.memory_space<hbm>>) target_semaphore(%run_scoped3A : memref<!tpu.dma_semaphore, #tpu.memory_space<semaphore_mem>>)
      %dma_wait3A = arith.constant 0 : i32
      %dma_wait3A_59 = tpu.memref_slice %arg5[%arg0, %mul3A_53, %dma_wait3A] : memref<2x10000x128xf32, #tpu.memory_space<hbm>> -> memref<1x640x128xf32, #tpu.memory_space<hbm>>
      %dma_wait3A_60 = tpu.memref_squeeze %dma_wait3A_59 : memref<1x640x128xf32, #tpu.memory_space<hbm>> -> memref<640x128xf32, #tpu.memory_space<hbm>>
      %dma_wait3A_61 = arith.constant 0 : i32
      %dma_wait3A_62 = tpu.memref_slice %arg6[%mul3A_51, %dma_wait3A_61] : memref<10000x128xf32, #tpu.memory_space<vmem_shared>> -> memref<640x128xf32, #tpu.memory_space<vmem_shared>>
      tpu.wait_dma2 semaphore(%run_scoped3A : memref<!tpu.dma_semaphore, #tpu.memory_space<semaphore_mem>>) src(%dma_wait3A_62 : memref<640x128xf32, #tpu.memory_space<vmem_shared>>) dst(%dma_wait3A_60 : memref<640x128xf32, #tpu.memory_space<hbm>>)
      tpu.yield
    }) : () -> ()
    return
  }
}

#map = affine_map<(d0, d1) -> (0, 0)>
#map1 = affine_map<(d0, d1) -> (0, 0, 0)>
module attributes {stable_mosaic.version = 14 : i64} {
  func.func @_hop_call(%arg0: i32, %arg1: i32, %arg2: memref<10000x128xf32, #tpu.memory_space<hbm>>, %arg3: memref<2560x125xi32, #tpu.memory_space<hbm>>, %arg4: memref<2560x125xi32, #tpu.memory_space<hbm>>, %arg5: memref<2x10000x128xf32, #tpu.memory_space<hbm>>, %arg6: memref<10000x128xf32, #tpu.memory_space<vmem_shared>>, %arg7: memref<40x125xi32, #tpu.memory_space<vmem>>, %arg8: memref<40x125xi32, #tpu.memory_space<vmem>>, %arg9: memref<125x128xf32, #tpu.memory_space<vmem>>, %arg10: memref<125x128xf32, #tpu.memory_space<vmem>>, %arg11: memref<!tpu.dma_semaphore, #tpu.memory_space<semaphore_mem>>, %arg12: memref<!tpu.dma_semaphore, #tpu.memory_space<semaphore_mem>>) attributes {dimension_semantics = [#tpu.dimension_semantics<core_parallel>, #tpu.dimension_semantics<subcore_parallel>], iteration_bounds = array<i64: 2, 16>, scalar_prefetch = 0 : i64, scratch_operands = 7 : i64, tpu.core_type = #tpu.core_type<sc_vector_subcore>, window_params = [{transform_indices = #map}, {transform_indices = #map}, {transform_indices = #map}, {transform_indices = #map1}]} {
    %mul3A = arith.constant 16 : i32
    %mul3A_0 = arith.muli %arg0, %mul3A : i32
    %add3A = arith.addi %mul3A_0, %arg1 : i32
    %mul3A_1 = arith.constant 80 : i32
    %mul3A_2 = arith.muli %add3A, %mul3A_1 : i32
    "tpu.region"() ({
      %run_scoped3A = tpu.sem_alloc : memref<!tpu.dma_semaphore, #tpu.memory_space<semaphore_mem>>
      %dma_start3A_54 = arith.constant 0 : i32
      %dma_start3A_55 = tpu.memref_slice %arg3[%mul3A_2, %dma_start3A_54] : memref<2560x125xi32, #tpu.memory_space<hbm>> -> memref<40x125xi32, #tpu.memory_space<hbm>>
      %dma_start3A_56 = arith.constant 0 : i32
      %dma_start3A_57 = tpu.memref_slice %arg3[%mul3A_2, %dma_start3A_56] : memref<2560x125xi32, #tpu.memory_space<hbm>> -> memref<40x125xi32, #tpu.memory_space<hbm>>
      tpu.enqueue_dma source(%dma_start3A_57 : memref<40x125xi32, #tpu.memory_space<hbm>>) target(%arg7 : memref<40x125xi32, #tpu.memory_space<vmem>>) target_semaphore(%run_scoped3A : memref<!tpu.dma_semaphore, #tpu.memory_space<semaphore_mem>>)
      %dma_wait3A = arith.constant 0 : i32
      %dma_wait3A_58 = tpu.memref_slice %arg3[%mul3A_2, %dma_wait3A] : memref<2560x125xi32, #tpu.memory_space<hbm>> -> memref<40x125xi32, #tpu.memory_space<hbm>>
      %dma_wait3A_59 = arith.constant 0 : i32
      %dma_wait3A_60 = tpu.memref_slice %arg3[%mul3A_2, %dma_wait3A_59] : memref<2560x125xi32, #tpu.memory_space<hbm>> -> memref<40x125xi32, #tpu.memory_space<hbm>>
      tpu.wait_dma2 semaphore(%run_scoped3A : memref<!tpu.dma_semaphore, #tpu.memory_space<semaphore_mem>>) src(%dma_wait3A_60 : memref<40x125xi32, #tpu.memory_space<hbm>>) dst(%arg7 : memref<40x125xi32, #tpu.memory_space<vmem>>)
      tpu.yield
    }) : () -> ()
    %mul3A_3 = arith.constant 80 : i32
    %mul3A_4 = arith.muli %add3A, %mul3A_3 : i32
    "tpu.region"() ({
      %run_scoped3A = tpu.sem_alloc : memref<!tpu.dma_semaphore, #tpu.memory_space<semaphore_mem>>
      %dma_start3A_54 = arith.constant 0 : i32
      %dma_start3A_55 = tpu.memref_slice %arg4[%mul3A_4, %dma_start3A_54] : memref<2560x125xi32, #tpu.memory_space<hbm>> -> memref<40x125xi32, #tpu.memory_space<hbm>>
      %dma_start3A_56 = arith.constant 0 : i32
      %dma_start3A_57 = tpu.memref_slice %arg4[%mul3A_4, %dma_start3A_56] : memref<2560x125xi32, #tpu.memory_space<hbm>> -> memref<40x125xi32, #tpu.memory_space<hbm>>
      tpu.enqueue_dma source(%dma_start3A_57 : memref<40x125xi32, #tpu.memory_space<hbm>>) target(%arg8 : memref<40x125xi32, #tpu.memory_space<vmem>>) target_semaphore(%run_scoped3A : memref<!tpu.dma_semaphore, #tpu.memory_space<semaphore_mem>>)
      %dma_wait3A = arith.constant 0 : i32
      %dma_wait3A_58 = tpu.memref_slice %arg4[%mul3A_4, %dma_wait3A] : memref<2560x125xi32, #tpu.memory_space<hbm>> -> memref<40x125xi32, #tpu.memory_space<hbm>>
      %dma_wait3A_59 = arith.constant 0 : i32
      %dma_wait3A_60 = tpu.memref_slice %arg4[%mul3A_4, %dma_wait3A_59] : memref<2560x125xi32, #tpu.memory_space<hbm>> -> memref<40x125xi32, #tpu.memory_space<hbm>>
      tpu.wait_dma2 semaphore(%run_scoped3A : memref<!tpu.dma_semaphore, #tpu.memory_space<semaphore_mem>>) src(%dma_wait3A_60 : memref<40x125xi32, #tpu.memory_space<hbm>>) dst(%arg8 : memref<40x125xi32, #tpu.memory_space<vmem>>)
      tpu.yield
    }) : () -> ()
    %dma_start3A = arith.constant 0 : i32
    %dma_start3A_5 = arith.constant 0 : i32
    %dma_start3A_6 = tpu.memref_slice %arg7[%dma_start3A, %dma_start3A_5] : memref<40x125xi32, #tpu.memory_space<vmem>> -> memref<1x125xi32, #tpu.memory_space<vmem>>
    %dma_start3A_7 = tpu.memref_squeeze %dma_start3A_6 : memref<1x125xi32, #tpu.memory_space<vmem>> -> memref<125xi32, #tpu.memory_space<vmem>>
    %dma_start3A_8 = arith.constant 0 : i32
    %dma_start3A_9 = arith.constant 0 : i32
    %dma_start3A_10 = tpu.memref_slice %arg2[%dma_start3A_8, %dma_start3A_9] : memref<10000x128xf32, #tpu.memory_space<hbm>> -> memref<10000x128xf32, #tpu.memory_space<hbm>>
    tpu.enqueue_indirect_dma source(%dma_start3A_10 : memref<10000x128xf32, #tpu.memory_space<hbm>>) target(%arg9 : memref<125x128xf32, #tpu.memory_space<vmem>>) offsets(%dma_start3A_7 : memref<125xi32, #tpu.memory_space<vmem>>) semaphore(%arg11 : memref<!tpu.dma_semaphore, #tpu.memory_space<semaphore_mem>>)
    %scan3A = arith.constant 0 : i32
    %scan3A_11 = arith.constant 0 : i32
    %scan3A_12 = arith.constant 1000 : i32
    %scan3A_13 = arith.addi %scan3A_11, %scan3A_12 : i32
    %scan3A_14 = arith.constant 1 : i32
    scf.for %scan3A_54 = %scan3A_11 to %scan3A_13 step %scan3A_14  : i32 {
      %broadcast_in_dim3A = arith.constant 0.000000e+00 : f32
      %broadcast_in_dim3A_55 = vector.broadcast %broadcast_in_dim3A : f32 to vector<16xf32>
      %jit3A = arith.constant 8 : i32
      %div3A = arith.divsi %scan3A_54, %jit3A : i32
      %sign3A = arith.constant 0 : i32
      %sign3A_56 = arith.cmpi sgt, %scan3A_54, %sign3A : i32
      %sign3A_57 = arith.extui %sign3A_56 : i1 to i32
      %sign3A_58 = arith.constant 0 : i32
      %sign3A_59 = arith.cmpi slt, %scan3A_54, %sign3A_58 : i32
      %sign3A_60 = arith.extui %sign3A_59 : i1 to i32
      %sign3A_61 = arith.subi %sign3A_57, %sign3A_60 : i32
      %sign3A_62 = arith.constant 0 : i32
      %sign3A_63 = arith.cmpi sgt, %jit3A, %sign3A_62 : i32
      %sign3A_64 = arith.extui %sign3A_63 : i1 to i32
      %sign3A_65 = arith.constant 0 : i32
      %sign3A_66 = arith.cmpi slt, %jit3A, %sign3A_65 : i32
      %sign3A_67 = arith.extui %sign3A_66 : i1 to i32
      %sign3A_68 = arith.subi %sign3A_64, %sign3A_67 : i32
      %ne3A = arith.cmpi ne, %sign3A_61, %sign3A_68 : i32
      %rem3A = arith.remsi %scan3A_54, %jit3A : i32
      %ne3A_69 = arith.constant 0 : i32
      %ne3A_70 = arith.cmpi ne, %rem3A, %ne3A_69 : i32
      %and3A = arith.andi %ne3A, %ne3A_70 : i1
      %sub3A = arith.constant 1 : i32
      %sub3A_71 = arith.subi %div3A, %sub3A : i32
      %select_n3A = arith.select %and3A, %sub3A_71, %div3A : i32
      %jit3A_72 = arith.constant 8 : i32
      %eq3A = arith.constant 0 : i32
      %eq3A_73 = arith.cmpi eq, %jit3A_72, %eq3A : i32
      %jit3A_74 = arith.constant 1 : i32
      %select_n3A_75 = arith.select %eq3A_73, %jit3A_74, %jit3A_72 : i32
      %rem3A_76 = arith.remsi %scan3A_54, %select_n3A_75 : i32
      %ne3A_77 = arith.constant 0 : i32
      %ne3A_78 = arith.cmpi ne, %rem3A_76, %ne3A_77 : i32
      %lt3A = arith.constant 0 : i32
      %lt3A_79 = arith.cmpi slt, %rem3A_76, %lt3A : i32
      %lt3A_80 = arith.constant 0 : i32
      %lt3A_81 = arith.cmpi slt, %select_n3A_75, %lt3A_80 : i32
      %ne3A_82 = arith.xori %lt3A_79, %lt3A_81 : i1
      %and3A_83 = arith.andi %ne3A_82, %ne3A_78 : i1
      %add3A_84 = arith.addi %rem3A_76, %select_n3A_75 : i32
      %select_n3A_85 = arith.select %and3A_83, %add3A_84, %rem3A_76 : i32
      %mul3A_86 = arith.constant 16 : i32
      %mul3A_87 = arith.muli %select_n3A_85, %mul3A_86 : i32
      %swap3A = arith.index_cast %select_n3A : i32 to index
      %swap3A_88 = arith.index_cast %mul3A_87 : i32 to index
      %swap3A_89 = tpu.vector_load %arg10[%swap3A, %swap3A_88] {strides = array<i32>} : memref<125x128xf32, #tpu.memory_space<vmem>>, vector<1x16xf32>,
      %swap3A_90 = vector.shape_cast %swap3A_89 : vector<1x16xf32> to vector<16xf32>
      %swap3A_91 = vector.shape_cast %broadcast_in_dim3A_55 : vector<16xf32> to vector<1x16xf32>
      tpu.vector_store %arg10[%swap3A, %swap3A_88], %swap3A_91 {strides = array<i32>} : memref<125x128xf32, #tpu.memory_space<vmem>>, vector<1x16xf32>,
    }
    %scan3A_15 = arith.constant 1000 : i32
    %scan3A_16 = arith.constant 0 : i32
    %scan3A_17 = arith.constant 0 : i32
    %scan3A_18 = arith.constant 8 : i32
    %scan3A_19 = arith.addi %scan3A_17, %scan3A_18 : i32
    %scan3A_20 = arith.constant 1 : i32
    scf.for %scan3A_54 = %scan3A_17 to %scan3A_19 step %scan3A_20  : i32 {
      %mul3A_55 = arith.constant 624 : i32
      %mul3A_56 = arith.muli %arg1, %mul3A_55 : i32
      %mul3A_57 = arith.constant 80 : i32
      %mul3A_58 = arith.muli %scan3A_54, %mul3A_57 : i32
      %add3A_59 = arith.addi %mul3A_56, %mul3A_58 : i32
      "tpu.region"() ({
        %run_scoped3A = tpu.sem_alloc : memref<!tpu.dma_semaphore, #tpu.memory_space<semaphore_mem>>
        %dma_start3A_60 = arith.constant 0 : i32
        %dma_start3A_61 = arith.constant 0 : i32
        %dma_start3A_62 = tpu.memref_slice %arg10[%dma_start3A_60, %dma_start3A_61] : memref<125x128xf32, #tpu.memory_space<vmem>> -> memref<80x128xf32, #tpu.memory_space<vmem>>
        %dma_start3A_63 = arith.constant 0 : i32
        %dma_start3A_64 = tpu.memref_slice %arg6[%add3A_59, %dma_start3A_63] : memref<10000x128xf32, #tpu.memory_space<vmem_shared>> -> memref<80x128xf32, #tpu.memory_space<vmem_shared>>
        %dma_start3A_65 = arith.constant 0 : i32
        %dma_start3A_66 = tpu.memref_slice %arg6[%add3A_59, %dma_start3A_65] : memref<10000x128xf32, #tpu.memory_space<vmem_shared>> -> memref<80x128xf32, #tpu.memory_space<vmem_shared>>
        %dma_start3A_67 = arith.constant 0 : i32
        %dma_start3A_68 = arith.constant 0 : i32
        %dma_start3A_69 = tpu.memref_slice %arg10[%dma_start3A_67, %dma_start3A_68] : memref<125x128xf32, #tpu.memory_space<vmem>> -> memref<80x128xf32, #tpu.memory_space<vmem>>
        tpu.enqueue_dma source(%dma_start3A_69 : memref<80x128xf32, #tpu.memory_space<vmem>>) target(%dma_start3A_66 : memref<80x128xf32, #tpu.memory_space<vmem_shared>>) target_semaphore(%run_scoped3A : memref<!tpu.dma_semaphore, #tpu.memory_space<semaphore_mem>>)
        %dma_wait3A = arith.constant 0 : i32
        %dma_wait3A_70 = arith.constant 0 : i32
        %dma_wait3A_71 = tpu.memref_slice %arg10[%dma_wait3A, %dma_wait3A_70] : memref<125x128xf32, #tpu.memory_space<vmem>> -> memref<80x128xf32, #tpu.memory_space<vmem>>
        %dma_wait3A_72 = arith.constant 0 : i32
        %dma_wait3A_73 = tpu.memref_slice %arg6[%add3A_59, %dma_wait3A_72] : memref<10000x128xf32, #tpu.memory_space<vmem_shared>> -> memref<80x128xf32, #tpu.memory_space<vmem_shared>>
        %dma_wait3A_74 = arith.constant 0 : i32
        %dma_wait3A_75 = tpu.memref_slice %arg6[%add3A_59, %dma_wait3A_74] : memref<10000x128xf32, #tpu.memory_space<vmem_shared>> -> memref<80x128xf32, #tpu.memory_space<vmem_shared>>
        %dma_wait3A_76 = arith.constant 0 : i32
        %dma_wait3A_77 = arith.constant 0 : i32
        %dma_wait3A_78 = tpu.memref_slice %arg10[%dma_wait3A_76, %dma_wait3A_77] : memref<125x128xf32, #tpu.memory_space<vmem>> -> memref<80x128xf32, #tpu.memory_space<vmem>>
        tpu.wait_dma2 semaphore(%run_scoped3A : memref<!tpu.dma_semaphore, #tpu.memory_space<semaphore_mem>>) src(%dma_wait3A_78 : memref<80x128xf32, #tpu.memory_space<vmem>>) dst(%dma_wait3A_75 : memref<80x128xf32, #tpu.memory_space<vmem_shared>>)
        tpu.yield
      }) : () -> ()
    }
    %scan3A_21 = arith.constant 8 : i32
    %barrier3A = arith.constant 0 : index
    tpu.barrier barrier_id(%barrier3A)
    %scan3A_22 = arith.constant 0 : i32
    %scan3A_23 = arith.constant 0 : i32
    %scan3A_24 = arith.constant 20 : i32
    %scan3A_25 = arith.addi %scan3A_23, %scan3A_24 : i32
    %scan3A_26 = arith.constant 1 : i32
    scf.for %scan3A_54 = %scan3A_23 to %scan3A_25 step %scan3A_26  : i32 {
      %mul3A_55 = arith.constant 2 : i32
      %mul3A_56 = arith.muli %mul3A_55, %scan3A_54 : i32
      %mul3A_57 = arith.constant 2 : i32
      %mul3A_58 = arith.muli %mul3A_57, %scan3A_54 : i32
      %add3A_59 = arith.constant 1 : i32
      %add3A_60 = arith.addi %mul3A_58, %add3A_59 : i32
      %dma_start3A_61 = arith.constant 0 : i32
      %dma_start3A_62 = tpu.memref_slice %arg7[%add3A_60, %dma_start3A_61] : memref<40x125xi32, #tpu.memory_space<vmem>> -> memref<1x125xi32, #tpu.memory_space<vmem>>
      %dma_start3A_63 = tpu.memref_squeeze %dma_start3A_62 : memref<1x125xi32, #tpu.memory_space<vmem>> -> memref<125xi32, #tpu.memory_space<vmem>>
      %dma_start3A_64 = arith.constant 0 : i32
      %dma_start3A_65 = arith.constant 0 : i32
      %dma_start3A_66 = tpu.memref_slice %arg2[%dma_start3A_64, %dma_start3A_65] : memref<10000x128xf32, #tpu.memory_space<hbm>> -> memref<10000x128xf32, #tpu.memory_space<hbm>>
      tpu.enqueue_indirect_dma source(%dma_start3A_66 : memref<10000x128xf32, #tpu.memory_space<hbm>>) target(%arg10 : memref<125x128xf32, #tpu.memory_space<vmem>>) offsets(%dma_start3A_63 : memref<125xi32, #tpu.memory_space<vmem>>) semaphore(%arg12 : memref<!tpu.dma_semaphore, #tpu.memory_space<semaphore_mem>>)
      %dma_wait3A = arith.constant 0 : i32
      %dma_wait3A_67 = tpu.memref_slice %arg7[%mul3A_56, %dma_wait3A] : memref<40x125xi32, #tpu.memory_space<vmem>> -> memref<1x125xi32, #tpu.memory_space<vmem>>
      %dma_wait3A_68 = tpu.memref_squeeze %dma_wait3A_67 : memref<1x125xi32, #tpu.memory_space<vmem>> -> memref<125xi32, #tpu.memory_space<vmem>>
      %dma_wait3A_69 = arith.constant 0 : i32
      %dma_wait3A_70 = arith.constant 0 : i32
      %dma_wait3A_71 = tpu.memref_slice %arg2[%dma_wait3A_69, %dma_wait3A_70] : memref<10000x128xf32, #tpu.memory_space<hbm>> -> memref<10000x128xf32, #tpu.memory_space<hbm>>
      tpu.wait_indirect_dma semaphore(%arg11 : memref<!tpu.dma_semaphore, #tpu.memory_space<semaphore_mem>>) src(%dma_wait3A_71 : memref<10000x128xf32, #tpu.memory_space<hbm>>) dst(%arg9 : memref<125x128xf32, #tpu.memory_space<vmem>>)
      "tpu.region"() ({
        %run_scoped3A = tpu.sem_alloc : memref<!tpu.dma_semaphore, #tpu.memory_space<semaphore_mem>>
        %dma_start3A_80 = arith.constant 0 : i32
        %dma_start3A_81 = tpu.memref_slice %arg8[%mul3A_56, %dma_start3A_80] : memref<40x125xi32, #tpu.memory_space<vmem>> -> memref<1x125xi32, #tpu.memory_space<vmem>>
        %dma_start3A_82 = tpu.memref_squeeze %dma_start3A_81 : memref<1x125xi32, #tpu.memory_space<vmem>> -> memref<125xi32, #tpu.memory_space<vmem>>
        %dma_start3A_83 = arith.constant 0 : i32
        %dma_start3A_84 = arith.constant 0 : i32
        %dma_start3A_85 = tpu.memref_slice %arg6[%dma_start3A_83, %dma_start3A_84] : memref<10000x128xf32, #tpu.memory_space<vmem_shared>> -> memref<10000x128xf32, #tpu.memory_space<vmem_shared>>
        tpu.enqueue_indirect_dma source(%arg9 : memref<125x128xf32, #tpu.memory_space<vmem>>) target(%dma_start3A_85 : memref<10000x128xf32, #tpu.memory_space<vmem_shared>>) offsets(%dma_start3A_82 : memref<125xi32, #tpu.memory_space<vmem>>) semaphore(%run_scoped3A : memref<!tpu.dma_semaphore, #tpu.memory_space<semaphore_mem>>) {add = true}
        %dma_wait3A_86 = arith.constant 0 : i32
        %dma_wait3A_87 = tpu.memref_slice %arg8[%mul3A_56, %dma_wait3A_86] : memref<40x125xi32, #tpu.memory_space<vmem>> -> memref<1x125xi32, #tpu.memory_space<vmem>>
        %dma_wait3A_88 = tpu.memref_squeeze %dma_wait3A_87 : memref<1x125xi32, #tpu.memory_space<vmem>> -> memref<125xi32, #tpu.memory_space<vmem>>
        %dma_wait3A_89 = arith.constant 0 : i32
        %dma_wait3A_90 = arith.constant 0 : i32
        %dma_wait3A_91 = tpu.memref_slice %arg6[%dma_wait3A_89, %dma_wait3A_90] : memref<10000x128xf32, #tpu.memory_space<vmem_shared>> -> memref<10000x128xf32, #tpu.memory_space<vmem_shared>>
        tpu.wait_indirect_dma semaphore(%run_scoped3A : memref<!tpu.dma_semaphore, #tpu.memory_space<semaphore_mem>>) src(%arg9 : memref<125x128xf32, #tpu.memory_space<vmem>>) dst(%dma_wait3A_91 : memref<10000x128xf32, #tpu.memory_space<vmem_shared>>)
        tpu.yield
      }) : () -> ()
      %lt3A = arith.constant 19 : i32
      %lt3A_72 = arith.cmpi slt, %scan3A_54, %lt3A : i32
      %convert_element_type3A = arith.extui %lt3A_72 : i1 to i32
      %cond3A = arith.constant 0 : i32
      %cond3A_73 = arith.cmpi ne, %convert_element_type3A, %cond3A : i32
      scf.if %cond3A_73 {
        %add3A_80 = arith.constant 2 : i32
        %add3A_81 = arith.addi %mul3A_56, %add3A_80 : i32
        %dma_start3A_82 = arith.constant 0 : i32
        %dma_start3A_83 = tpu.memref_slice %arg7[%add3A_81, %dma_start3A_82] : memref<40x125xi32, #tpu.memory_space<vmem>> -> memref<1x125xi32, #tpu.memory_space<vmem>>
        %dma_start3A_84 = tpu.memref_squeeze %dma_start3A_83 : memref<1x125xi32, #tpu.memory_space<vmem>> -> memref<125xi32, #tpu.memory_space<vmem>>
        %dma_start3A_85 = arith.constant 0 : i32
        %dma_start3A_86 = arith.constant 0 : i32
        %dma_start3A_87 = tpu.memref_slice %arg2[%dma_start3A_85, %dma_start3A_86] : memref<10000x128xf32, #tpu.memory_space<hbm>> -> memref<10000x128xf32, #tpu.memory_space<hbm>>
        tpu.enqueue_indirect_dma source(%dma_start3A_87 : memref<10000x128xf32, #tpu.memory_space<hbm>>) target(%arg9 : memref<125x128xf32, #tpu.memory_space<vmem>>) offsets(%dma_start3A_84 : memref<125xi32, #tpu.memory_space<vmem>>) semaphore(%arg11 : memref<!tpu.dma_semaphore, #tpu.memory_space<semaphore_mem>>)
      } else {
      }
      %dma_wait3A_74 = arith.constant 0 : i32
      %dma_wait3A_75 = tpu.memref_slice %arg7[%add3A_60, %dma_wait3A_74] : memref<40x125xi32, #tpu.memory_space<vmem>> -> memref<1x125xi32, #tpu.memory_space<vmem>>
      %dma_wait3A_76 = tpu.memref_squeeze %dma_wait3A_75 : memref<1x125xi32, #tpu.memory_space<vmem>> -> memref<125xi32, #tpu.memory_space<vmem>>
      %dma_wait3A_77 = arith.constant 0 : i32
      %dma_wait3A_78 = arith.constant 0 : i32
      %dma_wait3A_79 = tpu.memref_slice %arg2[%dma_wait3A_77, %dma_wait3A_78] : memref<10000x128xf32, #tpu.memory_space<hbm>> -> memref<10000x128xf32, #tpu.memory_space<hbm>>
      tpu.wait_indirect_dma semaphore(%arg12 : memref<!tpu.dma_semaphore, #tpu.memory_space<semaphore_mem>>) src(%dma_wait3A_79 : memref<10000x128xf32, #tpu.memory_space<hbm>>) dst(%arg10 : memref<125x128xf32, #tpu.memory_space<vmem>>)
      "tpu.region"() ({
        %run_scoped3A = tpu.sem_alloc : memref<!tpu.dma_semaphore, #tpu.memory_space<semaphore_mem>>
        %dma_start3A_80 = arith.constant 0 : i32
        %dma_start3A_81 = tpu.memref_slice %arg8[%add3A_60, %dma_start3A_80] : memref<40x125xi32, #tpu.memory_space<vmem>> -> memref<1x125xi32, #tpu.memory_space<vmem>>
        %dma_start3A_82 = tpu.memref_squeeze %dma_start3A_81 : memref<1x125xi32, #tpu.memory_space<vmem>> -> memref<125xi32, #tpu.memory_space<vmem>>
        %dma_start3A_83 = arith.constant 0 : i32
        %dma_start3A_84 = arith.constant 0 : i32
        %dma_start3A_85 = tpu.memref_slice %arg6[%dma_start3A_83, %dma_start3A_84] : memref<10000x128xf32, #tpu.memory_space<vmem_shared>> -> memref<10000x128xf32, #tpu.memory_space<vmem_shared>>
        tpu.enqueue_indirect_dma source(%arg10 : memref<125x128xf32, #tpu.memory_space<vmem>>) target(%dma_start3A_85 : memref<10000x128xf32, #tpu.memory_space<vmem_shared>>) offsets(%dma_start3A_82 : memref<125xi32, #tpu.memory_space<vmem>>) semaphore(%run_scoped3A : memref<!tpu.dma_semaphore, #tpu.memory_space<semaphore_mem>>) {add = true}
        %dma_wait3A_86 = arith.constant 0 : i32
        %dma_wait3A_87 = tpu.memref_slice %arg8[%add3A_60, %dma_wait3A_86] : memref<40x125xi32, #tpu.memory_space<vmem>> -> memref<1x125xi32, #tpu.memory_space<vmem>>
        %dma_wait3A_88 = tpu.memref_squeeze %dma_wait3A_87 : memref<1x125xi32, #tpu.memory_space<vmem>> -> memref<125xi32, #tpu.memory_space<vmem>>
        %dma_wait3A_89 = arith.constant 0 : i32
        %dma_wait3A_90 = arith.constant 0 : i32
        %dma_wait3A_91 = tpu.memref_slice %arg6[%dma_wait3A_89, %dma_wait3A_90] : memref<10000x128xf32, #tpu.memory_space<vmem_shared>> -> memref<10000x128xf32, #tpu.memory_space<vmem_shared>>
        tpu.wait_indirect_dma semaphore(%run_scoped3A : memref<!tpu.dma_semaphore, #tpu.memory_space<semaphore_mem>>) src(%arg10 : memref<125x128xf32, #tpu.memory_space<vmem>>) dst(%dma_wait3A_91 : memref<10000x128xf32, #tpu.memory_space<vmem_shared>>)
        tpu.yield
      }) : () -> ()
    }
    %scan3A_27 = arith.constant 20 : i32
    %mul3A_28 = arith.constant 80 : i32
    %mul3A_29 = arith.muli %add3A, %mul3A_28 : i32
    %add3A_30 = arith.constant 40 : i32
    %add3A_31 = arith.addi %mul3A_29, %add3A_30 : i32
    "tpu.region"() ({
      %run_scoped3A = tpu.sem_alloc : memref<!tpu.dma_semaphore, #tpu.memory_space<semaphore_mem>>
      %dma_start3A_54 = arith.constant 0 : i32
      %dma_start3A_55 = tpu.memref_slice %arg3[%add3A_31, %dma_start3A_54] : memref<2560x125xi32, #tpu.memory_space<hbm>> -> memref<40x125xi32, #tpu.memory_space<hbm>>
      %dma_start3A_56 = arith.constant 0 : i32
      %dma_start3A_57 = tpu.memref_slice %arg3[%add3A_31, %dma_start3A_56] : memref<2560x125xi32, #tpu.memory_space<hbm>> -> memref<40x125xi32, #tpu.memory_space<hbm>>
      tpu.enqueue_dma source(%dma_start3A_57 : memref<40x125xi32, #tpu.memory_space<hbm>>) target(%arg7 : memref<40x125xi32, #tpu.memory_space<vmem>>) target_semaphore(%run_scoped3A : memref<!tpu.dma_semaphore, #tpu.memory_space<semaphore_mem>>)
      %dma_wait3A = arith.constant 0 : i32
      %dma_wait3A_58 = tpu.memref_slice %arg3[%add3A_31, %dma_wait3A] : memref<2560x125xi32, #tpu.memory_space<hbm>> -> memref<40x125xi32, #tpu.memory_space<hbm>>
      %dma_wait3A_59 = arith.constant 0 : i32
      %dma_wait3A_60 = tpu.memref_slice %arg3[%add3A_31, %dma_wait3A_59] : memref<2560x125xi32, #tpu.memory_space<hbm>> -> memref<40x125xi32, #tpu.memory_space<hbm>>
      tpu.wait_dma2 semaphore(%run_scoped3A : memref<!tpu.dma_semaphore, #tpu.memory_space<semaphore_mem>>) src(%dma_wait3A_60 : memref<40x125xi32, #tpu.memory_space<hbm>>) dst(%arg7 : memref<40x125xi32, #tpu.memory_space<vmem>>)
      tpu.yield
    }) : () -> ()
    %mul3A_32 = arith.constant 80 : i32
    %mul3A_33 = arith.muli %add3A, %mul3A_32 : i32
    %add3A_34 = arith.constant 40 : i32
    %add3A_35 = arith.addi %mul3A_33, %add3A_34 : i32
    "tpu.region"() ({
      %run_scoped3A = tpu.sem_alloc : memref<!tpu.dma_semaphore, #tpu.memory_space<semaphore_mem>>
      %dma_start3A_54 = arith.constant 0 : i32
      %dma_start3A_55 = tpu.memref_slice %arg4[%add3A_35, %dma_start3A_54] : memref<2560x125xi32, #tpu.memory_space<hbm>> -> memref<40x125xi32, #tpu.memory_space<hbm>>
      %dma_start3A_56 = arith.constant 0 : i32
      %dma_start3A_57 = tpu.memref_slice %arg4[%add3A_35, %dma_start3A_56] : memref<2560x125xi32, #tpu.memory_space<hbm>> -> memref<40x125xi32, #tpu.memory_space<hbm>>
      tpu.enqueue_dma source(%dma_start3A_57 : memref<40x125xi32, #tpu.memory_space<hbm>>) target(%arg8 : memref<40x125xi32, #tpu.memory_space<vmem>>) target_semaphore(%run_scoped3A : memref<!tpu.dma_semaphore, #tpu.memory_space<semaphore_mem>>)
      %dma_wait3A = arith.constant 0 : i32
      %dma_wait3A_58 = tpu.memref_slice %arg4[%add3A_35, %dma_wait3A] : memref<2560x125xi32, #tpu.memory_space<hbm>> -> memref<40x125xi32, #tpu.memory_space<hbm>>
      %dma_wait3A_59 = arith.constant 0 : i32
      %dma_wait3A_60 = tpu.memref_slice %arg4[%add3A_35, %dma_wait3A_59] : memref<2560x125xi32, #tpu.memory_space<hbm>> -> memref<40x125xi32, #tpu.memory_space<hbm>>
      tpu.wait_dma2 semaphore(%run_scoped3A : memref<!tpu.dma_semaphore, #tpu.memory_space<semaphore_mem>>) src(%dma_wait3A_60 : memref<40x125xi32, #tpu.memory_space<hbm>>) dst(%arg8 : memref<40x125xi32, #tpu.memory_space<vmem>>)
      tpu.yield
    }) : () -> ()
    %dma_start3A_36 = arith.constant 0 : i32
    %dma_start3A_37 = arith.constant 0 : i32
    %dma_start3A_38 = tpu.memref_slice %arg7[%dma_start3A_36, %dma_start3A_37] : memref<40x125xi32, #tpu.memory_space<vmem>> -> memref<1x125xi32, #tpu.memory_space<vmem>>
    %dma_start3A_39 = tpu.memref_squeeze %dma_start3A_38 : memref<1x125xi32, #tpu.memory_space<vmem>> -> memref<125xi32, #tpu.memory_space<vmem>>
    %dma_start3A_40 = arith.constant 0 : i32
    %dma_start3A_41 = arith.constant 0 : i32
    %dma_start3A_42 = tpu.memref_slice %arg2[%dma_start3A_40, %dma_start3A_41] : memref<10000x128xf32, #tpu.memory_space<hbm>> -> memref<10000x128xf32, #tpu.memory_space<hbm>>
    tpu.enqueue_indirect_dma source(%dma_start3A_42 : memref<10000x128xf32, #tpu.memory_space<hbm>>) target(%arg9 : memref<125x128xf32, #tpu.memory_space<vmem>>) offsets(%dma_start3A_39 : memref<125xi32, #tpu.memory_space<vmem>>) semaphore(%arg11 : memref<!tpu.dma_semaphore, #tpu.memory_space<semaphore_mem>>)
    %scan3A_43 = arith.constant 0 : i32
    %scan3A_44 = arith.constant 0 : i32
    %scan3A_45 = arith.constant 20 : i32
    %scan3A_46 = arith.addi %scan3A_44, %scan3A_45 : i32
    %scan3A_47 = arith.constant 1 : i32
    scf.for %scan3A_54 = %scan3A_44 to %scan3A_46 step %scan3A_47  : i32 {
      %mul3A_55 = arith.constant 2 : i32
      %mul3A_56 = arith.muli %mul3A_55, %scan3A_54 : i32
      %mul3A_57 = arith.constant 2 : i32
      %mul3A_58 = arith.muli %mul3A_57, %scan3A_54 : i32
      %add3A_59 = arith.constant 1 : i32
      %add3A_60 = arith.addi %mul3A_58, %add3A_59 : i32
      %dma_start3A_61 = arith.constant 0 : i32
      %dma_start3A_62 = tpu.memref_slice %arg7[%add3A_60, %dma_start3A_61] : memref<40x125xi32, #tpu.memory_space<vmem>> -> memref<1x125xi32, #tpu.memory_space<vmem>>
      %dma_start3A_63 = tpu.memref_squeeze %dma_start3A_62 : memref<1x125xi32, #tpu.memory_space<vmem>> -> memref<125xi32, #tpu.memory_space<vmem>>
      %dma_start3A_64 = arith.constant 0 : i32
      %dma_start3A_65 = arith.constant 0 : i32
      %dma_start3A_66 = tpu.memref_slice %arg2[%dma_start3A_64, %dma_start3A_65] : memref<10000x128xf32, #tpu.memory_space<hbm>> -> memref<10000x128xf32, #tpu.memory_space<hbm>>
      tpu.enqueue_indirect_dma source(%dma_start3A_66 : memref<10000x128xf32, #tpu.memory_space<hbm>>) target(%arg10 : memref<125x128xf32, #tpu.memory_space<vmem>>) offsets(%dma_start3A_63 : memref<125xi32, #tpu.memory_space<vmem>>) semaphore(%arg12 : memref<!tpu.dma_semaphore, #tpu.memory_space<semaphore_mem>>)
      %dma_wait3A = arith.constant 0 : i32
      %dma_wait3A_67 = tpu.memref_slice %arg7[%mul3A_56, %dma_wait3A] : memref<40x125xi32, #tpu.memory_space<vmem>> -> memref<1x125xi32, #tpu.memory_space<vmem>>
      %dma_wait3A_68 = tpu.memref_squeeze %dma_wait3A_67 : memref<1x125xi32, #tpu.memory_space<vmem>> -> memref<125xi32, #tpu.memory_space<vmem>>
      %dma_wait3A_69 = arith.constant 0 : i32
      %dma_wait3A_70 = arith.constant 0 : i32
      %dma_wait3A_71 = tpu.memref_slice %arg2[%dma_wait3A_69, %dma_wait3A_70] : memref<10000x128xf32, #tpu.memory_space<hbm>> -> memref<10000x128xf32, #tpu.memory_space<hbm>>
      tpu.wait_indirect_dma semaphore(%arg11 : memref<!tpu.dma_semaphore, #tpu.memory_space<semaphore_mem>>) src(%dma_wait3A_71 : memref<10000x128xf32, #tpu.memory_space<hbm>>) dst(%arg9 : memref<125x128xf32, #tpu.memory_space<vmem>>)
      "tpu.region"() ({
        %run_scoped3A = tpu.sem_alloc : memref<!tpu.dma_semaphore, #tpu.memory_space<semaphore_mem>>
        %dma_start3A_80 = arith.constant 0 : i32
        %dma_start3A_81 = tpu.memref_slice %arg8[%mul3A_56, %dma_start3A_80] : memref<40x125xi32, #tpu.memory_space<vmem>> -> memref<1x125xi32, #tpu.memory_space<vmem>>
        %dma_start3A_82 = tpu.memref_squeeze %dma_start3A_81 : memref<1x125xi32, #tpu.memory_space<vmem>> -> memref<125xi32, #tpu.memory_space<vmem>>
        %dma_start3A_83 = arith.constant 0 : i32
        %dma_start3A_84 = arith.constant 0 : i32
        %dma_start3A_85 = tpu.memref_slice %arg6[%dma_start3A_83, %dma_start3A_84] : memref<10000x128xf32, #tpu.memory_space<vmem_shared>> -> memref<10000x128xf32, #tpu.memory_space<vmem_shared>>
        tpu.enqueue_indirect_dma source(%arg9 : memref<125x128xf32, #tpu.memory_space<vmem>>) target(%dma_start3A_85 : memref<10000x128xf32, #tpu.memory_space<vmem_shared>>) offsets(%dma_start3A_82 : memref<125xi32, #tpu.memory_space<vmem>>) semaphore(%run_scoped3A : memref<!tpu.dma_semaphore, #tpu.memory_space<semaphore_mem>>) {add = true}
        %dma_wait3A_86 = arith.constant 0 : i32
        %dma_wait3A_87 = tpu.memref_slice %arg8[%mul3A_56, %dma_wait3A_86] : memref<40x125xi32, #tpu.memory_space<vmem>> -> memref<1x125xi32, #tpu.memory_space<vmem>>
        %dma_wait3A_88 = tpu.memref_squeeze %dma_wait3A_87 : memref<1x125xi32, #tpu.memory_space<vmem>> -> memref<125xi32, #tpu.memory_space<vmem>>
        %dma_wait3A_89 = arith.constant 0 : i32
        %dma_wait3A_90 = arith.constant 0 : i32
        %dma_wait3A_91 = tpu.memref_slice %arg6[%dma_wait3A_89, %dma_wait3A_90] : memref<10000x128xf32, #tpu.memory_space<vmem_shared>> -> memref<10000x128xf32, #tpu.memory_space<vmem_shared>>
        tpu.wait_indirect_dma semaphore(%run_scoped3A : memref<!tpu.dma_semaphore, #tpu.memory_space<semaphore_mem>>) src(%arg9 : memref<125x128xf32, #tpu.memory_space<vmem>>) dst(%dma_wait3A_91 : memref<10000x128xf32, #tpu.memory_space<vmem_shared>>)
        tpu.yield
      }) : () -> ()
      %lt3A = arith.constant 19 : i32
      %lt3A_72 = arith.cmpi slt, %scan3A_54, %lt3A : i32
      %convert_element_type3A = arith.extui %lt3A_72 : i1 to i32
      %cond3A = arith.constant 0 : i32
      %cond3A_73 = arith.cmpi ne, %convert_element_type3A, %cond3A : i32
      scf.if %cond3A_73 {
        %add3A_80 = arith.constant 2 : i32
        %add3A_81 = arith.addi %mul3A_56, %add3A_80 : i32
        %dma_start3A_82 = arith.constant 0 : i32
        %dma_start3A_83 = tpu.memref_slice %arg7[%add3A_81, %dma_start3A_82] : memref<40x125xi32, #tpu.memory_space<vmem>> -> memref<1x125xi32, #tpu.memory_space<vmem>>
        %dma_start3A_84 = tpu.memref_squeeze %dma_start3A_83 : memref<1x125xi32, #tpu.memory_space<vmem>> -> memref<125xi32, #tpu.memory_space<vmem>>
        %dma_start3A_85 = arith.constant 0 : i32
        %dma_start3A_86 = arith.constant 0 : i32
        %dma_start3A_87 = tpu.memref_slice %arg2[%dma_start3A_85, %dma_start3A_86] : memref<10000x128xf32, #tpu.memory_space<hbm>> -> memref<10000x128xf32, #tpu.memory_space<hbm>>
        tpu.enqueue_indirect_dma source(%dma_start3A_87 : memref<10000x128xf32, #tpu.memory_space<hbm>>) target(%arg9 : memref<125x128xf32, #tpu.memory_space<vmem>>) offsets(%dma_start3A_84 : memref<125xi32, #tpu.memory_space<vmem>>) semaphore(%arg11 : memref<!tpu.dma_semaphore, #tpu.memory_space<semaphore_mem>>)
      } else {
      }
      %dma_wait3A_74 = arith.constant 0 : i32
      %dma_wait3A_75 = tpu.memref_slice %arg7[%add3A_60, %dma_wait3A_74] : memref<40x125xi32, #tpu.memory_space<vmem>> -> memref<1x125xi32, #tpu.memory_space<vmem>>
      %dma_wait3A_76 = tpu.memref_squeeze %dma_wait3A_75 : memref<1x125xi32, #tpu.memory_space<vmem>> -> memref<125xi32, #tpu.memory_space<vmem>>
      %dma_wait3A_77 = arith.constant 0 : i32
      %dma_wait3A_78 = arith.constant 0 : i32
      %dma_wait3A_79 = tpu.memref_slice %arg2[%dma_wait3A_77, %dma_wait3A_78] : memref<10000x128xf32, #tpu.memory_space<hbm>> -> memref<10000x128xf32, #tpu.memory_space<hbm>>
      tpu.wait_indirect_dma semaphore(%arg12 : memref<!tpu.dma_semaphore, #tpu.memory_space<semaphore_mem>>) src(%dma_wait3A_79 : memref<10000x128xf32, #tpu.memory_space<hbm>>) dst(%arg10 : memref<125x128xf32, #tpu.memory_space<vmem>>)
      "tpu.region"() ({
        %run_scoped3A = tpu.sem_alloc : memref<!tpu.dma_semaphore, #tpu.memory_space<semaphore_mem>>
        %dma_start3A_80 = arith.constant 0 : i32
        %dma_start3A_81 = tpu.memref_slice %arg8[%add3A_60, %dma_start3A_80] : memref<40x125xi32, #tpu.memory_space<vmem>> -> memref<1x125xi32, #tpu.memory_space<vmem>>
        %dma_start3A_82 = tpu.memref_squeeze %dma_start3A_81 : memref<1x125xi32, #tpu.memory_space<vmem>> -> memref<125xi32, #tpu.memory_space<vmem>>
        %dma_start3A_83 = arith.constant 0 : i32
        %dma_start3A_84 = arith.constant 0 : i32
        %dma_start3A_85 = tpu.memref_slice %arg6[%dma_start3A_83, %dma_start3A_84] : memref<10000x128xf32, #tpu.memory_space<vmem_shared>> -> memref<10000x128xf32, #tpu.memory_space<vmem_shared>>
        tpu.enqueue_indirect_dma source(%arg10 : memref<125x128xf32, #tpu.memory_space<vmem>>) target(%dma_start3A_85 : memref<10000x128xf32, #tpu.memory_space<vmem_shared>>) offsets(%dma_start3A_82 : memref<125xi32, #tpu.memory_space<vmem>>) semaphore(%run_scoped3A : memref<!tpu.dma_semaphore, #tpu.memory_space<semaphore_mem>>) {add = true}
        %dma_wait3A_86 = arith.constant 0 : i32
        %dma_wait3A_87 = tpu.memref_slice %arg8[%add3A_60, %dma_wait3A_86] : memref<40x125xi32, #tpu.memory_space<vmem>> -> memref<1x125xi32, #tpu.memory_space<vmem>>
        %dma_wait3A_88 = tpu.memref_squeeze %dma_wait3A_87 : memref<1x125xi32, #tpu.memory_space<vmem>> -> memref<125xi32, #tpu.memory_space<vmem>>
        %dma_wait3A_89 = arith.constant 0 : i32
        %dma_wait3A_90 = arith.constant 0 : i32
        %dma_wait3A_91 = tpu.memref_slice %arg6[%dma_wait3A_89, %dma_wait3A_90] : memref<10000x128xf32, #tpu.memory_space<vmem_shared>> -> memref<10000x128xf32, #tpu.memory_space<vmem_shared>>
        tpu.wait_indirect_dma semaphore(%run_scoped3A : memref<!tpu.dma_semaphore, #tpu.memory_space<semaphore_mem>>) src(%arg10 : memref<125x128xf32, #tpu.memory_space<vmem>>) dst(%dma_wait3A_91 : memref<10000x128xf32, #tpu.memory_space<vmem_shared>>)
        tpu.yield
      }) : () -> ()
    }
    %scan3A_48 = arith.constant 20 : i32
    %barrier3A_49 = arith.constant 0 : index
    tpu.barrier barrier_id(%barrier3A_49)
    %mul3A_50 = arith.constant 624 : i32
    %mul3A_51 = arith.muli %arg1, %mul3A_50 : i32
    %mul3A_52 = arith.constant 624 : i32
    %mul3A_53 = arith.muli %arg1, %mul3A_52 : i32
    "tpu.region"() ({
      %run_scoped3A = tpu.sem_alloc : memref<!tpu.dma_semaphore, #tpu.memory_space<semaphore_mem>>
      %dma_start3A_54 = arith.constant 0 : i32
      %dma_start3A_55 = tpu.memref_slice %arg5[%arg0, %mul3A_53, %dma_start3A_54] : memref<2x10000x128xf32, #tpu.memory_space<hbm>> -> memref<1x640x128xf32, #tpu.memory_space<hbm>>
      %dma_start3A_56 = tpu.memref_squeeze %dma_start3A_55 : memref<1x640x128xf32, #tpu.memory_space<hbm>> -> memref<640x128xf32, #tpu.memory_space<hbm>>
      %dma_start3A_57 = arith.constant 0 : i32
      %dma_start3A_58 = tpu.memref_slice %arg6[%mul3A_51, %dma_start3A_57] : memref<10000x128xf32, #tpu.memory_space<vmem_shared>> -> memref<640x128xf32, #tpu.memory_space<vmem_shared>>
      tpu.enqueue_dma source(%dma_start3A_58 : memref<640x128xf32, #tpu.memory_space<vmem_shared>>) target(%dma_start3A_56 : memref<640x128xf32, #tpu.memory_space<hbm>>) target_semaphore(%run_scoped3A : memref<!tpu.dma_semaphore, #tpu.memory_space<semaphore_mem>>)
      %dma_wait3A = arith.constant 0 : i32
      %dma_wait3A_59 = tpu.memref_slice %arg5[%arg0, %mul3A_53, %dma_wait3A] : memref<2x10000x128xf32, #tpu.memory_space<hbm>> -> memref<1x640x128xf32, #tpu.memory_space<hbm>>
      %dma_wait3A_60 = tpu.memref_squeeze %dma_wait3A_59 : memref<1x640x128xf32, #tpu.memory_space<hbm>> -> memref<640x128xf32, #tpu.memory_space<hbm>>
      %dma_wait3A_61 = arith.constant 0 : i32
      %dma_wait3A_62 = tpu.memref_slice %arg6[%mul3A_51, %dma_wait3A_61] : memref<10000x128xf32, #tpu.memory_space<vmem_shared>> -> memref<640x128xf32, #tpu.memory_space<vmem_shared>>
      tpu.wait_dma2 semaphore(%run_scoped3A : memref<!tpu.dma_semaphore, #tpu.memory_space<semaphore_mem>>) src(%dma_wait3A_62 : memref<640x128xf32, #tpu.memory_space<vmem_shared>>) dst(%dma_wait3A_60 : memref<640x128xf32, #tpu.memory_space<hbm>>)
      tpu.yield
    }) : () -> ()
    return
  }
}

#map = affine_map<(d0, d1) -> (0, 0)>
module attributes {stable_mosaic.version = 14 : i64} {
  func.func @_deg_call(%arg0: i32, %arg1: i32, %arg2: memref<2560x125xi32, #tpu.memory_space<hbm>>, %arg3: memref<2x10240xf32, #tpu.memory_space<hbm>>, %arg4: memref<10240xf32, #tpu.memory_space<vmem_shared>>, %arg5: memref<80x125xi32, #tpu.memory_space<vmem>>, %arg6: memref<128xf32, #tpu.memory_space<vmem>>, %arg7: memref<640xf32, #tpu.memory_space<vmem>>, %arg8: memref<!tpu.dma_semaphore, #tpu.memory_space<semaphore_mem>>) attributes {dimension_semantics = [#tpu.dimension_semantics<core_parallel>, #tpu.dimension_semantics<subcore_parallel>], iteration_bounds = array<i64: 2, 16>, scalar_prefetch = 0 : i64, scratch_operands = 5 : i64, tpu.core_type = #tpu.core_type<sc_vector_subcore>, window_params = [{transform_indices = #map}, {transform_indices = #map}]} {
    %mul3A = arith.constant 16 : i32
    %mul3A_0 = arith.muli %arg0, %mul3A : i32
    %add3A = arith.addi %mul3A_0, %arg1 : i32
    %scan3A = arith.constant 0 : i32
    %scan3A_1 = arith.constant 0 : i32
    %scan3A_2 = arith.constant 8 : i32
    %scan3A_3 = arith.addi %scan3A_1, %scan3A_2 : i32
    %scan3A_4 = arith.constant 1 : i32
    scf.for %scan3A_27 = %scan3A_1 to %scan3A_3 step %scan3A_4  : i32 {
      %broadcast_in_dim3A = arith.constant 1.000000e+00 : f32
      %broadcast_in_dim3A_28 = vector.broadcast %broadcast_in_dim3A : f32 to vector<16xf32>
      %mul3A_29 = arith.constant 16 : i32
      %mul3A_30 = arith.muli %scan3A_27, %mul3A_29 : i32
      %swap3A = arith.index_cast %mul3A_30 : i32 to index
      %swap3A_31 = tpu.vector_load %arg6[%swap3A] {strides = array<i32>} : memref<128xf32, #tpu.memory_space<vmem>>, vector<16xf32>,
      %swap3A_32 = vector.shape_cast %swap3A_31 : vector<16xf32> to vector<16xf32>
      %swap3A_33 = vector.shape_cast %broadcast_in_dim3A_28 : vector<16xf32> to vector<16xf32>
      tpu.vector_store %arg6[%swap3A], %swap3A_33 {strides = array<i32>} : memref<128xf32, #tpu.memory_space<vmem>>, vector<16xf32>,
    }
    %scan3A_5 = arith.constant 8 : i32
    %scan3A_6 = arith.constant 0 : i32
    %scan3A_7 = arith.constant 0 : i32
    %scan3A_8 = arith.constant 40 : i32
    %scan3A_9 = arith.addi %scan3A_7, %scan3A_8 : i32
    %scan3A_10 = arith.constant 1 : i32
    scf.for %scan3A_27 = %scan3A_7 to %scan3A_9 step %scan3A_10  : i32 {
      %broadcast_in_dim3A = arith.constant 0.000000e+00 : f32
      %broadcast_in_dim3A_28 = vector.broadcast %broadcast_in_dim3A : f32 to vector<16xf32>
      %mul3A_29 = arith.constant 16 : i32
      %mul3A_30 = arith.muli %scan3A_27, %mul3A_29 : i32
      %swap3A = arith.index_cast %mul3A_30 : i32 to index
      %swap3A_31 = tpu.vector_load %arg7[%swap3A] {strides = array<i32>} : memref<640xf32, #tpu.memory_space<vmem>>, vector<16xf32>,
      %swap3A_32 = vector.shape_cast %swap3A_31 : vector<16xf32> to vector<16xf32>
      %swap3A_33 = vector.shape_cast %broadcast_in_dim3A_28 : vector<16xf32> to vector<16xf32>
      tpu.vector_store %arg7[%swap3A], %swap3A_33 {strides = array<i32>} : memref<640xf32, #tpu.memory_space<vmem>>, vector<16xf32>,
    }
    %scan3A_11 = arith.constant 40 : i32
    %mul3A_12 = arith.constant 640 : i32
    %mul3A_13 = arith.muli %arg1, %mul3A_12 : i32
    "tpu.region"() ({
      %run_scoped3A = tpu.sem_alloc : memref<!tpu.dma_semaphore, #tpu.memory_space<semaphore_mem>>
      %dma_start3A = tpu.memref_slice %arg4[%mul3A_13] : memref<10240xf32, #tpu.memory_space<vmem_shared>> -> memref<640xf32, #tpu.memory_space<vmem_shared>>
      %dma_start3A_27 = tpu.memref_slice %arg4[%mul3A_13] : memref<10240xf32, #tpu.memory_space<vmem_shared>> -> memref<640xf32, #tpu.memory_space<vmem_shared>>
      tpu.enqueue_dma source(%arg7 : memref<640xf32, #tpu.memory_space<vmem>>) target(%dma_start3A_27 : memref<640xf32, #tpu.memory_space<vmem_shared>>) target_semaphore(%run_scoped3A : memref<!tpu.dma_semaphore, #tpu.memory_space<semaphore_mem>>)
      %dma_wait3A = tpu.memref_slice %arg4[%mul3A_13] : memref<10240xf32, #tpu.memory_space<vmem_shared>> -> memref<640xf32, #tpu.memory_space<vmem_shared>>
      %dma_wait3A_28 = tpu.memref_slice %arg4[%mul3A_13] : memref<10240xf32, #tpu.memory_space<vmem_shared>> -> memref<640xf32, #tpu.memory_space<vmem_shared>>
      tpu.wait_dma2 semaphore(%run_scoped3A : memref<!tpu.dma_semaphore, #tpu.memory_space<semaphore_mem>>) src(%arg7 : memref<640xf32, #tpu.memory_space<vmem>>) dst(%dma_wait3A_28 : memref<640xf32, #tpu.memory_space<vmem_shared>>)
      tpu.yield
    }) : () -> ()
    %barrier3A = arith.constant 0 : index
    tpu.barrier barrier_id(%barrier3A)
    %mul3A_14 = arith.constant 80 : i32
    %mul3A_15 = arith.muli %add3A, %mul3A_14 : i32
    "tpu.region"() ({
      %run_scoped3A = tpu.sem_alloc : memref<!tpu.dma_semaphore, #tpu.memory_space<semaphore_mem>>
      %dma_start3A = arith.constant 0 : i32
      %dma_start3A_27 = tpu.memref_slice %arg2[%mul3A_15, %dma_start3A] : memref<2560x125xi32, #tpu.memory_space<hbm>> -> memref<80x125xi32, #tpu.memory_space<hbm>>
      %dma_start3A_28 = arith.constant 0 : i32
      %dma_start3A_29 = tpu.memref_slice %arg2[%mul3A_15, %dma_start3A_28] : memref<2560x125xi32, #tpu.memory_space<hbm>> -> memref<80x125xi32, #tpu.memory_space<hbm>>
      tpu.enqueue_dma source(%dma_start3A_29 : memref<80x125xi32, #tpu.memory_space<hbm>>) target(%arg5 : memref<80x125xi32, #tpu.memory_space<vmem>>) target_semaphore(%run_scoped3A : memref<!tpu.dma_semaphore, #tpu.memory_space<semaphore_mem>>)
      %dma_wait3A = arith.constant 0 : i32
      %dma_wait3A_30 = tpu.memref_slice %arg2[%mul3A_15, %dma_wait3A] : memref<2560x125xi32, #tpu.memory_space<hbm>> -> memref<80x125xi32, #tpu.memory_space<hbm>>
      %dma_wait3A_31 = arith.constant 0 : i32
      %dma_wait3A_32 = tpu.memref_slice %arg2[%mul3A_15, %dma_wait3A_31] : memref<2560x125xi32, #tpu.memory_space<hbm>> -> memref<80x125xi32, #tpu.memory_space<hbm>>
      tpu.wait_dma2 semaphore(%run_scoped3A : memref<!tpu.dma_semaphore, #tpu.memory_space<semaphore_mem>>) src(%dma_wait3A_32 : memref<80x125xi32, #tpu.memory_space<hbm>>) dst(%arg5 : memref<80x125xi32, #tpu.memory_space<vmem>>)
      tpu.yield
    }) : () -> ()
    %scan3A_16 = arith.constant 0 : i32
    %scan3A_17 = arith.constant 0 : i32
    %scan3A_18 = arith.constant 5 : i32
    %scan3A_19 = arith.addi %scan3A_17, %scan3A_18 : i32
    %scan3A_20 = arith.constant 1 : i32
    scf.for %scan3A_27 = %scan3A_17 to %scan3A_19 step %scan3A_20  : i32 {
      %mul3A_28 = arith.constant 16 : i32
      %mul3A_29 = arith.muli %scan3A_27, %mul3A_28 : i32
      %add3A_30 = arith.constant 0 : i32
      %add3A_31 = arith.addi %mul3A_29, %add3A_30 : i32
      %dma_start3A = arith.constant 0 : i32
      %dma_start3A_32 = tpu.memref_slice %arg6[%dma_start3A] : memref<128xf32, #tpu.memory_space<vmem>> -> memref<125xf32, #tpu.memory_space<vmem>>
      %dma_start3A_33 = arith.constant 0 : i32
      %dma_start3A_34 = tpu.memref_slice %arg5[%add3A_31, %dma_start3A_33] : memref<80x125xi32, #tpu.memory_space<vmem>> -> memref<1x125xi32, #tpu.memory_space<vmem>>
      %dma_start3A_35 = tpu.memref_squeeze %dma_start3A_34 : memref<1x125xi32, #tpu.memory_space<vmem>> -> memref<125xi32, #tpu.memory_space<vmem>>
      %dma_start3A_36 = arith.constant 0 : i32
      %dma_start3A_37 = tpu.memref_slice %arg4[%dma_start3A_36] : memref<10240xf32, #tpu.memory_space<vmem_shared>> -> memref<10240xf32, #tpu.memory_space<vmem_shared>>
      tpu.enqueue_indirect_dma source(%dma_start3A_32 : memref<125xf32, #tpu.memory_space<vmem>>) target(%dma_start3A_37 : memref<10240xf32, #tpu.memory_space<vmem_shared>>) offsets(%dma_start3A_35 : memref<125xi32, #tpu.memory_space<vmem>>) semaphore(%arg8 : memref<!tpu.dma_semaphore, #tpu.memory_space<semaphore_mem>>) {add = true}
      %mul3A_38 = arith.constant 16 : i32
      %mul3A_39 = arith.muli %scan3A_27, %mul3A_38 : i32
      %add3A_40 = arith.constant 1 : i32
      %add3A_41 = arith.addi %mul3A_39, %add3A_40 : i32
      %dma_start3A_42 = arith.constant 0 : i32
      %dma_start3A_43 = tpu.memref_slice %arg6[%dma_start3A_42] : memref<128xf32, #tpu.memory_space<vmem>> -> memref<125xf32, #tpu.memory_space<vmem>>
      %dma_start3A_44 = arith.constant 0 : i32
      %dma_start3A_45 = tpu.memref_slice %arg5[%add3A_41, %dma_start3A_44] : memref<80x125xi32, #tpu.memory_space<vmem>> -> memref<1x125xi32, #tpu.memory_space<vmem>>
      %dma_start3A_46 = tpu.memref_squeeze %dma_start3A_45 : memref<1x125xi32, #tpu.memory_space<vmem>> -> memref<125xi32, #tpu.memory_space<vmem>>
      %dma_start3A_47 = arith.constant 0 : i32
      %dma_start3A_48 = tpu.memref_slice %arg4[%dma_start3A_47] : memref<10240xf32, #tpu.memory_space<vmem_shared>> -> memref<10240xf32, #tpu.memory_space<vmem_shared>>
      tpu.enqueue_indirect_dma source(%dma_start3A_43 : memref<125xf32, #tpu.memory_space<vmem>>) target(%dma_start3A_48 : memref<10240xf32, #tpu.memory_space<vmem_shared>>) offsets(%dma_start3A_46 : memref<125xi32, #tpu.memory_space<vmem>>) semaphore(%arg8 : memref<!tpu.dma_semaphore, #tpu.memory_space<semaphore_mem>>) {add = true}
      %mul3A_49 = arith.constant 16 : i32
      %mul3A_50 = arith.muli %scan3A_27, %mul3A_49 : i32
      %add3A_51 = arith.constant 2 : i32
      %add3A_52 = arith.addi %mul3A_50, %add3A_51 : i32
      %dma_start3A_53 = arith.constant 0 : i32
      %dma_start3A_54 = tpu.memref_slice %arg6[%dma_start3A_53] : memref<128xf32, #tpu.memory_space<vmem>> -> memref<125xf32, #tpu.memory_space<vmem>>
      %dma_start3A_55 = arith.constant 0 : i32
      %dma_start3A_56 = tpu.memref_slice %arg5[%add3A_52, %dma_start3A_55] : memref<80x125xi32, #tpu.memory_space<vmem>> -> memref<1x125xi32, #tpu.memory_space<vmem>>
      %dma_start3A_57 = tpu.memref_squeeze %dma_start3A_56 : memref<1x125xi32, #tpu.memory_space<vmem>> -> memref<125xi32, #tpu.memory_space<vmem>>
      %dma_start3A_58 = arith.constant 0 : i32
      %dma_start3A_59 = tpu.memref_slice %arg4[%dma_start3A_58] : memref<10240xf32, #tpu.memory_space<vmem_shared>> -> memref<10240xf32, #tpu.memory_space<vmem_shared>>
      tpu.enqueue_indirect_dma source(%dma_start3A_54 : memref<125xf32, #tpu.memory_space<vmem>>) target(%dma_start3A_59 : memref<10240xf32, #tpu.memory_space<vmem_shared>>) offsets(%dma_start3A_57 : memref<125xi32, #tpu.memory_space<vmem>>) semaphore(%arg8 : memref<!tpu.dma_semaphore, #tpu.memory_space<semaphore_mem>>) {add = true}
      %mul3A_60 = arith.constant 16 : i32
      %mul3A_61 = arith.muli %scan3A_27, %mul3A_60 : i32
      %add3A_62 = arith.constant 3 : i32
      %add3A_63 = arith.addi %mul3A_61, %add3A_62 : i32
      %dma_start3A_64 = arith.constant 0 : i32
      %dma_start3A_65 = tpu.memref_slice %arg6[%dma_start3A_64] : memref<128xf32, #tpu.memory_space<vmem>> -> memref<125xf32, #tpu.memory_space<vmem>>
      %dma_start3A_66 = arith.constant 0 : i32
      %dma_start3A_67 = tpu.memref_slice %arg5[%add3A_63, %dma_start3A_66] : memref<80x125xi32, #tpu.memory_space<vmem>> -> memref<1x125xi32, #tpu.memory_space<vmem>>
      %dma_start3A_68 = tpu.memref_squeeze %dma_start3A_67 : memref<1x125xi32, #tpu.memory_space<vmem>> -> memref<125xi32, #tpu.memory_space<vmem>>
      %dma_start3A_69 = arith.constant 0 : i32
      %dma_start3A_70 = tpu.memref_slice %arg4[%dma_start3A_69] : memref<10240xf32, #tpu.memory_space<vmem_shared>> -> memref<10240xf32, #tpu.memory_space<vmem_shared>>
      tpu.enqueue_indirect_dma source(%dma_start3A_65 : memref<125xf32, #tpu.memory_space<vmem>>) target(%dma_start3A_70 : memref<10240xf32, #tpu.memory_space<vmem_shared>>) offsets(%dma_start3A_68 : memref<125xi32, #tpu.memory_space<vmem>>) semaphore(%arg8 : memref<!tpu.dma_semaphore, #tpu.memory_space<semaphore_mem>>) {add = true}
      %mul3A_71 = arith.constant 16 : i32
      %mul3A_72 = arith.muli %scan3A_27, %mul3A_71 : i32
      %add3A_73 = arith.constant 4 : i32
      %add3A_74 = arith.addi %mul3A_72, %add3A_73 : i32
      %dma_start3A_75 = arith.constant 0 : i32
      %dma_start3A_76 = tpu.memref_slice %arg6[%dma_start3A_75] : memref<128xf32, #tpu.memory_space<vmem>> -> memref<125xf32, #tpu.memory_space<vmem>>
      %dma_start3A_77 = arith.constant 0 : i32
      %dma_start3A_78 = tpu.memref_slice %arg5[%add3A_74, %dma_start3A_77] : memref<80x125xi32, #tpu.memory_space<vmem>> -> memref<1x125xi32, #tpu.memory_space<vmem>>
      %dma_start3A_79 = tpu.memref_squeeze %dma_start3A_78 : memref<1x125xi32, #tpu.memory_space<vmem>> -> memref<125xi32, #tpu.memory_space<vmem>>
      %dma_start3A_80 = arith.constant 0 : i32
      %dma_start3A_81 = tpu.memref_slice %arg4[%dma_start3A_80] : memref<10240xf32, #tpu.memory_space<vmem_shared>> -> memref<10240xf32, #tpu.memory_space<vmem_shared>>
      tpu.enqueue_indirect_dma source(%dma_start3A_76 : memref<125xf32, #tpu.memory_space<vmem>>) target(%dma_start3A_81 : memref<10240xf32, #tpu.memory_space<vmem_shared>>) offsets(%dma_start3A_79 : memref<125xi32, #tpu.memory_space<vmem>>) semaphore(%arg8 : memref<!tpu.dma_semaphore, #tpu.memory_space<semaphore_mem>>) {add = true}
      %mul3A_82 = arith.constant 16 : i32
      %mul3A_83 = arith.muli %scan3A_27, %mul3A_82 : i32
      %add3A_84 = arith.constant 5 : i32
      %add3A_85 = arith.addi %mul3A_83, %add3A_84 : i32
      %dma_start3A_86 = arith.constant 0 : i32
      %dma_start3A_87 = tpu.memref_slice %arg6[%dma_start3A_86] : memref<128xf32, #tpu.memory_space<vmem>> -> memref<125xf32, #tpu.memory_space<vmem>>
      %dma_start3A_88 = arith.constant 0 : i32
      %dma_start3A_89 = tpu.memref_slice %arg5[%add3A_85, %dma_start3A_88] : memref<80x125xi32, #tpu.memory_space<vmem>> -> memref<1x125xi32, #tpu.memory_space<vmem>>
      %dma_start3A_90 = tpu.memref_squeeze %dma_start3A_89 : memref<1x125xi32, #tpu.memory_space<vmem>> -> memref<125xi32, #tpu.memory_space<vmem>>
      %dma_start3A_91 = arith.constant 0 : i32
      %dma_start3A_92 = tpu.memref_slice %arg4[%dma_start3A_91] : memref<10240xf32, #tpu.memory_space<vmem_shared>> -> memref<10240xf32, #tpu.memory_space<vmem_shared>>
      tpu.enqueue_indirect_dma source(%dma_start3A_87 : memref<125xf32, #tpu.memory_space<vmem>>) target(%dma_start3A_92 : memref<10240xf32, #tpu.memory_space<vmem_shared>>) offsets(%dma_start3A_90 : memref<125xi32, #tpu.memory_space<vmem>>) semaphore(%arg8 : memref<!tpu.dma_semaphore, #tpu.memory_space<semaphore_mem>>) {add = true}
      %mul3A_93 = arith.constant 16 : i32
      %mul3A_94 = arith.muli %scan3A_27, %mul3A_93 : i32
      %add3A_95 = arith.constant 6 : i32
      %add3A_96 = arith.addi %mul3A_94, %add3A_95 : i32
      %dma_start3A_97 = arith.constant 0 : i32
      %dma_start3A_98 = tpu.memref_slice %arg6[%dma_start3A_97] : memref<128xf32, #tpu.memory_space<vmem>> -> memref<125xf32, #tpu.memory_space<vmem>>
      %dma_start3A_99 = arith.constant 0 : i32
      %dma_start3A_100 = tpu.memref_slice %arg5[%add3A_96, %dma_start3A_99] : memref<80x125xi32, #tpu.memory_space<vmem>> -> memref<1x125xi32, #tpu.memory_space<vmem>>
      %dma_start3A_101 = tpu.memref_squeeze %dma_start3A_100 : memref<1x125xi32, #tpu.memory_space<vmem>> -> memref<125xi32, #tpu.memory_space<vmem>>
      %dma_start3A_102 = arith.constant 0 : i32
      %dma_start3A_103 = tpu.memref_slice %arg4[%dma_start3A_102] : memref<10240xf32, #tpu.memory_space<vmem_shared>> -> memref<10240xf32, #tpu.memory_space<vmem_shared>>
      tpu.enqueue_indirect_dma source(%dma_start3A_98 : memref<125xf32, #tpu.memory_space<vmem>>) target(%dma_start3A_103 : memref<10240xf32, #tpu.memory_space<vmem_shared>>) offsets(%dma_start3A_101 : memref<125xi32, #tpu.memory_space<vmem>>) semaphore(%arg8 : memref<!tpu.dma_semaphore, #tpu.memory_space<semaphore_mem>>) {add = true}
      %mul3A_104 = arith.constant 16 : i32
      %mul3A_105 = arith.muli %scan3A_27, %mul3A_104 : i32
      %add3A_106 = arith.constant 7 : i32
      %add3A_107 = arith.addi %mul3A_105, %add3A_106 : i32
      %dma_start3A_108 = arith.constant 0 : i32
      %dma_start3A_109 = tpu.memref_slice %arg6[%dma_start3A_108] : memref<128xf32, #tpu.memory_space<vmem>> -> memref<125xf32, #tpu.memory_space<vmem>>
      %dma_start3A_110 = arith.constant 0 : i32
      %dma_start3A_111 = tpu.memref_slice %arg5[%add3A_107, %dma_start3A_110] : memref<80x125xi32, #tpu.memory_space<vmem>> -> memref<1x125xi32, #tpu.memory_space<vmem>>
      %dma_start3A_112 = tpu.memref_squeeze %dma_start3A_111 : memref<1x125xi32, #tpu.memory_space<vmem>> -> memref<125xi32, #tpu.memory_space<vmem>>
      %dma_start3A_113 = arith.constant 0 : i32
      %dma_start3A_114 = tpu.memref_slice %arg4[%dma_start3A_113] : memref<10240xf32, #tpu.memory_space<vmem_shared>> -> memref<10240xf32, #tpu.memory_space<vmem_shared>>
      tpu.enqueue_indirect_dma source(%dma_start3A_109 : memref<125xf32, #tpu.memory_space<vmem>>) target(%dma_start3A_114 : memref<10240xf32, #tpu.memory_space<vmem_shared>>) offsets(%dma_start3A_112 : memref<125xi32, #tpu.memory_space<vmem>>) semaphore(%arg8 : memref<!tpu.dma_semaphore, #tpu.memory_space<semaphore_mem>>) {add = true}
      %mul3A_115 = arith.constant 16 : i32
      %mul3A_116 = arith.muli %scan3A_27, %mul3A_115 : i32
      %add3A_117 = arith.constant 8 : i32
      %add3A_118 = arith.addi %mul3A_116, %add3A_117 : i32
      %dma_start3A_119 = arith.constant 0 : i32
      %dma_start3A_120 = tpu.memref_slice %arg6[%dma_start3A_119] : memref<128xf32, #tpu.memory_space<vmem>> -> memref<125xf32, #tpu.memory_space<vmem>>
      %dma_start3A_121 = arith.constant 0 : i32
      %dma_start3A_122 = tpu.memref_slice %arg5[%add3A_118, %dma_start3A_121] : memref<80x125xi32, #tpu.memory_space<vmem>> -> memref<1x125xi32, #tpu.memory_space<vmem>>
      %dma_start3A_123 = tpu.memref_squeeze %dma_start3A_122 : memref<1x125xi32, #tpu.memory_space<vmem>> -> memref<125xi32, #tpu.memory_space<vmem>>
      %dma_start3A_124 = arith.constant 0 : i32
      %dma_start3A_125 = tpu.memref_slice %arg4[%dma_start3A_124] : memref<10240xf32, #tpu.memory_space<vmem_shared>> -> memref<10240xf32, #tpu.memory_space<vmem_shared>>
      tpu.enqueue_indirect_dma source(%dma_start3A_120 : memref<125xf32, #tpu.memory_space<vmem>>) target(%dma_start3A_125 : memref<10240xf32, #tpu.memory_space<vmem_shared>>) offsets(%dma_start3A_123 : memref<125xi32, #tpu.memory_space<vmem>>) semaphore(%arg8 : memref<!tpu.dma_semaphore, #tpu.memory_space<semaphore_mem>>) {add = true}
      %mul3A_126 = arith.constant 16 : i32
      %mul3A_127 = arith.muli %scan3A_27, %mul3A_126 : i32
      %add3A_128 = arith.constant 9 : i32
      %add3A_129 = arith.addi %mul3A_127, %add3A_128 : i32
      %dma_start3A_130 = arith.constant 0 : i32
      %dma_start3A_131 = tpu.memref_slice %arg6[%dma_start3A_130] : memref<128xf32, #tpu.memory_space<vmem>> -> memref<125xf32, #tpu.memory_space<vmem>>
      %dma_start3A_132 = arith.constant 0 : i32
      %dma_start3A_133 = tpu.memref_slice %arg5[%add3A_129, %dma_start3A_132] : memref<80x125xi32, #tpu.memory_space<vmem>> -> memref<1x125xi32, #tpu.memory_space<vmem>>
      %dma_start3A_134 = tpu.memref_squeeze %dma_start3A_133 : memref<1x125xi32, #tpu.memory_space<vmem>> -> memref<125xi32, #tpu.memory_space<vmem>>
      %dma_start3A_135 = arith.constant 0 : i32
      %dma_start3A_136 = tpu.memref_slice %arg4[%dma_start3A_135] : memref<10240xf32, #tpu.memory_space<vmem_shared>> -> memref<10240xf32, #tpu.memory_space<vmem_shared>>
      tpu.enqueue_indirect_dma source(%dma_start3A_131 : memref<125xf32, #tpu.memory_space<vmem>>) target(%dma_start3A_136 : memref<10240xf32, #tpu.memory_space<vmem_shared>>) offsets(%dma_start3A_134 : memref<125xi32, #tpu.memory_space<vmem>>) semaphore(%arg8 : memref<!tpu.dma_semaphore, #tpu.memory_space<semaphore_mem>>) {add = true}
      %mul3A_137 = arith.constant 16 : i32
      %mul3A_138 = arith.muli %scan3A_27, %mul3A_137 : i32
      %add3A_139 = arith.constant 10 : i32
      %add3A_140 = arith.addi %mul3A_138, %add3A_139 : i32
      %dma_start3A_141 = arith.constant 0 : i32
      %dma_start3A_142 = tpu.memref_slice %arg6[%dma_start3A_141] : memref<128xf32, #tpu.memory_space<vmem>> -> memref<125xf32, #tpu.memory_space<vmem>>
      %dma_start3A_143 = arith.constant 0 : i32
      %dma_start3A_144 = tpu.memref_slice %arg5[%add3A_140, %dma_start3A_143] : memref<80x125xi32, #tpu.memory_space<vmem>> -> memref<1x125xi32, #tpu.memory_space<vmem>>
      %dma_start3A_145 = tpu.memref_squeeze %dma_start3A_144 : memref<1x125xi32, #tpu.memory_space<vmem>> -> memref<125xi32, #tpu.memory_space<vmem>>
      %dma_start3A_146 = arith.constant 0 : i32
      %dma_start3A_147 = tpu.memref_slice %arg4[%dma_start3A_146] : memref<10240xf32, #tpu.memory_space<vmem_shared>> -> memref<10240xf32, #tpu.memory_space<vmem_shared>>
      tpu.enqueue_indirect_dma source(%dma_start3A_142 : memref<125xf32, #tpu.memory_space<vmem>>) target(%dma_start3A_147 : memref<10240xf32, #tpu.memory_space<vmem_shared>>) offsets(%dma_start3A_145 : memref<125xi32, #tpu.memory_space<vmem>>) semaphore(%arg8 : memref<!tpu.dma_semaphore, #tpu.memory_space<semaphore_mem>>) {add = true}
      %mul3A_148 = arith.constant 16 : i32
      %mul3A_149 = arith.muli %scan3A_27, %mul3A_148 : i32
      %add3A_150 = arith.constant 11 : i32
      %add3A_151 = arith.addi %mul3A_149, %add3A_150 : i32
      %dma_start3A_152 = arith.constant 0 : i32
      %dma_start3A_153 = tpu.memref_slice %arg6[%dma_start3A_152] : memref<128xf32, #tpu.memory_space<vmem>> -> memref<125xf32, #tpu.memory_space<vmem>>
      %dma_start3A_154 = arith.constant 0 : i32
      %dma_start3A_155 = tpu.memref_slice %arg5[%add3A_151, %dma_start3A_154] : memref<80x125xi32, #tpu.memory_space<vmem>> -> memref<1x125xi32, #tpu.memory_space<vmem>>
      %dma_start3A_156 = tpu.memref_squeeze %dma_start3A_155 : memref<1x125xi32, #tpu.memory_space<vmem>> -> memref<125xi32, #tpu.memory_space<vmem>>
      %dma_start3A_157 = arith.constant 0 : i32
      %dma_start3A_158 = tpu.memref_slice %arg4[%dma_start3A_157] : memref<10240xf32, #tpu.memory_space<vmem_shared>> -> memref<10240xf32, #tpu.memory_space<vmem_shared>>
      tpu.enqueue_indirect_dma source(%dma_start3A_153 : memref<125xf32, #tpu.memory_space<vmem>>) target(%dma_start3A_158 : memref<10240xf32, #tpu.memory_space<vmem_shared>>) offsets(%dma_start3A_156 : memref<125xi32, #tpu.memory_space<vmem>>) semaphore(%arg8 : memref<!tpu.dma_semaphore, #tpu.memory_space<semaphore_mem>>) {add = true}
      %mul3A_159 = arith.constant 16 : i32
      %mul3A_160 = arith.muli %scan3A_27, %mul3A_159 : i32
      %add3A_161 = arith.constant 12 : i32
      %add3A_162 = arith.addi %mul3A_160, %add3A_161 : i32
      %dma_start3A_163 = arith.constant 0 : i32
      %dma_start3A_164 = tpu.memref_slice %arg6[%dma_start3A_163] : memref<128xf32, #tpu.memory_space<vmem>> -> memref<125xf32, #tpu.memory_space<vmem>>
      %dma_start3A_165 = arith.constant 0 : i32
      %dma_start3A_166 = tpu.memref_slice %arg5[%add3A_162, %dma_start3A_165] : memref<80x125xi32, #tpu.memory_space<vmem>> -> memref<1x125xi32, #tpu.memory_space<vmem>>
      %dma_start3A_167 = tpu.memref_squeeze %dma_start3A_166 : memref<1x125xi32, #tpu.memory_space<vmem>> -> memref<125xi32, #tpu.memory_space<vmem>>
      %dma_start3A_168 = arith.constant 0 : i32
      %dma_start3A_169 = tpu.memref_slice %arg4[%dma_start3A_168] : memref<10240xf32, #tpu.memory_space<vmem_shared>> -> memref<10240xf32, #tpu.memory_space<vmem_shared>>
      tpu.enqueue_indirect_dma source(%dma_start3A_164 : memref<125xf32, #tpu.memory_space<vmem>>) target(%dma_start3A_169 : memref<10240xf32, #tpu.memory_space<vmem_shared>>) offsets(%dma_start3A_167 : memref<125xi32, #tpu.memory_space<vmem>>) semaphore(%arg8 : memref<!tpu.dma_semaphore, #tpu.memory_space<semaphore_mem>>) {add = true}
      %mul3A_170 = arith.constant 16 : i32
      %mul3A_171 = arith.muli %scan3A_27, %mul3A_170 : i32
      %add3A_172 = arith.constant 13 : i32
      %add3A_173 = arith.addi %mul3A_171, %add3A_172 : i32
      %dma_start3A_174 = arith.constant 0 : i32
      %dma_start3A_175 = tpu.memref_slice %arg6[%dma_start3A_174] : memref<128xf32, #tpu.memory_space<vmem>> -> memref<125xf32, #tpu.memory_space<vmem>>
      %dma_start3A_176 = arith.constant 0 : i32
      %dma_start3A_177 = tpu.memref_slice %arg5[%add3A_173, %dma_start3A_176] : memref<80x125xi32, #tpu.memory_space<vmem>> -> memref<1x125xi32, #tpu.memory_space<vmem>>
      %dma_start3A_178 = tpu.memref_squeeze %dma_start3A_177 : memref<1x125xi32, #tpu.memory_space<vmem>> -> memref<125xi32, #tpu.memory_space<vmem>>
      %dma_start3A_179 = arith.constant 0 : i32
      %dma_start3A_180 = tpu.memref_slice %arg4[%dma_start3A_179] : memref<10240xf32, #tpu.memory_space<vmem_shared>> -> memref<10240xf32, #tpu.memory_space<vmem_shared>>
      tpu.enqueue_indirect_dma source(%dma_start3A_175 : memref<125xf32, #tpu.memory_space<vmem>>) target(%dma_start3A_180 : memref<10240xf32, #tpu.memory_space<vmem_shared>>) offsets(%dma_start3A_178 : memref<125xi32, #tpu.memory_space<vmem>>) semaphore(%arg8 : memref<!tpu.dma_semaphore, #tpu.memory_space<semaphore_mem>>) {add = true}
      %mul3A_181 = arith.constant 16 : i32
      %mul3A_182 = arith.muli %scan3A_27, %mul3A_181 : i32
      %add3A_183 = arith.constant 14 : i32
      %add3A_184 = arith.addi %mul3A_182, %add3A_183 : i32
      %dma_start3A_185 = arith.constant 0 : i32
      %dma_start3A_186 = tpu.memref_slice %arg6[%dma_start3A_185] : memref<128xf32, #tpu.memory_space<vmem>> -> memref<125xf32, #tpu.memory_space<vmem>>
      %dma_start3A_187 = arith.constant 0 : i32
      %dma_start3A_188 = tpu.memref_slice %arg5[%add3A_184, %dma_start3A_187] : memref<80x125xi32, #tpu.memory_space<vmem>> -> memref<1x125xi32, #tpu.memory_space<vmem>>
      %dma_start3A_189 = tpu.memref_squeeze %dma_start3A_188 : memref<1x125xi32, #tpu.memory_space<vmem>> -> memref<125xi32, #tpu.memory_space<vmem>>
      %dma_start3A_190 = arith.constant 0 : i32
      %dma_start3A_191 = tpu.memref_slice %arg4[%dma_start3A_190] : memref<10240xf32, #tpu.memory_space<vmem_shared>> -> memref<10240xf32, #tpu.memory_space<vmem_shared>>
      tpu.enqueue_indirect_dma source(%dma_start3A_186 : memref<125xf32, #tpu.memory_space<vmem>>) target(%dma_start3A_191 : memref<10240xf32, #tpu.memory_space<vmem_shared>>) offsets(%dma_start3A_189 : memref<125xi32, #tpu.memory_space<vmem>>) semaphore(%arg8 : memref<!tpu.dma_semaphore, #tpu.memory_space<semaphore_mem>>) {add = true}
      %mul3A_192 = arith.constant 16 : i32
      %mul3A_193 = arith.muli %scan3A_27, %mul3A_192 : i32
      %add3A_194 = arith.constant 15 : i32
      %add3A_195 = arith.addi %mul3A_193, %add3A_194 : i32
      %dma_start3A_196 = arith.constant 0 : i32
      %dma_start3A_197 = tpu.memref_slice %arg6[%dma_start3A_196] : memref<128xf32, #tpu.memory_space<vmem>> -> memref<125xf32, #tpu.memory_space<vmem>>
      %dma_start3A_198 = arith.constant 0 : i32
      %dma_start3A_199 = tpu.memref_slice %arg5[%add3A_195, %dma_start3A_198] : memref<80x125xi32, #tpu.memory_space<vmem>> -> memref<1x125xi32, #tpu.memory_space<vmem>>
      %dma_start3A_200 = tpu.memref_squeeze %dma_start3A_199 : memref<1x125xi32, #tpu.memory_space<vmem>> -> memref<125xi32, #tpu.memory_space<vmem>>
      %dma_start3A_201 = arith.constant 0 : i32
      %dma_start3A_202 = tpu.memref_slice %arg4[%dma_start3A_201] : memref<10240xf32, #tpu.memory_space<vmem_shared>> -> memref<10240xf32, #tpu.memory_space<vmem_shared>>
      tpu.enqueue_indirect_dma source(%dma_start3A_197 : memref<125xf32, #tpu.memory_space<vmem>>) target(%dma_start3A_202 : memref<10240xf32, #tpu.memory_space<vmem_shared>>) offsets(%dma_start3A_200 : memref<125xi32, #tpu.memory_space<vmem>>) semaphore(%arg8 : memref<!tpu.dma_semaphore, #tpu.memory_space<semaphore_mem>>) {add = true}
      %mul3A_203 = arith.constant 16 : i32
      %mul3A_204 = arith.muli %scan3A_27, %mul3A_203 : i32
      %add3A_205 = arith.constant 0 : i32
      %add3A_206 = arith.addi %mul3A_204, %add3A_205 : i32
      %dma_wait3A = arith.constant 0 : i32
      %dma_wait3A_207 = tpu.memref_slice %arg6[%dma_wait3A] : memref<128xf32, #tpu.memory_space<vmem>> -> memref<125xf32, #tpu.memory_space<vmem>>
      %dma_wait3A_208 = arith.constant 0 : i32
      %dma_wait3A_209 = tpu.memref_slice %arg5[%add3A_206, %dma_wait3A_208] : memref<80x125xi32, #tpu.memory_space<vmem>> -> memref<1x125xi32, #tpu.memory_space<vmem>>
      %dma_wait3A_210 = tpu.memref_squeeze %dma_wait3A_209 : memref<1x125xi32, #tpu.memory_space<vmem>> -> memref<125xi32, #tpu.memory_space<vmem>>
      %dma_wait3A_211 = arith.constant 0 : i32
      %dma_wait3A_212 = tpu.memref_slice %arg4[%dma_wait3A_211] : memref<10240xf32, #tpu.memory_space<vmem_shared>> -> memref<10240xf32, #tpu.memory_space<vmem_shared>>
      tpu.wait_indirect_dma semaphore(%arg8 : memref<!tpu.dma_semaphore, #tpu.memory_space<semaphore_mem>>) src(%dma_wait3A_207 : memref<125xf32, #tpu.memory_space<vmem>>) dst(%dma_wait3A_212 : memref<10240xf32, #tpu.memory_space<vmem_shared>>)
      %mul3A_213 = arith.constant 16 : i32
      %mul3A_214 = arith.muli %scan3A_27, %mul3A_213 : i32
      %add3A_215 = arith.constant 1 : i32
      %add3A_216 = arith.addi %mul3A_214, %add3A_215 : i32
      %dma_wait3A_217 = arith.constant 0 : i32
      %dma_wait3A_218 = tpu.memref_slice %arg6[%dma_wait3A_217] : memref<128xf32, #tpu.memory_space<vmem>> -> memref<125xf32, #tpu.memory_space<vmem>>
      %dma_wait3A_219 = arith.constant 0 : i32
      %dma_wait3A_220 = tpu.memref_slice %arg5[%add3A_216, %dma_wait3A_219] : memref<80x125xi32, #tpu.memory_space<vmem>> -> memref<1x125xi32, #tpu.memory_space<vmem>>
      %dma_wait3A_221 = tpu.memref_squeeze %dma_wait3A_220 : memref<1x125xi32, #tpu.memory_space<vmem>> -> memref<125xi32, #tpu.memory_space<vmem>>
      %dma_wait3A_222 = arith.constant 0 : i32
      %dma_wait3A_223 = tpu.memref_slice %arg4[%dma_wait3A_222] : memref<10240xf32, #tpu.memory_space<vmem_shared>> -> memref<10240xf32, #tpu.memory_space<vmem_shared>>
      tpu.wait_indirect_dma semaphore(%arg8 : memref<!tpu.dma_semaphore, #tpu.memory_space<semaphore_mem>>) src(%dma_wait3A_218 : memref<125xf32, #tpu.memory_space<vmem>>) dst(%dma_wait3A_223 : memref<10240xf32, #tpu.memory_space<vmem_shared>>)
      %mul3A_224 = arith.constant 16 : i32
      %mul3A_225 = arith.muli %scan3A_27, %mul3A_224 : i32
      %add3A_226 = arith.constant 2 : i32
      %add3A_227 = arith.addi %mul3A_225, %add3A_226 : i32
      %dma_wait3A_228 = arith.constant 0 : i32
      %dma_wait3A_229 = tpu.memref_slice %arg6[%dma_wait3A_228] : memref<128xf32, #tpu.memory_space<vmem>> -> memref<125xf32, #tpu.memory_space<vmem>>
      %dma_wait3A_230 = arith.constant 0 : i32
      %dma_wait3A_231 = tpu.memref_slice %arg5[%add3A_227, %dma_wait3A_230] : memref<80x125xi32, #tpu.memory_space<vmem>> -> memref<1x125xi32, #tpu.memory_space<vmem>>
      %dma_wait3A_232 = tpu.memref_squeeze %dma_wait3A_231 : memref<1x125xi32, #tpu.memory_space<vmem>> -> memref<125xi32, #tpu.memory_space<vmem>>
      %dma_wait3A_233 = arith.constant 0 : i32
      %dma_wait3A_234 = tpu.memref_slice %arg4[%dma_wait3A_233] : memref<10240xf32, #tpu.memory_space<vmem_shared>> -> memref<10240xf32, #tpu.memory_space<vmem_shared>>
      tpu.wait_indirect_dma semaphore(%arg8 : memref<!tpu.dma_semaphore, #tpu.memory_space<semaphore_mem>>) src(%dma_wait3A_229 : memref<125xf32, #tpu.memory_space<vmem>>) dst(%dma_wait3A_234 : memref<10240xf32, #tpu.memory_space<vmem_shared>>)
      %mul3A_235 = arith.constant 16 : i32
      %mul3A_236 = arith.muli %scan3A_27, %mul3A_235 : i32
      %add3A_237 = arith.constant 3 : i32
      %add3A_238 = arith.addi %mul3A_236, %add3A_237 : i32
      %dma_wait3A_239 = arith.constant 0 : i32
      %dma_wait3A_240 = tpu.memref_slice %arg6[%dma_wait3A_239] : memref<128xf32, #tpu.memory_space<vmem>> -> memref<125xf32, #tpu.memory_space<vmem>>
      %dma_wait3A_241 = arith.constant 0 : i32
      %dma_wait3A_242 = tpu.memref_slice %arg5[%add3A_238, %dma_wait3A_241] : memref<80x125xi32, #tpu.memory_space<vmem>> -> memref<1x125xi32, #tpu.memory_space<vmem>>
      %dma_wait3A_243 = tpu.memref_squeeze %dma_wait3A_242 : memref<1x125xi32, #tpu.memory_space<vmem>> -> memref<125xi32, #tpu.memory_space<vmem>>
      %dma_wait3A_244 = arith.constant 0 : i32
      %dma_wait3A_245 = tpu.memref_slice %arg4[%dma_wait3A_244] : memref<10240xf32, #tpu.memory_space<vmem_shared>> -> memref<10240xf32, #tpu.memory_space<vmem_shared>>
      tpu.wait_indirect_dma semaphore(%arg8 : memref<!tpu.dma_semaphore, #tpu.memory_space<semaphore_mem>>) src(%dma_wait3A_240 : memref<125xf32, #tpu.memory_space<vmem>>) dst(%dma_wait3A_245 : memref<10240xf32, #tpu.memory_space<vmem_shared>>)
      %mul3A_246 = arith.constant 16 : i32
      %mul3A_247 = arith.muli %scan3A_27, %mul3A_246 : i32
      %add3A_248 = arith.constant 4 : i32
      %add3A_249 = arith.addi %mul3A_247, %add3A_248 : i32
      %dma_wait3A_250 = arith.constant 0 : i32
      %dma_wait3A_251 = tpu.memref_slice %arg6[%dma_wait3A_250] : memref<128xf32, #tpu.memory_space<vmem>> -> memref<125xf32, #tpu.memory_space<vmem>>
      %dma_wait3A_252 = arith.constant 0 : i32
      %dma_wait3A_253 = tpu.memref_slice %arg5[%add3A_249, %dma_wait3A_252] : memref<80x125xi32, #tpu.memory_space<vmem>> -> memref<1x125xi32, #tpu.memory_space<vmem>>
      %dma_wait3A_254 = tpu.memref_squeeze %dma_wait3A_253 : memref<1x125xi32, #tpu.memory_space<vmem>> -> memref<125xi32, #tpu.memory_space<vmem>>
      %dma_wait3A_255 = arith.constant 0 : i32
      %dma_wait3A_256 = tpu.memref_slice %arg4[%dma_wait3A_255] : memref<10240xf32, #tpu.memory_space<vmem_shared>> -> memref<10240xf32, #tpu.memory_space<vmem_shared>>
      tpu.wait_indirect_dma semaphore(%arg8 : memref<!tpu.dma_semaphore, #tpu.memory_space<semaphore_mem>>) src(%dma_wait3A_251 : memref<125xf32, #tpu.memory_space<vmem>>) dst(%dma_wait3A_256 : memref<10240xf32, #tpu.memory_space<vmem_shared>>)
      %mul3A_257 = arith.constant 16 : i32
      %mul3A_258 = arith.muli %scan3A_27, %mul3A_257 : i32
      %add3A_259 = arith.constant 5 : i32
      %add3A_260 = arith.addi %mul3A_258, %add3A_259 : i32
      %dma_wait3A_261 = arith.constant 0 : i32
      %dma_wait3A_262 = tpu.memref_slice %arg6[%dma_wait3A_261] : memref<128xf32, #tpu.memory_space<vmem>> -> memref<125xf32, #tpu.memory_space<vmem>>
      %dma_wait3A_263 = arith.constant 0 : i32
      %dma_wait3A_264 = tpu.memref_slice %arg5[%add3A_260, %dma_wait3A_263] : memref<80x125xi32, #tpu.memory_space<vmem>> -> memref<1x125xi32, #tpu.memory_space<vmem>>
      %dma_wait3A_265 = tpu.memref_squeeze %dma_wait3A_264 : memref<1x125xi32, #tpu.memory_space<vmem>> -> memref<125xi32, #tpu.memory_space<vmem>>
      %dma_wait3A_266 = arith.constant 0 : i32
      %dma_wait3A_267 = tpu.memref_slice %arg4[%dma_wait3A_266] : memref<10240xf32, #tpu.memory_space<vmem_shared>> -> memref<10240xf32, #tpu.memory_space<vmem_shared>>
      tpu.wait_indirect_dma semaphore(%arg8 : memref<!tpu.dma_semaphore, #tpu.memory_space<semaphore_mem>>) src(%dma_wait3A_262 : memref<125xf32, #tpu.memory_space<vmem>>) dst(%dma_wait3A_267 : memref<10240xf32, #tpu.memory_space<vmem_shared>>)
      %mul3A_268 = arith.constant 16 : i32
      %mul3A_269 = arith.muli %scan3A_27, %mul3A_268 : i32
      %add3A_270 = arith.constant 6 : i32
      %add3A_271 = arith.addi %mul3A_269, %add3A_270 : i32
      %dma_wait3A_272 = arith.constant 0 : i32
      %dma_wait3A_273 = tpu.memref_slice %arg6[%dma_wait3A_272] : memref<128xf32, #tpu.memory_space<vmem>> -> memref<125xf32, #tpu.memory_space<vmem>>
      %dma_wait3A_274 = arith.constant 0 : i32
      %dma_wait3A_275 = tpu.memref_slice %arg5[%add3A_271, %dma_wait3A_274] : memref<80x125xi32, #tpu.memory_space<vmem>> -> memref<1x125xi32, #tpu.memory_space<vmem>>
      %dma_wait3A_276 = tpu.memref_squeeze %dma_wait3A_275 : memref<1x125xi32, #tpu.memory_space<vmem>> -> memref<125xi32, #tpu.memory_space<vmem>>
      %dma_wait3A_277 = arith.constant 0 : i32
      %dma_wait3A_278 = tpu.memref_slice %arg4[%dma_wait3A_277] : memref<10240xf32, #tpu.memory_space<vmem_shared>> -> memref<10240xf32, #tpu.memory_space<vmem_shared>>
      tpu.wait_indirect_dma semaphore(%arg8 : memref<!tpu.dma_semaphore, #tpu.memory_space<semaphore_mem>>) src(%dma_wait3A_273 : memref<125xf32, #tpu.memory_space<vmem>>) dst(%dma_wait3A_278 : memref<10240xf32, #tpu.memory_space<vmem_shared>>)
      %mul3A_279 = arith.constant 16 : i32
      %mul3A_280 = arith.muli %scan3A_27, %mul3A_279 : i32
      %add3A_281 = arith.constant 7 : i32
      %add3A_282 = arith.addi %mul3A_280, %add3A_281 : i32
      %dma_wait3A_283 = arith.constant 0 : i32
      %dma_wait3A_284 = tpu.memref_slice %arg6[%dma_wait3A_283] : memref<128xf32, #tpu.memory_space<vmem>> -> memref<125xf32, #tpu.memory_space<vmem>>
      %dma_wait3A_285 = arith.constant 0 : i32
      %dma_wait3A_286 = tpu.memref_slice %arg5[%add3A_282, %dma_wait3A_285] : memref<80x125xi32, #tpu.memory_space<vmem>> -> memref<1x125xi32, #tpu.memory_space<vmem>>
      %dma_wait3A_287 = tpu.memref_squeeze %dma_wait3A_286 : memref<1x125xi32, #tpu.memory_space<vmem>> -> memref<125xi32, #tpu.memory_space<vmem>>
      %dma_wait3A_288 = arith.constant 0 : i32
      %dma_wait3A_289 = tpu.memref_slice %arg4[%dma_wait3A_288] : memref<10240xf32, #tpu.memory_space<vmem_shared>> -> memref<10240xf32, #tpu.memory_space<vmem_shared>>
      tpu.wait_indirect_dma semaphore(%arg8 : memref<!tpu.dma_semaphore, #tpu.memory_space<semaphore_mem>>) src(%dma_wait3A_284 : memref<125xf32, #tpu.memory_space<vmem>>) dst(%dma_wait3A_289 : memref<10240xf32, #tpu.memory_space<vmem_shared>>)
      %mul3A_290 = arith.constant 16 : i32
      %mul3A_291 = arith.muli %scan3A_27, %mul3A_290 : i32
      %add3A_292 = arith.constant 8 : i32
      %add3A_293 = arith.addi %mul3A_291, %add3A_292 : i32
      %dma_wait3A_294 = arith.constant 0 : i32
      %dma_wait3A_295 = tpu.memref_slice %arg6[%dma_wait3A_294] : memref<128xf32, #tpu.memory_space<vmem>> -> memref<125xf32, #tpu.memory_space<vmem>>
      %dma_wait3A_296 = arith.constant 0 : i32
      %dma_wait3A_297 = tpu.memref_slice %arg5[%add3A_293, %dma_wait3A_296] : memref<80x125xi32, #tpu.memory_space<vmem>> -> memref<1x125xi32, #tpu.memory_space<vmem>>
      %dma_wait3A_298 = tpu.memref_squeeze %dma_wait3A_297 : memref<1x125xi32, #tpu.memory_space<vmem>> -> memref<125xi32, #tpu.memory_space<vmem>>
      %dma_wait3A_299 = arith.constant 0 : i32
      %dma_wait3A_300 = tpu.memref_slice %arg4[%dma_wait3A_299] : memref<10240xf32, #tpu.memory_space<vmem_shared>> -> memref<10240xf32, #tpu.memory_space<vmem_shared>>
      tpu.wait_indirect_dma semaphore(%arg8 : memref<!tpu.dma_semaphore, #tpu.memory_space<semaphore_mem>>) src(%dma_wait3A_295 : memref<125xf32, #tpu.memory_space<vmem>>) dst(%dma_wait3A_300 : memref<10240xf32, #tpu.memory_space<vmem_shared>>)
      %mul3A_301 = arith.constant 16 : i32
      %mul3A_302 = arith.muli %scan3A_27, %mul3A_301 : i32
      %add3A_303 = arith.constant 9 : i32
      %add3A_304 = arith.addi %mul3A_302, %add3A_303 : i32
      %dma_wait3A_305 = arith.constant 0 : i32
      %dma_wait3A_306 = tpu.memref_slice %arg6[%dma_wait3A_305] : memref<128xf32, #tpu.memory_space<vmem>> -> memref<125xf32, #tpu.memory_space<vmem>>
      %dma_wait3A_307 = arith.constant 0 : i32
      %dma_wait3A_308 = tpu.memref_slice %arg5[%add3A_304, %dma_wait3A_307] : memref<80x125xi32, #tpu.memory_space<vmem>> -> memref<1x125xi32, #tpu.memory_space<vmem>>
      %dma_wait3A_309 = tpu.memref_squeeze %dma_wait3A_308 : memref<1x125xi32, #tpu.memory_space<vmem>> -> memref<125xi32, #tpu.memory_space<vmem>>
      %dma_wait3A_310 = arith.constant 0 : i32
      %dma_wait3A_311 = tpu.memref_slice %arg4[%dma_wait3A_310] : memref<10240xf32, #tpu.memory_space<vmem_shared>> -> memref<10240xf32, #tpu.memory_space<vmem_shared>>
      tpu.wait_indirect_dma semaphore(%arg8 : memref<!tpu.dma_semaphore, #tpu.memory_space<semaphore_mem>>) src(%dma_wait3A_306 : memref<125xf32, #tpu.memory_space<vmem>>) dst(%dma_wait3A_311 : memref<10240xf32, #tpu.memory_space<vmem_shared>>)
      %mul3A_312 = arith.constant 16 : i32
      %mul3A_313 = arith.muli %scan3A_27, %mul3A_312 : i32
      %add3A_314 = arith.constant 10 : i32
      %add3A_315 = arith.addi %mul3A_313, %add3A_314 : i32
      %dma_wait3A_316 = arith.constant 0 : i32
      %dma_wait3A_317 = tpu.memref_slice %arg6[%dma_wait3A_316] : memref<128xf32, #tpu.memory_space<vmem>> -> memref<125xf32, #tpu.memory_space<vmem>>
      %dma_wait3A_318 = arith.constant 0 : i32
      %dma_wait3A_319 = tpu.memref_slice %arg5[%add3A_315, %dma_wait3A_318] : memref<80x125xi32, #tpu.memory_space<vmem>> -> memref<1x125xi32, #tpu.memory_space<vmem>>
      %dma_wait3A_320 = tpu.memref_squeeze %dma_wait3A_319 : memref<1x125xi32, #tpu.memory_space<vmem>> -> memref<125xi32, #tpu.memory_space<vmem>>
      %dma_wait3A_321 = arith.constant 0 : i32
      %dma_wait3A_322 = tpu.memref_slice %arg4[%dma_wait3A_321] : memref<10240xf32, #tpu.memory_space<vmem_shared>> -> memref<10240xf32, #tpu.memory_space<vmem_shared>>
      tpu.wait_indirect_dma semaphore(%arg8 : memref<!tpu.dma_semaphore, #tpu.memory_space<semaphore_mem>>) src(%dma_wait3A_317 : memref<125xf32, #tpu.memory_space<vmem>>) dst(%dma_wait3A_322 : memref<10240xf32, #tpu.memory_space<vmem_shared>>)
      %mul3A_323 = arith.constant 16 : i32
      %mul3A_324 = arith.muli %scan3A_27, %mul3A_323 : i32
      %add3A_325 = arith.constant 11 : i32
      %add3A_326 = arith.addi %mul3A_324, %add3A_325 : i32
      %dma_wait3A_327 = arith.constant 0 : i32
      %dma_wait3A_328 = tpu.memref_slice %arg6[%dma_wait3A_327] : memref<128xf32, #tpu.memory_space<vmem>> -> memref<125xf32, #tpu.memory_space<vmem>>
      %dma_wait3A_329 = arith.constant 0 : i32
      %dma_wait3A_330 = tpu.memref_slice %arg5[%add3A_326, %dma_wait3A_329] : memref<80x125xi32, #tpu.memory_space<vmem>> -> memref<1x125xi32, #tpu.memory_space<vmem>>
      %dma_wait3A_331 = tpu.memref_squeeze %dma_wait3A_330 : memref<1x125xi32, #tpu.memory_space<vmem>> -> memref<125xi32, #tpu.memory_space<vmem>>
      %dma_wait3A_332 = arith.constant 0 : i32
      %dma_wait3A_333 = tpu.memref_slice %arg4[%dma_wait3A_332] : memref<10240xf32, #tpu.memory_space<vmem_shared>> -> memref<10240xf32, #tpu.memory_space<vmem_shared>>
      tpu.wait_indirect_dma semaphore(%arg8 : memref<!tpu.dma_semaphore, #tpu.memory_space<semaphore_mem>>) src(%dma_wait3A_328 : memref<125xf32, #tpu.memory_space<vmem>>) dst(%dma_wait3A_333 : memref<10240xf32, #tpu.memory_space<vmem_shared>>)
      %mul3A_334 = arith.constant 16 : i32
      %mul3A_335 = arith.muli %scan3A_27, %mul3A_334 : i32
      %add3A_336 = arith.constant 12 : i32
      %add3A_337 = arith.addi %mul3A_335, %add3A_336 : i32
      %dma_wait3A_338 = arith.constant 0 : i32
      %dma_wait3A_339 = tpu.memref_slice %arg6[%dma_wait3A_338] : memref<128xf32, #tpu.memory_space<vmem>> -> memref<125xf32, #tpu.memory_space<vmem>>
      %dma_wait3A_340 = arith.constant 0 : i32
      %dma_wait3A_341 = tpu.memref_slice %arg5[%add3A_337, %dma_wait3A_340] : memref<80x125xi32, #tpu.memory_space<vmem>> -> memref<1x125xi32, #tpu.memory_space<vmem>>
      %dma_wait3A_342 = tpu.memref_squeeze %dma_wait3A_341 : memref<1x125xi32, #tpu.memory_space<vmem>> -> memref<125xi32, #tpu.memory_space<vmem>>
      %dma_wait3A_343 = arith.constant 0 : i32
      %dma_wait3A_344 = tpu.memref_slice %arg4[%dma_wait3A_343] : memref<10240xf32, #tpu.memory_space<vmem_shared>> -> memref<10240xf32, #tpu.memory_space<vmem_shared>>
      tpu.wait_indirect_dma semaphore(%arg8 : memref<!tpu.dma_semaphore, #tpu.memory_space<semaphore_mem>>) src(%dma_wait3A_339 : memref<125xf32, #tpu.memory_space<vmem>>) dst(%dma_wait3A_344 : memref<10240xf32, #tpu.memory_space<vmem_shared>>)
      %mul3A_345 = arith.constant 16 : i32
      %mul3A_346 = arith.muli %scan3A_27, %mul3A_345 : i32
      %add3A_347 = arith.constant 13 : i32
      %add3A_348 = arith.addi %mul3A_346, %add3A_347 : i32
      %dma_wait3A_349 = arith.constant 0 : i32
      %dma_wait3A_350 = tpu.memref_slice %arg6[%dma_wait3A_349] : memref<128xf32, #tpu.memory_space<vmem>> -> memref<125xf32, #tpu.memory_space<vmem>>
      %dma_wait3A_351 = arith.constant 0 : i32
      %dma_wait3A_352 = tpu.memref_slice %arg5[%add3A_348, %dma_wait3A_351] : memref<80x125xi32, #tpu.memory_space<vmem>> -> memref<1x125xi32, #tpu.memory_space<vmem>>
      %dma_wait3A_353 = tpu.memref_squeeze %dma_wait3A_352 : memref<1x125xi32, #tpu.memory_space<vmem>> -> memref<125xi32, #tpu.memory_space<vmem>>
      %dma_wait3A_354 = arith.constant 0 : i32
      %dma_wait3A_355 = tpu.memref_slice %arg4[%dma_wait3A_354] : memref<10240xf32, #tpu.memory_space<vmem_shared>> -> memref<10240xf32, #tpu.memory_space<vmem_shared>>
      tpu.wait_indirect_dma semaphore(%arg8 : memref<!tpu.dma_semaphore, #tpu.memory_space<semaphore_mem>>) src(%dma_wait3A_350 : memref<125xf32, #tpu.memory_space<vmem>>) dst(%dma_wait3A_355 : memref<10240xf32, #tpu.memory_space<vmem_shared>>)
      %mul3A_356 = arith.constant 16 : i32
      %mul3A_357 = arith.muli %scan3A_27, %mul3A_356 : i32
      %add3A_358 = arith.constant 14 : i32
      %add3A_359 = arith.addi %mul3A_357, %add3A_358 : i32
      %dma_wait3A_360 = arith.constant 0 : i32
      %dma_wait3A_361 = tpu.memref_slice %arg6[%dma_wait3A_360] : memref<128xf32, #tpu.memory_space<vmem>> -> memref<125xf32, #tpu.memory_space<vmem>>
      %dma_wait3A_362 = arith.constant 0 : i32
      %dma_wait3A_363 = tpu.memref_slice %arg5[%add3A_359, %dma_wait3A_362] : memref<80x125xi32, #tpu.memory_space<vmem>> -> memref<1x125xi32, #tpu.memory_space<vmem>>
      %dma_wait3A_364 = tpu.memref_squeeze %dma_wait3A_363 : memref<1x125xi32, #tpu.memory_space<vmem>> -> memref<125xi32, #tpu.memory_space<vmem>>
      %dma_wait3A_365 = arith.constant 0 : i32
      %dma_wait3A_366 = tpu.memref_slice %arg4[%dma_wait3A_365] : memref<10240xf32, #tpu.memory_space<vmem_shared>> -> memref<10240xf32, #tpu.memory_space<vmem_shared>>
      tpu.wait_indirect_dma semaphore(%arg8 : memref<!tpu.dma_semaphore, #tpu.memory_space<semaphore_mem>>) src(%dma_wait3A_361 : memref<125xf32, #tpu.memory_space<vmem>>) dst(%dma_wait3A_366 : memref<10240xf32, #tpu.memory_space<vmem_shared>>)
      %mul3A_367 = arith.constant 16 : i32
      %mul3A_368 = arith.muli %scan3A_27, %mul3A_367 : i32
      %add3A_369 = arith.constant 15 : i32
      %add3A_370 = arith.addi %mul3A_368, %add3A_369 : i32
      %dma_wait3A_371 = arith.constant 0 : i32
      %dma_wait3A_372 = tpu.memref_slice %arg6[%dma_wait3A_371] : memref<128xf32, #tpu.memory_space<vmem>> -> memref<125xf32, #tpu.memory_space<vmem>>
      %dma_wait3A_373 = arith.constant 0 : i32
      %dma_wait3A_374 = tpu.memref_slice %arg5[%add3A_370, %dma_wait3A_373] : memref<80x125xi32, #tpu.memory_space<vmem>> -> memref<1x125xi32, #tpu.memory_space<vmem>>
      %dma_wait3A_375 = tpu.memref_squeeze %dma_wait3A_374 : memref<1x125xi32, #tpu.memory_space<vmem>> -> memref<125xi32, #tpu.memory_space<vmem>>
      %dma_wait3A_376 = arith.constant 0 : i32
      %dma_wait3A_377 = tpu.memref_slice %arg4[%dma_wait3A_376] : memref<10240xf32, #tpu.memory_space<vmem_shared>> -> memref<10240xf32, #tpu.memory_space<vmem_shared>>
      tpu.wait_indirect_dma semaphore(%arg8 : memref<!tpu.dma_semaphore, #tpu.memory_space<semaphore_mem>>) src(%dma_wait3A_372 : memref<125xf32, #tpu.memory_space<vmem>>) dst(%dma_wait3A_377 : memref<10240xf32, #tpu.memory_space<vmem_shared>>)
    }
    %scan3A_21 = arith.constant 5 : i32
    %barrier3A_22 = arith.constant 0 : index
    tpu.barrier barrier_id(%barrier3A_22)
    %mul3A_23 = arith.constant 640 : i32
    %mul3A_24 = arith.muli %arg1, %mul3A_23 : i32
    %mul3A_25 = arith.constant 640 : i32
    %mul3A_26 = arith.muli %arg1, %mul3A_25 : i32
    "tpu.region"() ({
      %run_scoped3A = tpu.sem_alloc : memref<!tpu.dma_semaphore, #tpu.memory_space<semaphore_mem>>
      %dma_start3A = tpu.memref_slice %arg3[%arg0, %mul3A_26] : memref<2x10240xf32, #tpu.memory_space<hbm>> -> memref<1x640xf32, #tpu.memory_space<hbm>>
      %dma_start3A_27 = tpu.memref_squeeze %dma_start3A : memref<1x640xf32, #tpu.memory_space<hbm>> -> memref<640xf32, #tpu.memory_space<hbm>>
      %dma_start3A_28 = tpu.memref_slice %arg4[%mul3A_24] : memref<10240xf32, #tpu.memory_space<vmem_shared>> -> memref<640xf32, #tpu.memory_space<vmem_shared>>
      tpu.enqueue_dma source(%dma_start3A_28 : memref<640xf32, #tpu.memory_space<vmem_shared>>) target(%dma_start3A_27 : memref<640xf32, #tpu.memory_space<hbm>>) target_semaphore(%run_scoped3A : memref<!tpu.dma_semaphore, #tpu.memory_space<semaphore_mem>>)
      %dma_wait3A = tpu.memref_slice %arg3[%arg0, %mul3A_26] : memref<2x10240xf32, #tpu.memory_space<hbm>> -> memref<1x640xf32, #tpu.memory_space<hbm>>
      %dma_wait3A_29 = tpu.memref_squeeze %dma_wait3A : memref<1x640xf32, #tpu.memory_space<hbm>> -> memref<640xf32, #tpu.memory_space<hbm>>
      %dma_wait3A_30 = tpu.memref_slice %arg4[%mul3A_24] : memref<10240xf32, #tpu.memory_space<vmem_shared>> -> memref<640xf32, #tpu.memory_space<vmem_shared>>
      tpu.wait_dma2 semaphore(%run_scoped3A : memref<!tpu.dma_semaphore, #tpu.memory_space<semaphore_mem>>) src(%dma_wait3A_30 : memref<640xf32, #tpu.memory_space<vmem_shared>>) dst(%dma_wait3A_29 : memref<640xf32, #tpu.memory_space<hbm>>)
      tpu.yield
    }) : () -> ()
    return
  }
}

module attributes {stable_mosaic.version = 14 : i64} {
  func.func @_scale_feat_body(%arg0: i32, %arg1: memref<2x10240xf32, #tpu.memory_space<vmem>>, %arg2: memref<2048x128xf32, #tpu.memory_space<vmem>>, %arg3: memref<2048x128xf32, #tpu.memory_space<vmem>>) attributes {dimension_semantics = [#tpu.dimension_semantics<arbitrary>], iteration_bounds = array<i64: 5>, scalar_prefetch = 0 : i64, scratch_operands = 0 : i64, tpu.core_type = #tpu.core_type<tc>, window_params = [{pipeline_mode = #tpu.pipeline_mode<synchronous>, transform_indices = @transform_0, window_bounds = array<i64: 2, 10240>}, {transform_indices = @transform_1, window_bounds = array<i64: 2048, 128>}, {transform_indices = @transform_2, window_bounds = array<i64: 2048, 128>}]} {
    %mul3A = arith.constant 2048 : i32
    %mul3A_0 = arith.muli %arg0, %mul3A : i32
    %get3A = arith.constant 0 : index
    %get3A_1 = arith.index_cast %mul3A_0 : i32 to index
    %get3A_2 = vector.load %arg1[%get3A, %get3A_1] : memref<2x10240xf32, #tpu.memory_space<vmem>>, vector<1x2048xf32>
    %get3A_3 = vector.shape_cast %get3A_2 : vector<1x2048xf32> to vector<2048xf32>
    %mul3A_4 = arith.constant 2048 : i32
    %mul3A_5 = arith.muli %arg0, %mul3A_4 : i32
    %get3A_6 = arith.constant 1 : index
    %get3A_7 = arith.index_cast %mul3A_5 : i32 to index
    %get3A_8 = vector.load %arg1[%get3A_6, %get3A_7] : memref<2x10240xf32, #tpu.memory_space<vmem>>, vector<1x2048xf32>
    %get3A_9 = vector.shape_cast %get3A_8 : vector<1x2048xf32> to vector<2048xf32>
    %add3A = arith.addf %get3A_3, %get3A_9 : vector<2048xf32>
    %max3A = arith.constant 1.000000e+00 : f32
    %max3A_10 = vector.broadcast %max3A : f32 to vector<2048xf32>
    %max3A_11 = arith.maximumf %add3A, %max3A_10 : vector<2048xf32>
    %rsqrt3A = math.rsqrt %max3A_11 : vector<2048xf32>
    %get3A_12 = arith.constant 0 : index
    %get3A_13 = arith.constant 0 : index
    %get3A_14 = vector.load %arg2[%get3A_12, %get3A_13] : memref<2048x128xf32, #tpu.memory_space<vmem>>, vector<2048x128xf32>
    %broadcast_in_dim3A = vector.shape_cast %rsqrt3A : vector<2048xf32> to vector<2048x1xf32>
    %mul3A_15 = vector.broadcast %broadcast_in_dim3A : vector<2048x1xf32> to vector<2048x128xf32>
    %mul3A_16 = arith.mulf %get3A_14, %mul3A_15 : vector<2048x128xf32>
    %swap3A = arith.constant 0 : index
    %swap3A_17 = arith.constant 0 : index
    %swap3A_18 = vector.load %arg3[%swap3A, %swap3A_17] : memref<2048x128xf32, #tpu.memory_space<vmem>>, vector<2048x128xf32>
    tpu.vector_store %arg3[%swap3A, %swap3A_17], %mul3A_16 {strides = array<i32>} : memref<2048x128xf32, #tpu.memory_space<vmem>>, vector<2048x128xf32>,
    return
  }
  func.func @transform_0(%arg0: i32) -> (i32, i32) {
    %c0_i32 = arith.constant 0 : i32
    %c0_i32_0 = arith.constant 0 : i32
    %c0_i32_1 = arith.constant 0 : i32
    return %c0_i32, %c0_i32_0 : i32, i32
  }
  func.func @transform_1(%arg0: i32) -> (i32, i32) {
    %c0_i32 = arith.constant 0 : i32
    %c0_i32_0 = arith.constant 0 : i32
    return %arg0, %c0_i32 : i32, i32
  }
  func.func @transform_2(%arg0: i32) -> (i32, i32) {
    %c0_i32 = arith.constant 0 : i32
    %c0_i32_0 = arith.constant 0 : i32
    return %arg0, %c0_i32 : i32, i32
  }
}

module attributes {stable_mosaic.version = 14 : i64} {
  func.func @_combine_mid_body(%arg0: i32, %arg1: memref<2x10240xf32, #tpu.memory_space<vmem>>, %arg2: memref<2x2048x128xf32, #tpu.memory_space<vmem>>, %arg3: memref<2048x128xf32, #tpu.memory_space<vmem>>) attributes {dimension_semantics = [#tpu.dimension_semantics<arbitrary>], iteration_bounds = array<i64: 5>, scalar_prefetch = 0 : i64, scratch_operands = 0 : i64, tpu.core_type = #tpu.core_type<tc>, window_params = [{pipeline_mode = #tpu.pipeline_mode<synchronous>, transform_indices = @transform_0, window_bounds = array<i64: 2, 10240>}, {transform_indices = @transform_1, window_bounds = array<i64: 2, 2048, 128>}, {transform_indices = @transform_2, window_bounds = array<i64: 2048, 128>}]} {
    %mul3A = arith.constant 2048 : i32
    %mul3A_0 = arith.muli %arg0, %mul3A : i32
    %get3A = arith.constant 0 : index
    %get3A_1 = arith.index_cast %mul3A_0 : i32 to index
    %get3A_2 = vector.load %arg1[%get3A, %get3A_1] : memref<2x10240xf32, #tpu.memory_space<vmem>>, vector<1x2048xf32>
    %get3A_3 = vector.shape_cast %get3A_2 : vector<1x2048xf32> to vector<2048xf32>
    %mul3A_4 = arith.constant 2048 : i32
    %mul3A_5 = arith.muli %arg0, %mul3A_4 : i32
    %get3A_6 = arith.constant 1 : index
    %get3A_7 = arith.index_cast %mul3A_5 : i32 to index
    %get3A_8 = vector.load %arg1[%get3A_6, %get3A_7] : memref<2x10240xf32, #tpu.memory_space<vmem>>, vector<1x2048xf32>
    %get3A_9 = vector.shape_cast %get3A_8 : vector<1x2048xf32> to vector<2048xf32>
    %add3A = arith.addf %get3A_3, %get3A_9 : vector<2048xf32>
    %max3A = arith.constant 1.000000e+00 : f32
    %max3A_10 = vector.broadcast %max3A : f32 to vector<2048xf32>
    %max3A_11 = arith.maximumf %add3A, %max3A_10 : vector<2048xf32>
    %div3A = arith.constant 1.000000e+00 : f32
    %div3A_12 = vector.broadcast %div3A : f32 to vector<2048xf32>
    %div3A_13 = arith.divf %div3A_12, %max3A_11 : vector<2048xf32>
    %get3A_14 = arith.constant 0 : index
    %get3A_15 = arith.constant 0 : index
    %get3A_16 = arith.constant 0 : index
    %get3A_17 = vector.load %arg2[%get3A_14, %get3A_15, %get3A_16] : memref<2x2048x128xf32, #tpu.memory_space<vmem>>, vector<1x2048x128xf32>
    %get3A_18 = vector.shape_cast %get3A_17 : vector<1x2048x128xf32> to vector<2048x128xf32>
    %get3A_19 = arith.constant 1 : index
    %get3A_20 = arith.constant 0 : index
    %get3A_21 = arith.constant 0 : index
    %get3A_22 = vector.load %arg2[%get3A_19, %get3A_20, %get3A_21] : memref<2x2048x128xf32, #tpu.memory_space<vmem>>, vector<1x2048x128xf32>
    %get3A_23 = vector.shape_cast %get3A_22 : vector<1x2048x128xf32> to vector<2048x128xf32>
    %add3A_24 = arith.addf %get3A_18, %get3A_23 : vector<2048x128xf32>
    %broadcast_in_dim3A = vector.shape_cast %div3A_13 : vector<2048xf32> to vector<2048x1xf32>
    %mul3A_25 = vector.broadcast %broadcast_in_dim3A : vector<2048x1xf32> to vector<2048x128xf32>
    %mul3A_26 = arith.mulf %add3A_24, %mul3A_25 : vector<2048x128xf32>
    %swap3A = arith.constant 0 : index
    %swap3A_27 = arith.constant 0 : index
    %swap3A_28 = vector.load %arg3[%swap3A, %swap3A_27] : memref<2048x128xf32, #tpu.memory_space<vmem>>, vector<2048x128xf32>
    tpu.vector_store %arg3[%swap3A, %swap3A_27], %mul3A_26 {strides = array<i32>} : memref<2048x128xf32, #tpu.memory_space<vmem>>, vector<2048x128xf32>,
    return
  }
  func.func @transform_0(%arg0: i32) -> (i32, i32) {
    %c0_i32 = arith.constant 0 : i32
    %c0_i32_0 = arith.constant 0 : i32
    %c0_i32_1 = arith.constant 0 : i32
    return %c0_i32, %c0_i32_0 : i32, i32
  }
  func.func @transform_1(%arg0: i32) -> (i32, i32, i32) {
    %c0_i32 = arith.constant 0 : i32
    %c0_i32_0 = arith.constant 0 : i32
    %c0_i32_1 = arith.constant 0 : i32
    return %c0_i32, %arg0, %c0_i32_0 : i32, i32, i32
  }
  func.func @transform_2(%arg0: i32) -> (i32, i32) {
    %c0_i32 = arith.constant 0 : i32
    %c0_i32_0 = arith.constant 0 : i32
    return %arg0, %c0_i32 : i32, i32
  }
}

module attributes {stable_mosaic.version = 14 : i64} {
  func.func @_head_body(%arg0: i32, %arg1: memref<2x10240xf32, #tpu.memory_space<vmem>>, %arg2: memref<2x2048x128xf32, #tpu.memory_space<vmem>>, %arg3: memref<128x128xf32, #tpu.memory_space<vmem>>, %arg4: memref<1x128xf32, #tpu.memory_space<vmem>>, %arg5: memref<128x40xf32, #tpu.memory_space<vmem>>, %arg6: memref<1x40xf32, #tpu.memory_space<vmem>>, %arg7: memref<2048x40xf32, #tpu.memory_space<vmem>>) attributes {dimension_semantics = [#tpu.dimension_semantics<arbitrary>], iteration_bounds = array<i64: 5>, scalar_prefetch = 0 : i64, scratch_operands = 0 : i64, tpu.core_type = #tpu.core_type<tc>, window_params = [{pipeline_mode = #tpu.pipeline_mode<synchronous>, transform_indices = @transform_0, window_bounds = array<i64: 2, 10240>}, {transform_indices = @transform_1, window_bounds = array<i64: 2, 2048, 128>}, {pipeline_mode = #tpu.pipeline_mode<synchronous>, transform_indices = @transform_2, window_bounds = array<i64: 128, 128>}, {pipeline_mode = #tpu.pipeline_mode<synchronous>, transform_indices = @transform_3, window_bounds = array<i64: 1, 128>}, {pipeline_mode = #tpu.pipeline_mode<synchronous>, transform_indices = @transform_4, window_bounds = array<i64: 128, 40>}, {pipeline_mode = #tpu.pipeline_mode<synchronous>, transform_indices = @transform_5, window_bounds = array<i64: 1, 40>}, {transform_indices = @transform_6, window_bounds = array<i64: 2048, 40>}]} {
    %mul3A = arith.constant 2048 : i32
    %mul3A_0 = arith.muli %arg0, %mul3A : i32
    %get3A = arith.constant 0 : index
    %get3A_1 = arith.index_cast %mul3A_0 : i32 to index
    %get3A_2 = vector.load %arg1[%get3A, %get3A_1] : memref<2x10240xf32, #tpu.memory_space<vmem>>, vector<1x2048xf32>
    %get3A_3 = vector.shape_cast %get3A_2 : vector<1x2048xf32> to vector<2048xf32>
    %mul3A_4 = arith.constant 2048 : i32
    %mul3A_5 = arith.muli %arg0, %mul3A_4 : i32
    %get3A_6 = arith.constant 1 : index
    %get3A_7 = arith.index_cast %mul3A_5 : i32 to index
    %get3A_8 = vector.load %arg1[%get3A_6, %get3A_7] : memref<2x10240xf32, #tpu.memory_space<vmem>>, vector<1x2048xf32>
    %get3A_9 = vector.shape_cast %get3A_8 : vector<1x2048xf32> to vector<2048xf32>
    %add3A = arith.addf %get3A_3, %get3A_9 : vector<2048xf32>
    %max3A = arith.constant 1.000000e+00 : f32
    %max3A_10 = vector.broadcast %max3A : f32 to vector<2048xf32>
    %max3A_11 = arith.maximumf %add3A, %max3A_10 : vector<2048xf32>
    %rsqrt3A = math.rsqrt %max3A_11 : vector<2048xf32>
    %get3A_12 = arith.constant 0 : index
    %get3A_13 = arith.constant 0 : index
    %get3A_14 = arith.constant 0 : index
    %get3A_15 = vector.load %arg2[%get3A_12, %get3A_13, %get3A_14] : memref<2x2048x128xf32, #tpu.memory_space<vmem>>, vector<1x2048x128xf32>
    %get3A_16 = vector.shape_cast %get3A_15 : vector<1x2048x128xf32> to vector<2048x128xf32>
    %get3A_17 = arith.constant 1 : index
    %get3A_18 = arith.constant 0 : index
    %get3A_19 = arith.constant 0 : index
    %get3A_20 = vector.load %arg2[%get3A_17, %get3A_18, %get3A_19] : memref<2x2048x128xf32, #tpu.memory_space<vmem>>, vector<1x2048x128xf32>
    %get3A_21 = vector.shape_cast %get3A_20 : vector<1x2048x128xf32> to vector<2048x128xf32>
    %add3A_22 = arith.addf %get3A_16, %get3A_21 : vector<2048x128xf32>
    %broadcast_in_dim3A = vector.shape_cast %rsqrt3A : vector<2048xf32> to vector<2048x1xf32>
    %mul3A_23 = vector.broadcast %broadcast_in_dim3A : vector<2048x1xf32> to vector<2048x128xf32>
    %mul3A_24 = arith.mulf %add3A_22, %mul3A_23 : vector<2048x128xf32>
    %get3A_25 = arith.constant 0 : index
    %get3A_26 = arith.constant 0 : index
    %get3A_27 = vector.load %arg3[%get3A_25, %get3A_26] : memref<128x128xf32, #tpu.memory_space<vmem>>, vector<128x128xf32>
    %dot_general3A = arith.constant dense<0.000000e+00> : vector<2048x128xf32>
    %dot_general3A_28 = tpu.matmul %mul3A_24, %get3A_27, %dot_general3A {dimension_numbers = #tpu.dot_dimension_numbers<[1], [0], [0], [1], [0, 0, 1, 1], [], []>, transpose_lhs_hint = false} : vector<2048x128xf32>, vector<128x128xf32>, vector<2048x128xf32> -> vector<2048x128xf32>
    %get3A_29 = arith.constant 0 : index
    %get3A_30 = arith.constant 0 : index
    %get3A_31 = vector.load %arg4[%get3A_29, %get3A_30] : memref<1x128xf32, #tpu.memory_space<vmem>>, vector<1x128xf32>
    %add3A_32 = vector.broadcast %get3A_31 : vector<1x128xf32> to vector<2048x128xf32>
    %add3A_33 = arith.addf %dot_general3A_28, %add3A_32 : vector<2048x128xf32>
    %max3A_34 = arith.constant 0.000000e+00 : f32
    %max3A_35 = vector.broadcast %max3A_34 : f32 to vector<2048x128xf32>
    %max3A_36 = arith.maximumf %add3A_33, %max3A_35 : vector<2048x128xf32>
    %get3A_37 = arith.constant 0 : index
    %get3A_38 = arith.constant 0 : index
    %get3A_39 = vector.load %arg5[%get3A_37, %get3A_38] : memref<128x40xf32, #tpu.memory_space<vmem>>, vector<128x40xf32>
    %dot_general3A_40 = arith.constant dense<0.000000e+00> : vector<2048x40xf32>
    %dot_general3A_41 = tpu.matmul %max3A_36, %get3A_39, %dot_general3A_40 {dimension_numbers = #tpu.dot_dimension_numbers<[1], [0], [0], [1], [0, 0, 1, 1], [], []>, transpose_lhs_hint = false} : vector<2048x128xf32>, vector<128x40xf32>, vector<2048x40xf32> -> vector<2048x40xf32>
    %get3A_42 = arith.constant 0 : index
    %get3A_43 = arith.constant 0 : index
    %get3A_44 = vector.load %arg6[%get3A_42, %get3A_43] : memref<1x40xf32, #tpu.memory_space<vmem>>, vector<1x40xf32>
    %add3A_45 = vector.broadcast %get3A_44 : vector<1x40xf32> to vector<2048x40xf32>
    %add3A_46 = arith.addf %dot_general3A_41, %add3A_45 : vector<2048x40xf32>
    %swap3A = arith.constant 0 : index
    %swap3A_47 = arith.constant 0 : index
    %swap3A_48 = vector.load %arg7[%swap3A, %swap3A_47] : memref<2048x40xf32, #tpu.memory_space<vmem>>, vector<2048x40xf32>
    tpu.vector_store %arg7[%swap3A, %swap3A_47], %add3A_46 {strides = array<i32>} : memref<2048x40xf32, #tpu.memory_space<vmem>>, vector<2048x40xf32>,
    return
  }
  func.func @transform_0(%arg0: i32) -> (i32, i32) {
    %c0_i32 = arith.constant 0 : i32
    %c0_i32_0 = arith.constant 0 : i32
    %c0_i32_1 = arith.constant 0 : i32
    return %c0_i32, %c0_i32_0 : i32, i32
  }
  func.func @transform_1(%arg0: i32) -> (i32, i32, i32) {
    %c0_i32 = arith.constant 0 : i32
    %c0_i32_0 = arith.constant 0 : i32
    %c0_i32_1 = arith.constant 0 : i32
    return %c0_i32, %arg0, %c0_i32_0 : i32, i32, i32
  }
  func.func @transform_2(%arg0: i32) -> (i32, i32) {
    %c0_i32 = arith.constant 0 : i32
    %c0_i32_0 = arith.constant 0 : i32
    %c0_i32_1 = arith.constant 0 : i32
    return %c0_i32, %c0_i32_0 : i32, i32
  }
  func.func @transform_3(%arg0: i32) -> (i32, i32) {
    %c0_i32 = arith.constant 0 : i32
    %c0_i32_0 = arith.constant 0 : i32
    %c0_i32_1 = arith.constant 0 : i32
    return %c0_i32, %c0_i32_0 : i32, i32
  }
  func.func @transform_4(%arg0: i32) -> (i32, i32) {
    %c0_i32 = arith.constant 0 : i32
    %c0_i32_0 = arith.constant 0 : i32
    %c0_i32_1 = arith.constant 0 : i32
    return %c0_i32, %c0_i32_0 : i32, i32
  }
  func.func @transform_5(%arg0: i32) -> (i32, i32) {
    %c0_i32 = arith.constant 0 : i32
    %c0_i32_0 = arith.constant 0 : i32
    %c0_i32_1 = arith.constant 0 : i32
    return %c0_i32, %c0_i32_0 : i32, i32
  }
  func.func @transform_6(%arg0: i32) -> (i32, i32) {
    %c0_i32 = arith.constant 0 : i32
    %c0_i32_0 = arith.constant 0 : i32
    return %arg0, %c0_i32 : i32, i32
  }
}

</mosaic_0001>

<sc_bundles>
// kernel: kernel.11.cloned.1.call-start
scs
__scs_entry_jumppad:
0x0: {  	(pc) =	sbr.rel $0x88, $3  }
0x1: {  	(tag) =	ssettag $0x0;
	lr =	simm.s32 $0x1  }
0x2: {  	[smem:$0x3F9B] =	sst lr;
	_ =	strace $0xD0000000  }
0x3: {  	_ = 	snop  }
0x4: {  	_ = 	snop  }
0x5: {  	_ = 	snop  }
0x6: {  	_ = 	snop  }
0x7: {  	_ = 	snop  }
__scs_overlays_trampoline_lowered:
0x8: {  	[smem:$0x3FAA] =	sst s0  }
0x9: {  	[smem:$0x3FAB] =	sst s1  }
0xa: {  	[smem:$0x3FAC] =	sst s2  }
0xb: {  	[smem:$0x3FAD] =	sst s3  }
0xc: {  	[smem:$0x3FAE] =	sst s4  }
0xd: {  	[smem:$0x3FAF] =	sst s5  }
0xe: {  	[smem:$0x3FB0] =	sst s6  }
0xf: {  	[smem:$0x3FB1] =	sst s7  }
0x10: {  	[smem:$0x3FB2] =	sst s8  }
0x11: {  	[smem:$0x3FB3] =	sst s9;
	s0 =	simm.s32 @!p0 $0x0  }
0x12: {  	s1 =	sld [smem:$0x3F99];
	s0 =	simm.s32 @p0 $0x1  }
0x13: {  	[smem:$0x3FB4] =	sst s0;
	s0 =	simm.s32 @!p1 $0x0  }
0x14: {  	s2 =	sld [smem:$0x3F98];
	s0 =	simm.s32 @p1 $0x1  }
0x15: {  	[smem:$0x3FB5] =	sst s0;
	s0 =	simm.s32 @!p2 $0x0  }
0x16: {  	s3 =	sld [smem:$0x3FDB];
	s0 =	simm.s32 @p2 $0x1  }
0x17: {  	s4 =	simm.s32 $0x1BF5;
	[smem:$0x3FB7] =	sst s0  }
0x18: {  	s0 =	sld [smem:$0x3F9A];
	_ =	swait.ge [sflag:s4], $0x0  }
0x19: {  	s7 =	sld [smem:$0x3F9B]  }
0x1a: {  	s8 =	sadd.s32 $0xFFFFE003, lr  }
0x1b: {  	s9 =	sadd.s32 $0xFFFFFEF7, lr;
	s5 =	simm.s32 $0xFFFFFFFF;
	p2 =	slt.u32 s8, $0xFFFFF086  }
0x1c: {  	p1 =	slt.u32 s9, $0xF7A;
	s5 =	simm.s32 @!p2 $0x0  }
0x1d: {  	s5 =	simm.s32 @p1 $0x1;
	p0 =	seq.s32 s7, s2  }
0x1e: {  	s7 =	smul.u32 @!p0 $0xF7A, s2;
	p2 =	seq.s32 @!p0 s5, $0x0  }
0x1f: {  	s9 =	smul.u32 $0xF7A, s1;
	s8 =	simm.s32 @!p0 $0x1BF5;
	p2 =	por !p2, p0  }
0x20: {  	[sflag:s8] =	ssyncset.s32 @!p0 $0xFFFFF086;
	s6 =	sadd.s32 @!p0 s3, s7;
	s7 =	simm.s32 @!p0 $0x108  }
0x21: {  	s3 =	sadd.s32 s3, s9;
	s6 =	sadd.s32 @!p0 $0x88, s6;
	s7 =	simm.s32 @p2 $0x1082  }
0x22: {  	[simem:s7], [sflag:s8] =	dma.local @!p0 [hbm:s6], $0xF7A  }
0x23: {  	s9 =	sor.u32 $0xD0000000, s2;
	s6 =	simm.s32 $0x108;
	_ =	swait.ge @!p0 [sflag:s8], $0x0  }
0x24: {  	s3 =	sadd.s32 $0x88, s3;
	s6 =	simm.s32 @!p1 $0x1082;
	[sflag:s4] =	ssyncset.s32 $0xFFFFF086  }
0x25: {  	[simem:s6], [sflag:s4] =	dma.local [hbm:s3], $0xF7A  }
0x26: {  	[smem:$0x3F9B] =	sst s1;
	(tag) =	ssettag s2;
	_ =	strace s9  }
0x27: {  	s1 =	sld [smem:$0x3FAB]  }
0x28: {  	s2 =	sld [smem:$0x3FAC]  }
0x29: {  	s4 =	sld [smem:$0x3FAE]  }
0x2a: {  	p0 =	seq.s32 s5, $0x0;
	s5 =	sld [smem:$0x3FAF]  }
0x2b: {  	s6 =	sld [smem:$0x3FB0]  }
0x2c: {  	s7 =	sld [smem:$0x3FB1]  }
0x2d: {  	s3 =	simm.s32 $0x108;
	s8 =	sld [smem:$0x3FB2]  }
0x2e: {  	s3 =	simm.s32 @!p0 $0x1082;
	s9 =	sld [smem:$0x3FB3]  }
0x2f: {  	lr =	sadd.s32 s0, s3;
	s0 =	sld [smem:$0x3FAA]  }
0x30: {  	s3 =	sld [smem:$0x3FAD]  }
0x31: {  	[smem:$0x3FB6] =	sst s10  }
0x32: {  	s10 =	sld [smem:$0x3FB4];
	_ =	sdelay $0x3  }
0x33: {  	p0 =	seq.s32 s10, $0x1;
	s10 =	sld [smem:$0x3FB6];
	_ =	sdelay $0x3  }
0x34: {  	[smem:$0x3FB6] =	sst s10  }
0x35: {  	s10 =	sld [smem:$0x3FB5];
	_ =	sdelay $0x3  }
0x36: {  	p1 =	seq.s32 s10, $0x1;
	s10 =	sld [smem:$0x3FB6];
	_ =	sdelay $0x3  }
0x37: {  	[smem:$0x3FB6] =	sst s10  }
0x38: {  	s10 =	sld [smem:$0x3FB7]  }
0x39: {  	_ = 	snop;
	(pc) =	sbr.ind lr, $3  }
0x3a: {  	_ = 	snop  }
0x3b: {  	_ = 	snop  }
0x3c: {  	p2 =	seq.s32 s10, $0x1;
	s10 =	sld [smem:$0x3FB6]  }
0x3d: {  	_ =	shalt  }
0x3e: {  	_ =	shalt  }
0x3f: {  	_ =	shalt  }
0x40: {  	_ =	shalt  }
0x41: {  	_ =	shalt  }
0x42: {  	_ =	shalt  }
0x43: {  	_ =	shalt  }
0x44: {  	_ =	shalt  }
0x45: {  	_ =	shalt  }
0x46: {  	_ =	shalt  }
0x47: {  	_ =	shalt  }
0x48: {  	_ =	shalt  }
0x49: {  	_ =	shalt  }
0x4a: {  	_ =	shalt  }
0x4b: {  	_ =	shalt  }
0x4c: {  	_ =	shalt  }
0x4d: {  	_ =	shalt  }
0x4e: {  	_ =	shalt  }
0x4f: {  	_ =	shalt  }
0x50: {  	_ =	shalt  }
0x51: {  	_ =	shalt  }
0x52: {  	_ =	shalt  }
0x53: {  	_ =	shalt  }
0x54: {  	_ =	shalt  }
0x55: {  	_ =	shalt  }
0x56: {  	_ =	shalt  }
0x57: {  	_ =	shalt  }
0x58: {  	_ =	shalt  }
0x59: {  	_ =	shalt  }
0x5a: {  	_ =	shalt  }
0x5b: {  	_ =	shalt  }
0x5c: {  	_ =	shalt  }
0x5d: {  	_ =	shalt  }
0x5e: {  	_ =	shalt  }
0x5f: {  	_ =	shalt  }
0x60: {  	_ =	shalt  }
0x61: {  	_ =	shalt  }
0x62: {  	_ =	shalt  }
0x63: {  	_ =	shalt  }
0x64: {  	_ =	shalt  }
0x65: {  	_ =	shalt  }
0x66: {  	_ =	shalt  }
0x67: {  	_ =	shalt  }
0x68: {  	_ =	shalt  }
0x69: {  	_ =	shalt  }
0x6a: {  	_ =	shalt  }
0x6b: {  	_ =	shalt  }
0x6c: {  	_ =	shalt  }
0x6d: {  	_ =	shalt  }
0x6e: {  	_ =	shalt  }
0x6f: {  	_ =	shalt  }
0x70: {  	_ =	shalt  }
0x71: {  	_ =	shalt  }
0x72: {  	_ =	shalt  }
0x73: {  	_ =	shalt  }
0x74: {  	_ =	shalt  }
0x75: {  	_ =	shalt  }
0x76: {  	_ =	shalt  }
0x77: {  	_ =	shalt  }
0x78: {  	_ =	shalt  }
0x79: {  	_ =	shalt  }
0x7a: {  	_ =	shalt  }
0x7b: {  	_ =	shalt  }
0x7c: {  	_ =	shalt  }
0x7d: {  	_ =	shalt  }
0x7e: {  	_ =	shalt  }
0x7f: {  	_ =	shalt  }
0x80: {  	_ =	shalt  }
0x81: {  	_ =	shalt  }
0x82: {  	_ =	shalt  }
0x83: {  	_ =	shalt  }
0x84: {  	_ =	shalt  }
0x85: {  	_ =	shalt  }
0x86: {  	_ =	shalt  }
0x87: {  	_ =	shalt  }
.Lfunc_end0:
.L_simem_size_0:
called_computation.1_lowered:
.L_overlay_start_0:
0x88: {  	s2 =	sld [smem:$0x3FD9]  }
0x89: {  	s3 =	sld [smem:$0x3FFE];
	_ =	sdelay $0x1  }
0x8a: {  	s1 =	srdreg.scid  }
0x8b: {  	s0 =	sand.u32 $0x1, s1  }
0x8c: {  	s17 =	sshll.u32 s0, $0xA;
	s2 =	sadd.s32 s3, s2  }
0x8d: {  	s2 =	sadd.s32 s2, s17  }
0x8e: {  	[smem:$0x3FC2] =	sst s2  }
0x8f: {  	_ = 	snop  }
0x90: {  	s2 =	sld [smem:$0x3FD0];
	(tm) =	ssettm $0x1  }
0x91: {  	s18 =	sld [smem:$0x3FFB];
	_ =	sdelay $0x3  }
0x92: {  	_ =	strace s18  }
0x93: {  	s3 =	sld [smem:$0x3FFC];
	_ =	sdelay $0x3  }
0x94: {  	_ =	strace s3  }
0x95: {  	s3 =	sld [smem:$0x3FFD];
	_ =	sdelay $0x3  }
0x96: {  	_ =	strace s3  }
0x97: {  	_ =	strace $0x8FFFFFFF  }
0x98: {  	s19 =	sld [smem:$0x3FDB];
	_ =	sdelay $0x1  }
0x99: {  	s4 =	simm.s32 $_scs_section_size  }
0x9a: {  	s5 =	simm.s32 $_size__tile_overlayer_lowered;
	s6 =	simm.s32 $_tile_overlayer_lowered  }
0x9b: {  	s22 =	simm.s32 $0x1BFF;
	s21 =	sshll.u32 s6, $0x1;
	s3 =	sadd.s32 s4, s19  }
0x9c: {  	s7 =	simm.s32 $0x0;
	s20 =	sshll.u32 s5, $0x1;
	s5 =	sadd.s32 s21, s3  }
0x9d: {  	[timem:s7], [sflag:s22] =	dma.local [hbm:s5], s20  }
0x9e: {  	_ =	swait.ge [sflag:s22], s20  }
0x9f: {  	s4 =	ssub.s32 $0x0, s20;
	[sflag:s22] =	ssyncset.done $0x0  }
0xa0: {  	[sflag:s22] =	ssyncadd.s32 s4;
	_ =	sdelay $0x1  }
0xa1: {  	s23 =	simm.s32 $0x1B8B  }
0xa2: {  	_ =	swait.ge [sflag:s23], $0x1  }
0xa3: {  	[sflag:s23] =	ssyncset.done $0x0  }
0xa4: {  	s25 =	simm.s32 $0x1B8E;
	s24 =	sld [smem:$0x3FFE];
	[sflag:s23] =	ssyncadd.s32 $0xFFFFFFFF  }
0xa5: {  	s26 =	simm.s32 $execute0_lowered;
	[smem:$0x3FD2] =	sst s25  }
0xa6: {  	s5 =	sshll.u32 s26, $0x1;
	_ =	strace $0x80000049;
	[dreg:$0x1] =	wrdreg $0xFFFFFFFF  }
0xa7: {  	s28 =	simm.s32 $_size_execute0_lowered;
	s3 =	sadd.s32 s3, s5;
	[dreg:$0x0] =	wrdreg $0x0  }
0xa8: {  	s5 =	sshll.u32 s28, $0x1;
	[dreg:$0x2] =	wrdreg s3  }
0xa9: {  	[dreg:$0x3] =	wrdreg s5  }
0xaa: {  	[dreg:$0x4] =	wrdreg $0xC0  }
0xab: {  	_ =	task [dreg:s7], $0x5FFFF  }
0xac: {  	[dreg:$0x1] =	wrdreg $0xFFFFFFFF  }
0xad: {  	[dreg:$0x0] =	wrdreg $0x60  }
0xae: {  	[dreg:$0x2] =	wrdreg s24  }
0xaf: {  	[dreg:$0x3] =	wrdreg s2  }
0xb0: {  	[dreg:$0x4] =	wrdreg $0x0  }
0xb1: {  	[dreg:$0x5] =	wrdreg $0x9  }
0xb2: {  	_ =	task.clear_ibuf [dreg:s7], $0x6FFFF;
	_ =	strace $0x90000049  }
0xb3: {  	s29 =	simm.s32 $0x9;
	_ =	strace $0x8000004B  }
0xb4: {  	_ =	swait.ge [sflag:s29], $0x1  }
0xb5: {  	[sflag:s29] =	ssyncadd.s32 $0xFFFFFFFF  }
0xb6: {  	_ =	strace $0x9000004B  }
0xb7: {  	_ =	sfence  }
0xb8: {  	s30 =	sld [smem:$0x0];
	_ =	sdelay $0x2  }
0xb9: {  	s31 =	sshll.u32 s1, $0xD;
	s1 =	sshrl.u32 s1, $0x2  }
0xba: {  	s3 =	sand.u32 $0x4000, s31;
	s1 =	sadd.s32 s1, s30  }
0xbb: {  	s0 =	sor.u32 s3, s0;
	s1 =	sshll.u32 s1, $0x11  }
0xbc: {  	s0 =	sor.u32 s1, s0  }
0xbd: {  	s0 =	sadd.s32 $0x8F2B, s0  }
0xbe: {  	[sflag:s0] =	ssyncadd.remote.s32 $0x1  }
0xbf: {  	_ =	sfence.sel $0xFFFF  }
0xc0: {  	[dreg:$0x0] =	wrdreg $0xFFFFFFFF;
	(pc) =	sbr.abs _section_cstart, $3  }
0xc1: {  	[dreg:$0x1] =	wrdreg $0xFFFFFFFF  }
0xc2: {  	_ =	task.clear_ibuf [dreg:s7], $0x2FFFF;
	_ =	strace $0x9FFFFFFF  }
0xc3: {  	(tm) =	ssettm $0x7FFFFFFF  }
tec
execute0_lowered:
.L_overlay_start_1:
0x0: {  	(tag) =	ssettag $0x1  }
0x1: {  	s0 =	rddreg [dreg:$0x0]  }
0x2: {  	s2 =	rddreg [dreg:$0x1]  }
0x3: {  	s1 =	rddreg [dreg:$0x2]  }
0x4: {  	s3 =	srdreg.scid;
	s10 =	stileid.u32  }
0x5: {  	s19 =	simm.s32 $0x13880;
	s20 =	simm.s32 $0x3;
	s21 =	simm.s32 $0x14C80  }
0x6: {  	s28 =	simm.s32 $0x14C00;
	s29 =	simm.s32 $0x15F80;
	s30 =	simm.s32 $0x16000  }
0x7: {  	s31 =	simm.s32 $0x0;
	s5 =	sand.u32 $0x1, s3;
	s3 =	simm.s32 $0x0  }
0x8: {  	s7 =	smul.u32 $0x13800, s10;
	s4 =	sadd.s32 $0xC800, s0;
	s9 =	sadd.s32 $0x2800, s0  }
0x9: {  	s6 =	smul.u32 $0x138800, s5;
	[smem:$0x7FF] =	sst s3;
	s8 =	sshll.u32 s5, $0x4  }
0xa: {  	s5 =	ssub.s32 $0x2, s5;
	s8 =	sor.u32 s10, s8;
	s10 =	smul.u32 $0x4E000, s10  }
0xb: {  	_ =	strace $0x8000004A;
	s23 =	sshrl.u32 s5, $0x1;
	s22 =	smul.u32 $0x500, s8  }
0xc: {  	s6 =	sadd.s32 s7, s6;
	s8 =	smul.u32 $0x2800, s8;
	s5 =	ssub.s32 s5, s23  }
0xd: {  	s23 =	simm.s32 $0x16080;
	s6 =	sshrl.u32 s6, $0x3;
	s10 =	sshrl.u32 s10, $0x2  }
0xe: {  	s11 =	smax.u32 s5, $0x1;
	s0 =	sadd.s32 s6, s0;
	s24 =	sadd.s32 s9, s22  }
0xf: {  	s8 =	sshrl.u32 s8, $0x3;
	s25 =	sadd.s32 s2, s22;
	[dreg:$0x4] =	wrdreg s24  }
0x10: {  	s22 =	simm.s32 $0x7D;
	[dreg:$0x5] =	wrdreg s25;
	s8 =	sadd.s32 $0x280, s8  }
0x11: {  	s24 =	simm.s32 $0x1A080;
	s25 =	simm.s32 $0x1;
	s26 =	sadd.s32 s9, s8  }
0x12: {  	s8 =	sadd.s32 s2, s8;
	s9 =	sadd.s32 s10, s1;
	s10 =	sadd.s32 $0x33A00, s0  }
0x13: {  	[dreg:$0x6] =	wrdreg s26;
	s12 =	sadd.s32 $0x2800, s9;
	s13 =	sadd.s32 $0x5000, s9  }
0x14: {  	s14 =	sadd.s32 $0x7800, s9;
	s15 =	sadd.s32 $0xA000, s9;
	s16 =	sadd.s32 $0xC800, s9  }
0x15: {  	v0 =	vimm.f32 $0.0e+00;
	s17 =	sadd.s32 $0xF000, s9;
	s18 =	sadd.s32 $0x11800, s9;
	s26 =	simm.s32 $0x2  }
.LBB2_1:
0x16: {  	s0 =	rddreg [dreg:$0x4]  }
0x17: {  	[tilespmem:s19], [sflag:$0x3] =	stream.linear.gather [hbm4b:s0+s3], $0x1400, $0x38;
	[tilespmem:$0x1E080] =	vst v63  }
0x18: {  	_ =	swait.ge [sflag:s20], $0x1400  }
0x19: {  	[sflag:s20] =	ssyncset.done $0x0  }
0x1a: {  	s6 =	rddreg [dreg:$0x5];
	[sflag:s20] =	ssyncadd.s32 $0xFFFFEC00  }
0x1b: {  	[tilespmem:s21], [sflag:$0x3] =	stream.linear.gather [hbm4b:s6+s3], $0x1400, $0x38;
	[tilespmem:$0x1E080] =	vst v63  }
0x1c: {  	s7 =	sand.u32 $0xFE00, s3;
	s2 =	sand.u32 $0x70, s3;
	_ =	swait.ge [sflag:s20], $0x1400  }
0x1d: {  	s5 =	sshrl.u32 s7, $0x2;
	s0 =	simm.s32 $0x40;
	[sflag:s20] =	ssyncset.done $0x0  }
0x1e: {  	s5 =	sor.u32 s2, s5;
	s2 =	simm.s32 $0x0;
	[sflag:s20] =	ssyncadd.s32 $0xFFFFEC00  }
0x1f: {  	[tilespmem:s23], [sflag:$0x1] =	stream.indirect.gather [hbm4b:s4+s22], $0x80, s19, s22, $0xb8;
	[tilespmem:$0x1E080] =	vst v63  }
.LBB2_2:
0x20: {  	p0 =	sne.s32 s0, $0xF9C0  }
0x21: {  	[tilespmem:s5+$0x1A080] =	vst v0;
	s2 =	sadd.s32 $0x10, s2;
	s5 =	smov.u32 s0;
	s0 =	sadd.s32 $0x40, s0  }
.Ltmp0:
0x22: {  	(pc) =	sbr.rel @p0 .LBB2_2-.Ltmp0, $4  }
0x23: {  	_ = 	snop  }
0x24: {  	s5 =	sand.u32 $0xFE00, s5  }
0x25: {  	s6 =	sand.u32 $0x70, s2;
	s5 =	sshrl.u32 s5, $0x2  }
0x26: {  	s5 =	sor.u32 s6, s5  }
0x27: {  	[tilespmem:s5+$0x1A080] =	vst v0  }
0x28: {  	[spmem:s9] =	stream.linear.scatter [tilespmem:s24], [sflag:$0x3], $0x2800, $0x38;
	[tilespmem:$0x1E080] =	vst v63  }
0x29: {  	_ =	swait.ge [sflag:s20], $0x2800  }
0x2a: {  	[sflag:s20] =	ssyncset.done $0x0  }
0x2b: {  	[sflag:s20] =	ssyncadd.s32 $0xFFFFD800  }
0x2c: {  	[spmem:s12] =	stream.linear.scatter [tilespmem:s24], [sflag:$0x3], $0x2800, $0x38;
	[tilespmem:$0x1E080] =	vst v63  }
0x2d: {  	_ =	swait.ge [sflag:s20], $0x2800  }
0x2e: {  	[sflag:s20] =	ssyncset.done $0x0  }
0x2f: {  	[sflag:s20] =	ssyncadd.s32 $0xFFFFD800  }
0x30: {  	[spmem:s13] =	stream.linear.scatter [tilespmem:s24], [sflag:$0x3], $0x2800, $0x38;
	[tilespmem:$0x1E080] =	vst v63  }
0x31: {  	_ =	swait.ge [sflag:s20], $0x2800  }
0x32: {  	[sflag:s20] =	ssyncset.done $0x0  }
0x33: {  	[sflag:s20] =	ssyncadd.s32 $0xFFFFD800  }
0x34: {  	[spmem:s14] =	stream.linear.scatter [tilespmem:s24], [sflag:$0x3], $0x2800, $0x38;
	[tilespmem:$0x1E080] =	vst v63  }
0x35: {  	_ =	swait.ge [sflag:s20], $0x2800  }
0x36: {  	[sflag:s20] =	ssyncset.done $0x0  }
0x37: {  	[sflag:s20] =	ssyncadd.s32 $0xFFFFD800  }
0x38: {  	[spmem:s15] =	stream.linear.scatter [tilespmem:s24], [sflag:$0x3], $0x2800, $0x38;
	[tilespmem:$0x1E080] =	vst v63  }
0x39: {  	_ =	swait.ge [sflag:s20], $0x2800  }
0x3a: {  	[sflag:s20] =	ssyncset.done $0x0  }
0x3b: {  	[sflag:s20] =	ssyncadd.s32 $0xFFFFD800  }
0x3c: {  	[spmem:s16] =	stream.linear.scatter [tilespmem:s24], [sflag:$0x3], $0x2800, $0x38;
	[tilespmem:$0x1E080] =	vst v63  }
0x3d: {  	_ =	swait.ge [sflag:s20], $0x2800  }
0x3e: {  	[sflag:s20] =	ssyncset.done $0x0  }
0x3f: {  	[sflag:s20] =	ssyncadd.s32 $0xFFFFD800  }
0x40: {  	[spmem:s17] =	stream.linear.scatter [tilespmem:s24], [sflag:$0x3], $0x2800, $0x38;
	[tilespmem:$0x1E080] =	vst v63  }
0x41: {  	_ =	swait.ge [sflag:s20], $0x2800  }
0x42: {  	[sflag:s20] =	ssyncset.done $0x0  }
0x43: {  	[sflag:s20] =	ssyncadd.s32 $0xFFFFD800  }
0x44: {  	[spmem:s18] =	stream.linear.scatter [tilespmem:s24], [sflag:$0x3], $0x2800, $0x38;
	[tilespmem:$0x1E080] =	vst v63  }
0x45: {  	_ =	swait.ge [sflag:s20], $0x2800  }
0x46: {  	[sflag:s20] =	ssyncset.done $0x0  }
0x47: {  	[sflag:s20] =	ssyncadd.s32 $0xFFFFD800  }
0x48: {  	s0 =	simm.s32 $0x13900;
	[bflag:$0x0] =	sbarrier.arrive $0xFFFF  }
0x49: {  	[tilespmem:s24], [sflag:$0x2] =	stream.indirect.gather [hbm4b:s4+s22], $0x80, s0, s22, $0xb8;
	[tilespmem:$0x1E080] =	vst v63  }
0x4a: {  	_ =	swait.ge [sflag:s25], $0x3E80  }
0x4b: {  	[sflag:s25] =	ssyncset.done $0x0  }
0x4c: {  	s5 =	simm.s32 $0x14C80;
	[sflag:s25] =	ssyncadd.s32 $0xFFFFC180  }
0x4d: {  	[spmem:s1] =	stream.indirect.scatter.add.f32 [tilespmem:s23], [sflag:$0x3], $0x80, s5, s22, $0xb8;
	[tilespmem:$0x1E080] =	vst v63  }
0x4e: {  	_ =	swait.ge [sflag:s20], $0x3E80  }
0x4f: {  	[sflag:s20] =	ssyncset.done $0x0  }
0x50: {  	s6 =	simm.s32 $0x13980;
	[sflag:s20] =	ssyncadd.s32 $0xFFFFC180  }
0x51: {  	[tilespmem:s23], [sflag:$0x1] =	stream.indirect.gather [hbm4b:s4+s22], $0x80, s6, s22, $0xb8;
	[tilespmem:$0x1E080] =	vst v63  }
0x52: {  	_ =	swait.ge [sflag:s26], $0x3E80  }
0x53: {  	[sflag:s26] =	ssyncset.done $0x0  }
0x54: {  	s7 =	simm.s32 $0x14D00;
	[sflag:s26] =	ssyncadd.s32 $0xFFFFC180  }
0x55: {  	[spmem:s1] =	stream.indirect.scatter.add.f32 [tilespmem:s24], [sflag:$0x3], $0x80, s7, s22, $0xb8;
	[tilespmem:$0x1E080] =	vst v63  }
0x56: {  	_ =	swait.ge [sflag:s20], $0x3E80  }
0x57: {  	s2 =	simm.s32 $0x800;
	s0 =	simm.s32 $0x100;
	[sflag:s20] =	ssyncset.done $0x0  }
.LBB2_4:
0x58: {  	s5 =	sadd.s32 $0x13900, s0  }
0x59: {  	[sflag:s20] =	ssyncadd.s32 $0xFFFFC180;
	s6 =	smov.u32 s2;
	s7 =	sadd.s32 $0x400, s2  }
0x5a: {  	[tilespmem:s24], [sflag:$0x2] =	stream.indirect.gather [hbm4b:s4+s22], $0x80, s5, s22, $0xb8;
	[tilespmem:$0x1E080] =	vst v63  }
0x5b: {  	p0 =	sne.s32 s2, $0x4800;
	_ =	swait.ge [sflag:s25], $0x3E80  }
0x5c: {  	[sflag:s25] =	ssyncset.done $0x0  }
0x5d: {  	s2 =	sadd.s32 $0x14C80, s0;
	[sflag:s25] =	ssyncadd.s32 $0xFFFFC180  }
0x5e: {  	[spmem:s1] =	stream.indirect.scatter.add.f32 [tilespmem:s23], [sflag:$0x3], $0x80, s2, s22, $0xb8;
	[tilespmem:$0x1E080] =	vst v63  }
0x5f: {  	_ =	swait.ge [sflag:s20], $0x3E80  }
0x60: {  	[sflag:s20] =	ssyncset.done $0x0  }
0x61: {  	s2 =	sadd.s32 $0x13980, s0;
	[sflag:s20] =	ssyncadd.s32 $0xFFFFC180  }
0x62: {  	[tilespmem:s23], [sflag:$0x1] =	stream.indirect.gather [hbm4b:s4+s22], $0x80, s2, s22, $0xb8;
	[tilespmem:$0x1E080] =	vst v63  }
0x63: {  	_ =	swait.ge [sflag:s26], $0x3E80  }
.Ltmp1:
0x64: {  	[sflag:s26] =	ssyncset.done $0x0;
	(pc) =	sbr.rel @p0 .LBB2_4-.Ltmp1, $4  }
0x65: {  	s0 =	sadd.s32 $0x14D00, s0;
	[sflag:s26] =	ssyncadd.s32 $0xFFFFC180  }
0x66: {  	[spmem:s1] =	stream.indirect.scatter.add.f32 [tilespmem:s24], [sflag:$0x3], $0x80, s0, s22, $0xb8;
	[tilespmem:$0x1E080] =	vst v63  }
0x67: {  	_ =	swait.ge [sflag:s20], $0x3E80  }
0x68: {  	s2 =	smov.u32 s7;
	s0 =	sshra.s32 s6, $0x2;
	[sflag:s20] =	ssyncset.done $0x0  }
0x69: {  	s2 =	sadd.s32 $0x13900, s0;
	[sflag:s20] =	ssyncadd.s32 $0xFFFFC180  }
0x6a: {  	[tilespmem:s24], [sflag:$0x2] =	stream.indirect.gather [hbm4b:s4+s22], $0x80, s2, s22, $0xb8;
	[tilespmem:$0x1E080] =	vst v63  }
0x6b: {  	_ =	swait.ge [sflag:s25], $0x3E80  }
0x6c: {  	[sflag:s25] =	ssyncset.done $0x0  }
0x6d: {  	s6 =	sadd.s32 $0x14C80, s0;
	[sflag:s25] =	ssyncadd.s32 $0xFFFFC180  }
0x6e: {  	[spmem:s1] =	stream.indirect.scatter.add.f32 [tilespmem:s23], [sflag:$0x3], $0x80, s6, s22, $0xb8;
	[tilespmem:$0x1E080] =	vst v63  }
0x6f: {  	_ =	swait.ge [sflag:s20], $0x3E80  }
0x70: {  	[sflag:s20] =	ssyncset.done $0x0  }
0x71: {  	s7 =	sadd.s32 $0x13980, s0;
	[sflag:s20] =	ssyncadd.s32 $0xFFFFC180  }
0x72: {  	[tilespmem:s23], [sflag:$0x1] =	stream.indirect.gather [hbm4b:s4+s22], $0x80, s7, s22, $0xb8;
	[tilespmem:$0x1E080] =	vst v63  }
0x73: {  	_ =	swait.ge [sflag:s26], $0x3E80  }
0x74: {  	[sflag:s26] =	ssyncset.done $0x0  }
0x75: {  	s5 =	sadd.s32 $0x14D00, s0;
	[sflag:s26] =	ssyncadd.s32 $0xFFFFC180  }
0x76: {  	[spmem:s1] =	stream.indirect.scatter.add.f32 [tilespmem:s24], [sflag:$0x3], $0x80, s5, s22, $0xb8;
	[tilespmem:$0x1E080] =	vst v63  }
0x77: {  	_ =	swait.ge [sflag:s20], $0x3E80  }
0x78: {  	[sflag:s20] =	ssyncset.done $0x0  }
0x79: {  	[sflag:s20] =	ssyncadd.s32 $0xFFFFC180  }
0x7a: {  	[tilespmem:s24], [sflag:$0x2] =	stream.indirect.gather [hbm4b:s4+s22], $0x80, s28, s22, $0xb8;
	[tilespmem:$0x1E080] =	vst v63  }
0x7b: {  	_ =	swait.ge [sflag:s25], $0x3E80  }
0x7c: {  	[sflag:s25] =	ssyncset.done $0x0  }
0x7d: {  	[sflag:s25] =	ssyncadd.s32 $0xFFFFC180  }
0x7e: {  	[spmem:s1] =	stream.indirect.scatter.add.f32 [tilespmem:s23], [sflag:$0x3], $0x80, s29, s22, $0xb8;
	[tilespmem:$0x1E080] =	vst v63  }
0x7f: {  	_ =	swait.ge [sflag:s20], $0x3E80  }
0x80: {  	[sflag:s20] =	ssyncset.done $0x0  }
0x81: {  	[sflag:s20] =	ssyncadd.s32 $0xFFFFC180  }
0x82: {  	_ =	swait.ge [sflag:s26], $0x3E80  }
0x83: {  	[sflag:s26] =	ssyncset.done $0x0  }
0x84: {  	[sflag:s26] =	ssyncadd.s32 $0xFFFFC180  }
0x85: {  	[spmem:s1] =	stream.indirect.scatter.add.f32 [tilespmem:s24], [sflag:$0x3], $0x80, s30, s22, $0xb8;
	[tilespmem:$0x1E080] =	vst v63  }
0x86: {  	_ =	swait.ge [sflag:s20], $0x3E80  }
0x87: {  	[sflag:s20] =	ssyncset.done $0x0  }
0x88: {  	s6 =	simm.s32 $0x0;
	s7 =	rddreg [dreg:$0x6];
	[sflag:s20] =	ssyncadd.s32 $0xFFFFC180  }
0x89: {  	[tilespmem:s19], [sflag:$0x3] =	stream.linear.gather [hbm4b:s7+s6], $0x1400, $0x38;
	[tilespmem:$0x1E080] =	vst v63  }
0x8a: {  	_ =	swait.ge [sflag:s20], $0x1400  }
0x8b: {  	[sflag:s20] =	ssyncset.done $0x0  }
0x8c: {  	[sflag:s20] =	ssyncadd.s32 $0xFFFFEC00  }
0x8d: {  	[tilespmem:s21], [sflag:$0x3] =	stream.linear.gather [hbm4b:s8+s6], $0x1400, $0x38;
	[tilespmem:$0x1E080] =	vst v63  }
0x8e: {  	_ =	swait.ge [sflag:s20], $0x1400  }
0x8f: {  	[sflag:s20] =	ssyncset.done $0x0  }
0x90: {  	[sflag:s20] =	ssyncadd.s32 $0xFFFFEC00  }
0x91: {  	[tilespmem:s23], [sflag:$0x1] =	stream.indirect.gather [hbm4b:s4+s22], $0x80, s19, s22, $0xb8;
	[tilespmem:$0x1E080] =	vst v63  }
0x92: {  	s2 =	simm.s32 $0x13900  }
0x93: {  	[tilespmem:s24], [sflag:$0x2] =	stream.indirect.gather [hbm4b:s4+s22], $0x80, s2, s22, $0xb8;
	[tilespmem:$0x1E080] =	vst v63  }
0x94: {  	_ =	swait.ge [sflag:s25], $0x3E80  }
0x95: {  	[sflag:s25] =	ssyncset.done $0x0  }
0x96: {  	s5 =	simm.s32 $0x14C80;
	[sflag:s25] =	ssyncadd.s32 $0xFFFFC180  }
0x97: {  	[spmem:s1] =	stream.indirect.scatter.add.f32 [tilespmem:s23], [sflag:$0x3], $0x80, s5, s22, $0xb8;
	[tilespmem:$0x1E080] =	vst v63  }
0x98: {  	_ =	swait.ge [sflag:s20], $0x3E80  }
0x99: {  	[sflag:s20] =	ssyncset.done $0x0  }
0x9a: {  	s6 =	simm.s32 $0x13980;
	[sflag:s20] =	ssyncadd.s32 $0xFFFFC180  }
0x9b: {  	[tilespmem:s23], [sflag:$0x1] =	stream.indirect.gather [hbm4b:s4+s22], $0x80, s6, s22, $0xb8;
	[tilespmem:$0x1E080] =	vst v63  }
0x9c: {  	_ =	swait.ge [sflag:s26], $0x3E80  }
0x9d: {  	[sflag:s26] =	ssyncset.done $0x0  }
0x9e: {  	s7 =	simm.s32 $0x14D00;
	[sflag:s26] =	ssyncadd.s32 $0xFFFFC180  }
0x9f: {  	[spmem:s1] =	stream.indirect.scatter.add.f32 [tilespmem:s24], [sflag:$0x3], $0x80, s7, s22, $0xb8;
	[tilespmem:$0x1E080] =	vst v63  }
0xa0: {  	_ =	swait.ge [sflag:s20], $0x3E80  }
0xa1: {  	s0 =	simm.s32 $0x100;
	s2 =	simm.s32 $0x800;
	[sflag:s20] =	ssyncset.done $0x0  }
.LBB2_6:
0xa2: {  	s5 =	sadd.s32 $0x13900, s0  }
0xa3: {  	[sflag:s20] =	ssyncadd.s32 $0xFFFFC180;
	s6 =	smov.u32 s2;
	s7 =	sadd.s32 $0x400, s2  }
0xa4: {  	[tilespmem:s24], [sflag:$0x2] =	stream.indirect.gather [hbm4b:s4+s22], $0x80, s5, s22, $0xb8;
	[tilespmem:$0x1E080] =	vst v63  }
0xa5: {  	p0 =	sne.s32 s2, $0x4800;
	_ =	swait.ge [sflag:s25], $0x3E80  }
0xa6: {  	[sflag:s25] =	ssyncset.done $0x0  }
0xa7: {  	s2 =	sadd.s32 $0x14C80, s0;
	[sflag:s25] =	ssyncadd.s32 $0xFFFFC180  }
0xa8: {  	[spmem:s1] =	stream.indirect.scatter.add.f32 [tilespmem:s23], [sflag:$0x3], $0x80, s2, s22, $0xb8;
	[tilespmem:$0x1E080] =	vst v63  }
0xa9: {  	_ =	swait.ge [sflag:s20], $0x3E80  }
0xaa: {  	[sflag:s20] =	ssyncset.done $0x0  }
0xab: {  	s2 =	sadd.s32 $0x13980, s0;
	[sflag:s20] =	ssyncadd.s32 $0xFFFFC180  }
0xac: {  	[tilespmem:s23], [sflag:$0x1] =	stream.indirect.gather [hbm4b:s4+s22], $0x80, s2, s22, $0xb8;
	[tilespmem:$0x1E080] =	vst v63  }
0xad: {  	_ =	swait.ge [sflag:s26], $0x3E80  }
.Ltmp2:
0xae: {  	[sflag:s26] =	ssyncset.done $0x0;
	(pc) =	sbr.rel @p0 .LBB2_6-.Ltmp2, $4  }
0xaf: {  	s0 =	sadd.s32 $0x14D00, s0;
	[sflag:s26] =	ssyncadd.s32 $0xFFFFC180  }
0xb0: {  	[spmem:s1] =	stream.indirect.scatter.add.f32 [tilespmem:s24], [sflag:$0x3], $0x80, s0, s22, $0xb8;
	[tilespmem:$0x1E080] =	vst v63  }
0xb1: {  	_ =	swait.ge [sflag:s20], $0x3E80  }
0xb2: {  	s2 =	smov.u32 s7;
	s0 =	sshra.s32 s6, $0x2;
	[sflag:s20] =	ssyncset.done $0x0  }
0xb3: {  	s2 =	sadd.s32 $0x13900, s0;
	[sflag:s20] =	ssyncadd.s32 $0xFFFFC180  }
0xb4: {  	[tilespmem:s24], [sflag:$0x2] =	stream.indirect.gather [hbm4b:s4+s22], $0x80, s2, s22, $0xb8;
	[tilespmem:$0x1E080] =	vst v63  }
0xb5: {  	_ =	swait.ge [sflag:s25], $0x3E80  }
0xb6: {  	[sflag:s25] =	ssyncset.done $0x0  }
0xb7: {  	s6 =	sadd.s32 $0x14C80, s0;
	[sflag:s25] =	ssyncadd.s32 $0xFFFFC180  }
0xb8: {  	[spmem:s1] =	stream.indirect.scatter.add.f32 [tilespmem:s23], [sflag:$0x3], $0x80, s6, s22, $0xb8;
	[tilespmem:$0x1E080] =	vst v63  }
0xb9: {  	_ =	swait.ge [sflag:s20], $0x3E80  }
0xba: {  	[sflag:s20] =	ssyncset.done $0x0  }
0xbb: {  	s7 =	sadd.s32 $0x13980, s0;
	[sflag:s20] =	ssyncadd.s32 $0xFFFFC180  }
0xbc: {  	[tilespmem:s23], [sflag:$0x1] =	stream.indirect.gather [hbm4b:s4+s22], $0x80, s7, s22, $0xb8;
	[tilespmem:$0x1E080] =	vst v63  }
0xbd: {  	_ =	swait.ge [sflag:s26], $0x3E80  }
0xbe: {  	[sflag:s26] =	ssyncset.done $0x0  }
0xbf: {  	s5 =	sadd.s32 $0x14D00, s0;
	[sflag:s26] =	ssyncadd.s32 $0xFFFFC180  }
0xc0: {  	[spmem:s1] =	stream.indirect.scatter.add.f32 [tilespmem:s24], [sflag:$0x3], $0x80, s5, s22, $0xb8;
	[tilespmem:$0x1E080] =	vst v63  }
0xc1: {  	_ =	swait.ge [sflag:s20], $0x3E80  }
0xc2: {  	[sflag:s20] =	ssyncset.done $0x0  }
0xc3: {  	[sflag:s20] =	ssyncadd.s32 $0xFFFFC180  }
0xc4: {  	[tilespmem:s24], [sflag:$0x2] =	stream.indirect.gather [hbm4b:s4+s22], $0x80, s28, s22, $0xb8;
	[tilespmem:$0x1E080] =	vst v63  }
0xc5: {  	_ =	swait.ge [sflag:s25], $0x3E80  }
0xc6: {  	[sflag:s25] =	ssyncset.done $0x0  }
0xc7: {  	[sflag:s25] =	ssyncadd.s32 $0xFFFFC180  }
0xc8: {  	[spmem:s1] =	stream.indirect.scatter.add.f32 [tilespmem:s23], [sflag:$0x3], $0x80, s29, s22, $0xb8;
	[tilespmem:$0x1E080] =	vst v63  }
0xc9: {  	_ =	swait.ge [sflag:s20], $0x3E80  }
0xca: {  	[sflag:s20] =	ssyncset.done $0x0  }
0xcb: {  	[sflag:s20] =	ssyncadd.s32 $0xFFFFC180  }
0xcc: {  	_ =	swait.ge [sflag:s26], $0x3E80  }
0xcd: {  	[sflag:s26] =	ssyncset.done $0x0  }
0xce: {  	[sflag:s26] =	ssyncadd.s32 $0xFFFFC180  }
0xcf: {  	[spmem:s1] =	stream.indirect.scatter.add.f32 [tilespmem:s24], [sflag:$0x3], $0x80, s30, s22, $0xb8;
	[tilespmem:$0x1E080] =	vst v63  }
0xd0: {  	s6 =	stileid.u32;
	_ =	swait.ge [sflag:s20], $0x3E80  }
0xd1: {  	s31 =	sadd.s32 $0x1, s31;
	s0 =	sshll.u32 s6, $0x6;
	[sflag:s20] =	ssyncset.done $0x0  }
0xd2: {  	p0 =	sne.s32 s31, s11;
	s0 =	sor.u32 $0x1C03, s0;
	[sflag:s20] =	ssyncadd.s32 $0xFFFFC180  }
.Ltmp3:
0xd3: {  	s7 =	sshrl.u32 s9, $0x3;
	[bflag:$0x0] =	sbarrier.arrive $0xFFFF;
	(pc) =	sbr.rel @p0 .LBB2_1-.Ltmp3, $4  }
0xd4: {  	[hbm:s10], [sflag:s0] =	dma.local [spmem:s7], $0x2800  }
0xd5: {  	_ =	swait.ge [sflag:s20], $0x2800  }
0xd6: {  	[sflag:s20] =	ssyncset.done $0x0  }
0xd7: {  	[sflag:s20] =	ssyncadd.s32 $0xFFFFD800  }
0xd8: {  	_ =	sfence.sel $0x180000  }
0xd9: {  	[bflag:$0x0] =	sbarrier.arrive $0xFFFF  }
0xda: {  	_ =	strace $0x9000004A  }
0xdb: {  	s0 =	stileid.u32;
	[bflag:$0x2] =	sbarrier.arrive $0xFFFF  }
0xdc: {  	p0 =	sne.s32 s0, $0x0;
	s0 =	rddreg [dreg:$0x3]  }
0xdd: {  	s0 =	sadd.s32 @!p0 $0x100000, s0  }
0xde: {  	[sflag:s0] =	ssyncadd.tile.s32 @!p0 $0x1;
	_ =	shalt  }
.Lfunc_end2:
_tile_overlayer_lowered:
.L_overlay_start_2:
0xdf: {  	(tag) =	ssettag $0x2  }
0xe0: {  	s0 =	rddreg [dreg:$0x0];
	s2 =	stileid.u32  }
0xe1: {  	s1 =	rddreg [dreg:$0x1];
	p0 =	sne.s32 s2, $0x0  }
0xe2: {  	s3 =	rddreg [dreg:$0x2];
	[bflag:$0x3] =	sbarrier.arrive $0xFFFF;
	s2 =	simm.s32 @!p0 $0x1C03  }
0xe3: {  	[timem:s3], [sflag:s2] =	dma.local @!p0 [hbm:s0], s1  }
0xe4: {  	s0 =	simm.s32 @!p0 $0x3  }
0xe5: {  	_ =	swait.ge @!p0 [sflag:s0], s1  }
0xe6: {  	s1 =	ssub.s32 @!p0 $0x0, s1;
	[sflag:s0] =	ssyncset.done @!p0 $0x0  }
0xe7: {  	[sflag:s0] =	ssyncadd.s32 @!p0 s1  }
0xe8: {  	[bflag:$0x3] =	sbarrier.arrive $0xFFFF  }
0xe9: {  	_ =	shalt  }

// kernel: kernel.14.cloned.1.call-start
scs
__scs_entry_jumppad:
0x0: {  	(pc) =	sbr.rel $0x88, $3  }
0x1: {  	(tag) =	ssettag $0x0;
	lr =	simm.s32 $0x1  }
0x2: {  	[smem:$0x3F9B] =	sst lr;
	_ =	strace $0xD0000000  }
0x3: {  	_ = 	snop  }
0x4: {  	_ = 	snop  }
0x5: {  	_ = 	snop  }
0x6: {  	_ = 	snop  }
0x7: {  	_ = 	snop  }
__scs_overlays_trampoline_lowered:
0x8: {  	[smem:$0x3FAA] =	sst s0  }
0x9: {  	[smem:$0x3FAB] =	sst s1  }
0xa: {  	[smem:$0x3FAC] =	sst s2  }
0xb: {  	[smem:$0x3FAD] =	sst s3  }
0xc: {  	[smem:$0x3FAE] =	sst s4  }
0xd: {  	[smem:$0x3FAF] =	sst s5  }
0xe: {  	[smem:$0x3FB0] =	sst s6  }
0xf: {  	[smem:$0x3FB1] =	sst s7  }
0x10: {  	[smem:$0x3FB2] =	sst s8  }
0x11: {  	[smem:$0x3FB3] =	sst s9;
	s0 =	simm.s32 @!p0 $0x0  }
0x12: {  	s1 =	sld [smem:$0x3F99];
	s0 =	simm.s32 @p0 $0x1  }
0x13: {  	[smem:$0x3FB4] =	sst s0;
	s0 =	simm.s32 @!p1 $0x0  }
0x14: {  	s2 =	sld [smem:$0x3F98];
	s0 =	simm.s32 @p1 $0x1  }
0x15: {  	[smem:$0x3FB5] =	sst s0;
	s0 =	simm.s32 @!p2 $0x0  }
0x16: {  	s3 =	sld [smem:$0x3FDB];
	s0 =	simm.s32 @p2 $0x1  }
0x17: {  	s4 =	simm.s32 $0x1BF5;
	[smem:$0x3FB7] =	sst s0  }
0x18: {  	s0 =	sld [smem:$0x3F9A];
	_ =	swait.ge [sflag:s4], $0x0  }
0x19: {  	s7 =	sld [smem:$0x3F9B]  }
0x1a: {  	s8 =	sadd.s32 $0xFFFFE003, lr  }
0x1b: {  	s9 =	sadd.s32 $0xFFFFFEF7, lr;
	s5 =	simm.s32 $0xFFFFFFFF;
	p2 =	slt.u32 s8, $0xFFFFF086  }
0x1c: {  	p1 =	slt.u32 s9, $0xF7A;
	s5 =	simm.s32 @!p2 $0x0  }
0x1d: {  	s5 =	simm.s32 @p1 $0x1;
	p0 =	seq.s32 s7, s2  }
0x1e: {  	s7 =	smul.u32 @!p0 $0xF7A, s2;
	p2 =	seq.s32 @!p0 s5, $0x0  }
0x1f: {  	s9 =	smul.u32 $0xF7A, s1;
	s8 =	simm.s32 @!p0 $0x1BF5;
	p2 =	por !p2, p0  }
0x20: {  	[sflag:s8] =	ssyncset.s32 @!p0 $0xFFFFF086;
	s6 =	sadd.s32 @!p0 s3, s7;
	s7 =	simm.s32 @!p0 $0x108  }
0x21: {  	s3 =	sadd.s32 s3, s9;
	s6 =	sadd.s32 @!p0 $0x88, s6;
	s7 =	simm.s32 @p2 $0x1082  }
0x22: {  	[simem:s7], [sflag:s8] =	dma.local @!p0 [hbm:s6], $0xF7A  }
0x23: {  	s9 =	sor.u32 $0xD0000000, s2;
	s6 =	simm.s32 $0x108;
	_ =	swait.ge @!p0 [sflag:s8], $0x0  }
0x24: {  	s3 =	sadd.s32 $0x88, s3;
	s6 =	simm.s32 @!p1 $0x1082;
	[sflag:s4] =	ssyncset.s32 $0xFFFFF086  }
0x25: {  	[simem:s6], [sflag:s4] =	dma.local [hbm:s3], $0xF7A  }
0x26: {  	[smem:$0x3F9B] =	sst s1;
	(tag) =	ssettag s2;
	_ =	strace s9  }
0x27: {  	s1 =	sld [smem:$0x3FAB]  }
0x28: {  	s2 =	sld [smem:$0x3FAC]  }
0x29: {  	s4 =	sld [smem:$0x3FAE]  }
0x2a: {  	p0 =	seq.s32 s5, $0x0;
	s5 =	sld [smem:$0x3FAF]  }
0x2b: {  	s6 =	sld [smem:$0x3FB0]  }
0x2c: {  	s7 =	sld [smem:$0x3FB1]  }
0x2d: {  	s3 =	simm.s32 $0x108;
	s8 =	sld [smem:$0x3FB2]  }
0x2e: {  	s3 =	simm.s32 @!p0 $0x1082;
	s9 =	sld [smem:$0x3FB3]  }
0x2f: {  	lr =	sadd.s32 s0, s3;
	s0 =	sld [smem:$0x3FAA]  }
0x30: {  	s3 =	sld [smem:$0x3FAD]  }
0x31: {  	[smem:$0x3FB6] =	sst s10  }
0x32: {  	s10 =	sld [smem:$0x3FB4];
	_ =	sdelay $0x3  }
0x33: {  	p0 =	seq.s32 s10, $0x1;
	s10 =	sld [smem:$0x3FB6];
	_ =	sdelay $0x3  }
0x34: {  	[smem:$0x3FB6] =	sst s10  }
0x35: {  	s10 =	sld [smem:$0x3FB5];
	_ =	sdelay $0x3  }
0x36: {  	p1 =	seq.s32 s10, $0x1;
	s10 =	sld [smem:$0x3FB6];
	_ =	sdelay $0x3  }
0x37: {  	[smem:$0x3FB6] =	sst s10  }
0x38: {  	s10 =	sld [smem:$0x3FB7]  }
0x39: {  	_ = 	snop;
	(pc) =	sbr.ind lr, $3  }
0x3a: {  	_ = 	snop  }
0x3b: {  	_ = 	snop  }
0x3c: {  	p2 =	seq.s32 s10, $0x1;
	s10 =	sld [smem:$0x3FB6]  }
0x3d: {  	_ =	shalt  }
0x3e: {  	_ =	shalt  }
0x3f: {  	_ =	shalt  }
0x40: {  	_ =	shalt  }
0x41: {  	_ =	shalt  }
0x42: {  	_ =	shalt  }
0x43: {  	_ =	shalt  }
0x44: {  	_ =	shalt  }
0x45: {  	_ =	shalt  }
0x46: {  	_ =	shalt  }
0x47: {  	_ =	shalt  }
0x48: {  	_ =	shalt  }
0x49: {  	_ =	shalt  }
0x4a: {  	_ =	shalt  }
0x4b: {  	_ =	shalt  }
0x4c: {  	_ =	shalt  }
0x4d: {  	_ =	shalt  }
0x4e: {  	_ =	shalt  }
0x4f: {  	_ =	shalt  }
0x50: {  	_ =	shalt  }
0x51: {  	_ =	shalt  }
0x52: {  	_ =	shalt  }
0x53: {  	_ =	shalt  }
0x54: {  	_ =	shalt  }
0x55: {  	_ =	shalt  }
0x56: {  	_ =	shalt  }
0x57: {  	_ =	shalt  }
0x58: {  	_ =	shalt  }
0x59: {  	_ =	shalt  }
0x5a: {  	_ =	shalt  }
0x5b: {  	_ =	shalt  }
0x5c: {  	_ =	shalt  }
0x5d: {  	_ =	shalt  }
0x5e: {  	_ =	shalt  }
0x5f: {  	_ =	shalt  }
0x60: {  	_ =	shalt  }
0x61: {  	_ =	shalt  }
0x62: {  	_ =	shalt  }
0x63: {  	_ =	shalt  }
0x64: {  	_ =	shalt  }
0x65: {  	_ =	shalt  }
0x66: {  	_ =	shalt  }
0x67: {  	_ =	shalt  }
0x68: {  	_ =	shalt  }
0x69: {  	_ =	shalt  }
0x6a: {  	_ =	shalt  }
0x6b: {  	_ =	shalt  }
0x6c: {  	_ =	shalt  }
0x6d: {  	_ =	shalt  }
0x6e: {  	_ =	shalt  }
0x6f: {  	_ =	shalt  }
0x70: {  	_ =	shalt  }
0x71: {  	_ =	shalt  }
0x72: {  	_ =	shalt  }
0x73: {  	_ =	shalt  }
0x74: {  	_ =	shalt  }
0x75: {  	_ =	shalt  }
0x76: {  	_ =	shalt  }
0x77: {  	_ =	shalt  }
0x78: {  	_ =	shalt  }
0x79: {  	_ =	shalt  }
0x7a: {  	_ =	shalt  }
0x7b: {  	_ =	shalt  }
0x7c: {  	_ =	shalt  }
0x7d: {  	_ =	shalt  }
0x7e: {  	_ =	shalt  }
0x7f: {  	_ =	shalt  }
0x80: {  	_ =	shalt  }
0x81: {  	_ =	shalt  }
0x82: {  	_ =	shalt  }
0x83: {  	_ =	shalt  }
0x84: {  	_ =	shalt  }
0x85: {  	_ =	shalt  }
0x86: {  	_ =	shalt  }
0x87: {  	_ =	shalt  }
.Lfunc_end0:
.L_simem_size_0:
called_computation.2_lowered:
.L_overlay_start_0:
0x88: {  	s2 =	sld [smem:$0x3FD9]  }
0x89: {  	s3 =	sld [smem:$0x3FFE];
	_ =	sdelay $0x1  }
0x8a: {  	s1 =	srdreg.scid  }
0x8b: {  	s0 =	sand.u32 $0x1, s1  }
0x8c: {  	s17 =	sshll.u32 s0, $0xA;
	s2 =	sadd.s32 s3, s2  }
0x8d: {  	s2 =	sadd.s32 s2, s17  }
0x8e: {  	[smem:$0x3FC2] =	sst s2  }
0x8f: {  	_ = 	snop  }
0x90: {  	s2 =	sld [smem:$0x3FD0];
	(tm) =	ssettm $0x1  }
0x91: {  	s18 =	sld [smem:$0x3FFB];
	_ =	sdelay $0x3  }
0x92: {  	_ =	strace s18  }
0x93: {  	s3 =	sld [smem:$0x3FFC];
	_ =	sdelay $0x3  }
0x94: {  	_ =	strace s3  }
0x95: {  	s3 =	sld [smem:$0x3FFD];
	_ =	sdelay $0x3  }
0x96: {  	_ =	strace s3  }
0x97: {  	_ =	strace $0x8FFFFFFF  }
0x98: {  	s19 =	sld [smem:$0x3FDB];
	_ =	sdelay $0x1  }
0x99: {  	s4 =	simm.s32 $_scs_section_size  }
0x9a: {  	s5 =	simm.s32 $_size__tile_overlayer_lowered;
	s6 =	simm.s32 $_tile_overlayer_lowered  }
0x9b: {  	s22 =	simm.s32 $0x1BFF;
	s21 =	sshll.u32 s6, $0x1;
	s3 =	sadd.s32 s4, s19  }
0x9c: {  	s7 =	simm.s32 $0x0;
	s20 =	sshll.u32 s5, $0x1;
	s5 =	sadd.s32 s21, s3  }
0x9d: {  	[timem:s7], [sflag:s22] =	dma.local [hbm:s5], s20  }
0x9e: {  	_ =	swait.ge [sflag:s22], s20  }
0x9f: {  	s4 =	ssub.s32 $0x0, s20;
	[sflag:s22] =	ssyncset.done $0x0  }
0xa0: {  	[sflag:s22] =	ssyncadd.s32 s4;
	_ =	sdelay $0x1  }
0xa1: {  	s23 =	simm.s32 $0x1B8B  }
0xa2: {  	_ =	swait.ge [sflag:s23], $0x1  }
0xa3: {  	[sflag:s23] =	ssyncset.done $0x0  }
0xa4: {  	s25 =	simm.s32 $0x1B8E;
	s24 =	sld [smem:$0x3FFE];
	[sflag:s23] =	ssyncadd.s32 $0xFFFFFFFF  }
0xa5: {  	s26 =	simm.s32 $execute0_lowered;
	[smem:$0x3FD2] =	sst s25  }
0xa6: {  	s5 =	sshll.u32 s26, $0x1;
	_ =	strace $0x8000004C;
	[dreg:$0x1] =	wrdreg $0xFFFFFFFF  }
0xa7: {  	s28 =	simm.s32 $_size_execute0_lowered;
	s3 =	sadd.s32 s3, s5;
	[dreg:$0x0] =	wrdreg $0x0  }
0xa8: {  	s5 =	sshll.u32 s28, $0x1;
	[dreg:$0x2] =	wrdreg s3  }
0xa9: {  	[dreg:$0x3] =	wrdreg s5  }
0xaa: {  	[dreg:$0x4] =	wrdreg $0xC0  }
0xab: {  	_ =	task [dreg:s7], $0x5FFFF  }
0xac: {  	[dreg:$0x1] =	wrdreg $0xFFFFFFFF  }
0xad: {  	[dreg:$0x0] =	wrdreg $0x60  }
0xae: {  	[dreg:$0x2] =	wrdreg s24  }
0xaf: {  	[dreg:$0x3] =	wrdreg s2  }
0xb0: {  	[dreg:$0x4] =	wrdreg $0x0  }
0xb1: {  	[dreg:$0x5] =	wrdreg $0x9  }
0xb2: {  	_ =	task.clear_ibuf [dreg:s7], $0x6FFFF;
	_ =	strace $0x9000004C  }
0xb3: {  	s29 =	simm.s32 $0x9;
	_ =	strace $0x8000004E  }
0xb4: {  	_ =	swait.ge [sflag:s29], $0x1  }
0xb5: {  	[sflag:s29] =	ssyncadd.s32 $0xFFFFFFFF  }
0xb6: {  	_ =	strace $0x9000004E  }
0xb7: {  	_ =	sfence  }
0xb8: {  	s30 =	sld [smem:$0x0];
	_ =	sdelay $0x2  }
0xb9: {  	s31 =	sshll.u32 s1, $0xD;
	s1 =	sshrl.u32 s1, $0x2  }
0xba: {  	s3 =	sand.u32 $0x4000, s31;
	s1 =	sadd.s32 s1, s30  }
0xbb: {  	s0 =	sor.u32 s3, s0;
	s1 =	sshll.u32 s1, $0x11  }
0xbc: {  	s0 =	sor.u32 s1, s0  }
0xbd: {  	s0 =	sadd.s32 $0x8F2B, s0  }
0xbe: {  	[sflag:s0] =	ssyncadd.remote.s32 $0x1  }
0xbf: {  	_ =	sfence.sel $0xFFFF  }
0xc0: {  	[dreg:$0x0] =	wrdreg $0xFFFFFFFF;
	(pc) =	sbr.abs _section_cstart, $3  }
0xc1: {  	[dreg:$0x1] =	wrdreg $0xFFFFFFFF  }
0xc2: {  	_ =	task.clear_ibuf [dreg:s7], $0x2FFFF;
	_ =	strace $0x9FFFFFFF  }
0xc3: {  	(tm) =	ssettm $0x7FFFFFFF  }
tec
execute0_lowered:
.L_overlay_start_1:
0x0: {  	(tag) =	ssettag $0x1  }
0x1: {  	s0 =	rddreg [dreg:$0x0]  }
0x2: {  	s2 =	rddreg [dreg:$0x1]  }
0x3: {  	s1 =	rddreg [dreg:$0x2]  }
0x4: {  	s3 =	srdreg.scid;
	s10 =	stileid.u32  }
0x5: {  	s19 =	simm.s32 $0x13880;
	s20 =	simm.s32 $0x3;
	s21 =	simm.s32 $0x14C80  }
0x6: {  	s28 =	simm.s32 $0x14C00;
	s29 =	simm.s32 $0x15F80;
	s30 =	simm.s32 $0x16000  }
0x7: {  	s31 =	simm.s32 $0x0;
	s5 =	sand.u32 $0x1, s3;
	s3 =	simm.s32 $0x0  }
0x8: {  	s7 =	smul.u32 $0x13800, s10;
	s4 =	sadd.s32 $0xC800, s0;
	s9 =	sadd.s32 $0x2800, s0  }
0x9: {  	s6 =	smul.u32 $0x138800, s5;
	[smem:$0x7FF] =	sst s3;
	s8 =	sshll.u32 s5, $0x4  }
0xa: {  	s5 =	ssub.s32 $0x2, s5;
	s8 =	sor.u32 s10, s8;
	s10 =	smul.u32 $0x4E000, s10  }
0xb: {  	_ =	strace $0x8000004D;
	s23 =	sshrl.u32 s5, $0x1;
	s22 =	smul.u32 $0x500, s8  }
0xc: {  	s6 =	sadd.s32 s7, s6;
	s8 =	smul.u32 $0x2800, s8;
	s5 =	ssub.s32 s5, s23  }
0xd: {  	s23 =	simm.s32 $0x16080;
	s6 =	sshrl.u32 s6, $0x3;
	s10 =	sshrl.u32 s10, $0x2  }
0xe: {  	s11 =	smax.u32 s5, $0x1;
	s0 =	sadd.s32 s6, s0;
	s24 =	sadd.s32 s9, s22  }
0xf: {  	s8 =	sshrl.u32 s8, $0x3;
	s25 =	sadd.s32 s2, s22;
	[dreg:$0x4] =	wrdreg s24  }
0x10: {  	s22 =	simm.s32 $0x7D;
	[dreg:$0x5] =	wrdreg s25;
	s8 =	sadd.s32 $0x280, s8  }
0x11: {  	s24 =	simm.s32 $0x1A080;
	s25 =	simm.s32 $0x1;
	s26 =	sadd.s32 s9, s8  }
0x12: {  	s8 =	sadd.s32 s2, s8;
	s9 =	sadd.s32 s10, s1;
	s10 =	sadd.s32 $0x33A00, s0  }
0x13: {  	[dreg:$0x6] =	wrdreg s26;
	s12 =	sadd.s32 $0x2800, s9;
	s13 =	sadd.s32 $0x5000, s9  }
0x14: {  	s14 =	sadd.s32 $0x7800, s9;
	s15 =	sadd.s32 $0xA000, s9;
	s16 =	sadd.s32 $0xC800, s9  }
0x15: {  	v0 =	vimm.f32 $0.0e+00;
	s17 =	sadd.s32 $0xF000, s9;
	s18 =	sadd.s32 $0x11800, s9;
	s26 =	simm.s32 $0x2  }
.LBB2_1:
0x16: {  	s0 =	rddreg [dreg:$0x4]  }
0x17: {  	[tilespmem:s19], [sflag:$0x3] =	stream.linear.gather [hbm4b:s0+s3], $0x1400, $0x38;
	[tilespmem:$0x1E080] =	vst v63  }
0x18: {  	_ =	swait.ge [sflag:s20], $0x1400  }
0x19: {  	[sflag:s20] =	ssyncset.done $0x0  }
0x1a: {  	s6 =	rddreg [dreg:$0x5];
	[sflag:s20] =	ssyncadd.s32 $0xFFFFEC00  }
0x1b: {  	[tilespmem:s21], [sflag:$0x3] =	stream.linear.gather [hbm4b:s6+s3], $0x1400, $0x38;
	[tilespmem:$0x1E080] =	vst v63  }
0x1c: {  	s7 =	sand.u32 $0xFE00, s3;
	s2 =	sand.u32 $0x70, s3;
	_ =	swait.ge [sflag:s20], $0x1400  }
0x1d: {  	s5 =	sshrl.u32 s7, $0x2;
	s0 =	simm.s32 $0x40;
	[sflag:s20] =	ssyncset.done $0x0  }
0x1e: {  	s5 =	sor.u32 s2, s5;
	s2 =	simm.s32 $0x0;
	[sflag:s20] =	ssyncadd.s32 $0xFFFFEC00  }
0x1f: {  	[tilespmem:s23], [sflag:$0x1] =	stream.indirect.gather [hbm4b:s4+s22], $0x80, s19, s22, $0xb8;
	[tilespmem:$0x1E080] =	vst v63  }
.LBB2_2:
0x20: {  	p0 =	sne.s32 s0, $0xF9C0  }
0x21: {  	[tilespmem:s5+$0x1A080] =	vst v0;
	s2 =	sadd.s32 $0x10, s2;
	s5 =	smov.u32 s0;
	s0 =	sadd.s32 $0x40, s0  }
.Ltmp0:
0x22: {  	(pc) =	sbr.rel @p0 .LBB2_2-.Ltmp0, $4  }
0x23: {  	_ = 	snop  }
0x24: {  	s5 =	sand.u32 $0xFE00, s5  }
0x25: {  	s6 =	sand.u32 $0x70, s2;
	s5 =	sshrl.u32 s5, $0x2  }
0x26: {  	s5 =	sor.u32 s6, s5  }
0x27: {  	[tilespmem:s5+$0x1A080] =	vst v0  }
0x28: {  	[spmem:s9] =	stream.linear.scatter [tilespmem:s24], [sflag:$0x3], $0x2800, $0x38;
	[tilespmem:$0x1E080] =	vst v63  }
0x29: {  	_ =	swait.ge [sflag:s20], $0x2800  }
0x2a: {  	[sflag:s20] =	ssyncset.done $0x0  }
0x2b: {  	[sflag:s20] =	ssyncadd.s32 $0xFFFFD800  }
0x2c: {  	[spmem:s12] =	stream.linear.scatter [tilespmem:s24], [sflag:$0x3], $0x2800, $0x38;
	[tilespmem:$0x1E080] =	vst v63  }
0x2d: {  	_ =	swait.ge [sflag:s20], $0x2800  }
0x2e: {  	[sflag:s20] =	ssyncset.done $0x0  }
0x2f: {  	[sflag:s20] =	ssyncadd.s32 $0xFFFFD800  }
0x30: {  	[spmem:s13] =	stream.linear.scatter [tilespmem:s24], [sflag:$0x3], $0x2800, $0x38;
	[tilespmem:$0x1E080] =	vst v63  }
0x31: {  	_ =	swait.ge [sflag:s20], $0x2800  }
0x32: {  	[sflag:s20] =	ssyncset.done $0x0  }
0x33: {  	[sflag:s20] =	ssyncadd.s32 $0xFFFFD800  }
0x34: {  	[spmem:s14] =	stream.linear.scatter [tilespmem:s24], [sflag:$0x3], $0x2800, $0x38;
	[tilespmem:$0x1E080] =	vst v63  }
0x35: {  	_ =	swait.ge [sflag:s20], $0x2800  }
0x36: {  	[sflag:s20] =	ssyncset.done $0x0  }
0x37: {  	[sflag:s20] =	ssyncadd.s32 $0xFFFFD800  }
0x38: {  	[spmem:s15] =	stream.linear.scatter [tilespmem:s24], [sflag:$0x3], $0x2800, $0x38;
	[tilespmem:$0x1E080] =	vst v63  }
0x39: {  	_ =	swait.ge [sflag:s20], $0x2800  }
0x3a: {  	[sflag:s20] =	ssyncset.done $0x0  }
0x3b: {  	[sflag:s20] =	ssyncadd.s32 $0xFFFFD800  }
0x3c: {  	[spmem:s16] =	stream.linear.scatter [tilespmem:s24], [sflag:$0x3], $0x2800, $0x38;
	[tilespmem:$0x1E080] =	vst v63  }
0x3d: {  	_ =	swait.ge [sflag:s20], $0x2800  }
0x3e: {  	[sflag:s20] =	ssyncset.done $0x0  }
0x3f: {  	[sflag:s20] =	ssyncadd.s32 $0xFFFFD800  }
0x40: {  	[spmem:s17] =	stream.linear.scatter [tilespmem:s24], [sflag:$0x3], $0x2800, $0x38;
	[tilespmem:$0x1E080] =	vst v63  }
0x41: {  	_ =	swait.ge [sflag:s20], $0x2800  }
0x42: {  	[sflag:s20] =	ssyncset.done $0x0  }
0x43: {  	[sflag:s20] =	ssyncadd.s32 $0xFFFFD800  }
0x44: {  	[spmem:s18] =	stream.linear.scatter [tilespmem:s24], [sflag:$0x3], $0x2800, $0x38;
	[tilespmem:$0x1E080] =	vst v63  }
0x45: {  	_ =	swait.ge [sflag:s20], $0x2800  }
0x46: {  	[sflag:s20] =	ssyncset.done $0x0  }
0x47: {  	[sflag:s20] =	ssyncadd.s32 $0xFFFFD800  }
0x48: {  	s0 =	simm.s32 $0x13900;
	[bflag:$0x0] =	sbarrier.arrive $0xFFFF  }
0x49: {  	[tilespmem:s24], [sflag:$0x2] =	stream.indirect.gather [hbm4b:s4+s22], $0x80, s0, s22, $0xb8;
	[tilespmem:$0x1E080] =	vst v63  }
0x4a: {  	_ =	swait.ge [sflag:s25], $0x3E80  }
0x4b: {  	[sflag:s25] =	ssyncset.done $0x0  }
0x4c: {  	s5 =	simm.s32 $0x14C80;
	[sflag:s25] =	ssyncadd.s32 $0xFFFFC180  }
0x4d: {  	[spmem:s1] =	stream.indirect.scatter.add.f32 [tilespmem:s23], [sflag:$0x3], $0x80, s5, s22, $0xb8;
	[tilespmem:$0x1E080] =	vst v63  }
0x4e: {  	_ =	swait.ge [sflag:s20], $0x3E80  }
0x4f: {  	[sflag:s20] =	ssyncset.done $0x0  }
0x50: {  	s6 =	simm.s32 $0x13980;
	[sflag:s20] =	ssyncadd.s32 $0xFFFFC180  }
0x51: {  	[tilespmem:s23], [sflag:$0x1] =	stream.indirect.gather [hbm4b:s4+s22], $0x80, s6, s22, $0xb8;
	[tilespmem:$0x1E080] =	vst v63  }
0x52: {  	_ =	swait.ge [sflag:s26], $0x3E80  }
0x53: {  	[sflag:s26] =	ssyncset.done $0x0  }
0x54: {  	s7 =	simm.s32 $0x14D00;
	[sflag:s26] =	ssyncadd.s32 $0xFFFFC180  }
0x55: {  	[spmem:s1] =	stream.indirect.scatter.add.f32 [tilespmem:s24], [sflag:$0x3], $0x80, s7, s22, $0xb8;
	[tilespmem:$0x1E080] =	vst v63  }
0x56: {  	_ =	swait.ge [sflag:s20], $0x3E80  }
0x57: {  	s2 =	simm.s32 $0x800;
	s0 =	simm.s32 $0x100;
	[sflag:s20] =	ssyncset.done $0x0  }
.LBB2_4:
0x58: {  	s5 =	sadd.s32 $0x13900, s0  }
0x59: {  	[sflag:s20] =	ssyncadd.s32 $0xFFFFC180;
	s6 =	smov.u32 s2;
	s7 =	sadd.s32 $0x400, s2  }
0x5a: {  	[tilespmem:s24], [sflag:$0x2] =	stream.indirect.gather [hbm4b:s4+s22], $0x80, s5, s22, $0xb8;
	[tilespmem:$0x1E080] =	vst v63  }
0x5b: {  	p0 =	sne.s32 s2, $0x4800;
	_ =	swait.ge [sflag:s25], $0x3E80  }
0x5c: {  	[sflag:s25] =	ssyncset.done $0x0  }
0x5d: {  	s2 =	sadd.s32 $0x14C80, s0;
	[sflag:s25] =	ssyncadd.s32 $0xFFFFC180  }
0x5e: {  	[spmem:s1] =	stream.indirect.scatter.add.f32 [tilespmem:s23], [sflag:$0x3], $0x80, s2, s22, $0xb8;
	[tilespmem:$0x1E080] =	vst v63  }
0x5f: {  	_ =	swait.ge [sflag:s20], $0x3E80  }
0x60: {  	[sflag:s20] =	ssyncset.done $0x0  }
0x61: {  	s2 =	sadd.s32 $0x13980, s0;
	[sflag:s20] =	ssyncadd.s32 $0xFFFFC180  }
0x62: {  	[tilespmem:s23], [sflag:$0x1] =	stream.indirect.gather [hbm4b:s4+s22], $0x80, s2, s22, $0xb8;
	[tilespmem:$0x1E080] =	vst v63  }
0x63: {  	_ =	swait.ge [sflag:s26], $0x3E80  }
.Ltmp1:
0x64: {  	[sflag:s26] =	ssyncset.done $0x0;
	(pc) =	sbr.rel @p0 .LBB2_4-.Ltmp1, $4  }
0x65: {  	s0 =	sadd.s32 $0x14D00, s0;
	[sflag:s26] =	ssyncadd.s32 $0xFFFFC180  }
0x66: {  	[spmem:s1] =	stream.indirect.scatter.add.f32 [tilespmem:s24], [sflag:$0x3], $0x80, s0, s22, $0xb8;
	[tilespmem:$0x1E080] =	vst v63  }
0x67: {  	_ =	swait.ge [sflag:s20], $0x3E80  }
0x68: {  	s2 =	smov.u32 s7;
	s0 =	sshra.s32 s6, $0x2;
	[sflag:s20] =	ssyncset.done $0x0  }
0x69: {  	s2 =	sadd.s32 $0x13900, s0;
	[sflag:s20] =	ssyncadd.s32 $0xFFFFC180  }
0x6a: {  	[tilespmem:s24], [sflag:$0x2] =	stream.indirect.gather [hbm4b:s4+s22], $0x80, s2, s22, $0xb8;
	[tilespmem:$0x1E080] =	vst v63  }
0x6b: {  	_ =	swait.ge [sflag:s25], $0x3E80  }
0x6c: {  	[sflag:s25] =	ssyncset.done $0x0  }
0x6d: {  	s6 =	sadd.s32 $0x14C80, s0;
	[sflag:s25] =	ssyncadd.s32 $0xFFFFC180  }
0x6e: {  	[spmem:s1] =	stream.indirect.scatter.add.f32 [tilespmem:s23], [sflag:$0x3], $0x80, s6, s22, $0xb8;
	[tilespmem:$0x1E080] =	vst v63  }
0x6f: {  	_ =	swait.ge [sflag:s20], $0x3E80  }
0x70: {  	[sflag:s20] =	ssyncset.done $0x0  }
0x71: {  	s7 =	sadd.s32 $0x13980, s0;
	[sflag:s20] =	ssyncadd.s32 $0xFFFFC180  }
0x72: {  	[tilespmem:s23], [sflag:$0x1] =	stream.indirect.gather [hbm4b:s4+s22], $0x80, s7, s22, $0xb8;
	[tilespmem:$0x1E080] =	vst v63  }
0x73: {  	_ =	swait.ge [sflag:s26], $0x3E80  }
0x74: {  	[sflag:s26] =	ssyncset.done $0x0  }
0x75: {  	s5 =	sadd.s32 $0x14D00, s0;
	[sflag:s26] =	ssyncadd.s32 $0xFFFFC180  }
0x76: {  	[spmem:s1] =	stream.indirect.scatter.add.f32 [tilespmem:s24], [sflag:$0x3], $0x80, s5, s22, $0xb8;
	[tilespmem:$0x1E080] =	vst v63  }
0x77: {  	_ =	swait.ge [sflag:s20], $0x3E80  }
0x78: {  	[sflag:s20] =	ssyncset.done $0x0  }
0x79: {  	[sflag:s20] =	ssyncadd.s32 $0xFFFFC180  }
0x7a: {  	[tilespmem:s24], [sflag:$0x2] =	stream.indirect.gather [hbm4b:s4+s22], $0x80, s28, s22, $0xb8;
	[tilespmem:$0x1E080] =	vst v63  }
0x7b: {  	_ =	swait.ge [sflag:s25], $0x3E80  }
0x7c: {  	[sflag:s25] =	ssyncset.done $0x0  }
0x7d: {  	[sflag:s25] =	ssyncadd.s32 $0xFFFFC180  }
0x7e: {  	[spmem:s1] =	stream.indirect.scatter.add.f32 [tilespmem:s23], [sflag:$0x3], $0x80, s29, s22, $0xb8;
	[tilespmem:$0x1E080] =	vst v63  }
0x7f: {  	_ =	swait.ge [sflag:s20], $0x3E80  }
0x80: {  	[sflag:s20] =	ssyncset.done $0x0  }
0x81: {  	[sflag:s20] =	ssyncadd.s32 $0xFFFFC180  }
0x82: {  	_ =	swait.ge [sflag:s26], $0x3E80  }
0x83: {  	[sflag:s26] =	ssyncset.done $0x0  }
0x84: {  	[sflag:s26] =	ssyncadd.s32 $0xFFFFC180  }
0x85: {  	[spmem:s1] =	stream.indirect.scatter.add.f32 [tilespmem:s24], [sflag:$0x3], $0x80, s30, s22, $0xb8;
	[tilespmem:$0x1E080] =	vst v63  }
0x86: {  	_ =	swait.ge [sflag:s20], $0x3E80  }
0x87: {  	[sflag:s20] =	ssyncset.done $0x0  }
0x88: {  	s6 =	simm.s32 $0x0;
	s7 =	rddreg [dreg:$0x6];
	[sflag:s20] =	ssyncadd.s32 $0xFFFFC180  }
0x89: {  	[tilespmem:s19], [sflag:$0x3] =	stream.linear.gather [hbm4b:s7+s6], $0x1400, $0x38;
	[tilespmem:$0x1E080] =	vst v63  }
0x8a: {  	_ =	swait.ge [sflag:s20], $0x1400  }
0x8b: {  	[sflag:s20] =	ssyncset.done $0x0  }
0x8c: {  	[sflag:s20] =	ssyncadd.s32 $0xFFFFEC00  }
0x8d: {  	[tilespmem:s21], [sflag:$0x3] =	stream.linear.gather [hbm4b:s8+s6], $0x1400, $0x38;
	[tilespmem:$0x1E080] =	vst v63  }
0x8e: {  	_ =	swait.ge [sflag:s20], $0x1400  }
0x8f: {  	[sflag:s20] =	ssyncset.done $0x0  }
0x90: {  	[sflag:s20] =	ssyncadd.s32 $0xFFFFEC00  }
0x91: {  	[tilespmem:s23], [sflag:$0x1] =	stream.indirect.gather [hbm4b:s4+s22], $0x80, s19, s22, $0xb8;
	[tilespmem:$0x1E080] =	vst v63  }
0x92: {  	s2 =	simm.s32 $0x13900  }
0x93: {  	[tilespmem:s24], [sflag:$0x2] =	stream.indirect.gather [hbm4b:s4+s22], $0x80, s2, s22, $0xb8;
	[tilespmem:$0x1E080] =	vst v63  }
0x94: {  	_ =	swait.ge [sflag:s25], $0x3E80  }
0x95: {  	[sflag:s25] =	ssyncset.done $0x0  }
0x96: {  	s5 =	simm.s32 $0x14C80;
	[sflag:s25] =	ssyncadd.s32 $0xFFFFC180  }
0x97: {  	[spmem:s1] =	stream.indirect.scatter.add.f32 [tilespmem:s23], [sflag:$0x3], $0x80, s5, s22, $0xb8;
	[tilespmem:$0x1E080] =	vst v63  }
0x98: {  	_ =	swait.ge [sflag:s20], $0x3E80  }
0x99: {  	[sflag:s20] =	ssyncset.done $0x0  }
0x9a: {  	s6 =	simm.s32 $0x13980;
	[sflag:s20] =	ssyncadd.s32 $0xFFFFC180  }
0x9b: {  	[tilespmem:s23], [sflag:$0x1] =	stream.indirect.gather [hbm4b:s4+s22], $0x80, s6, s22, $0xb8;
	[tilespmem:$0x1E080] =	vst v63  }
0x9c: {  	_ =	swait.ge [sflag:s26], $0x3E80  }
0x9d: {  	[sflag:s26] =	ssyncset.done $0x0  }
0x9e: {  	s7 =	simm.s32 $0x14D00;
	[sflag:s26] =	ssyncadd.s32 $0xFFFFC180  }
0x9f: {  	[spmem:s1] =	stream.indirect.scatter.add.f32 [tilespmem:s24], [sflag:$0x3], $0x80, s7, s22, $0xb8;
	[tilespmem:$0x1E080] =	vst v63  }
0xa0: {  	_ =	swait.ge [sflag:s20], $0x3E80  }
0xa1: {  	s0 =	simm.s32 $0x100;
	s2 =	simm.s32 $0x800;
	[sflag:s20] =	ssyncset.done $0x0  }
.LBB2_6:
0xa2: {  	s5 =	sadd.s32 $0x13900, s0  }
0xa3: {  	[sflag:s20] =	ssyncadd.s32 $0xFFFFC180;
	s6 =	smov.u32 s2;
	s7 =	sadd.s32 $0x400, s2  }
0xa4: {  	[tilespmem:s24], [sflag:$0x2] =	stream.indirect.gather [hbm4b:s4+s22], $0x80, s5, s22, $0xb8;
	[tilespmem:$0x1E080] =	vst v63  }
0xa5: {  	p0 =	sne.s32 s2, $0x4800;
	_ =	swait.ge [sflag:s25], $0x3E80  }
0xa6: {  	[sflag:s25] =	ssyncset.done $0x0  }
0xa7: {  	s2 =	sadd.s32 $0x14C80, s0;
	[sflag:s25] =	ssyncadd.s32 $0xFFFFC180  }
0xa8: {  	[spmem:s1] =	stream.indirect.scatter.add.f32 [tilespmem:s23], [sflag:$0x3], $0x80, s2, s22, $0xb8;
	[tilespmem:$0x1E080] =	vst v63  }
0xa9: {  	_ =	swait.ge [sflag:s20], $0x3E80  }
0xaa: {  	[sflag:s20] =	ssyncset.done $0x0  }
0xab: {  	s2 =	sadd.s32 $0x13980, s0;
	[sflag:s20] =	ssyncadd.s32 $0xFFFFC180  }
0xac: {  	[tilespmem:s23], [sflag:$0x1] =	stream.indirect.gather [hbm4b:s4+s22], $0x80, s2, s22, $0xb8;
	[tilespmem:$0x1E080] =	vst v63  }
0xad: {  	_ =	swait.ge [sflag:s26], $0x3E80  }
.Ltmp2:
0xae: {  	[sflag:s26] =	ssyncset.done $0x0;
	(pc) =	sbr.rel @p0 .LBB2_6-.Ltmp2, $4  }
0xaf: {  	s0 =	sadd.s32 $0x14D00, s0;
	[sflag:s26] =	ssyncadd.s32 $0xFFFFC180  }
0xb0: {  	[spmem:s1] =	stream.indirect.scatter.add.f32 [tilespmem:s24], [sflag:$0x3], $0x80, s0, s22, $0xb8;
	[tilespmem:$0x1E080] =	vst v63  }
0xb1: {  	_ =	swait.ge [sflag:s20], $0x3E80  }
0xb2: {  	s2 =	smov.u32 s7;
	s0 =	sshra.s32 s6, $0x2;
	[sflag:s20] =	ssyncset.done $0x0  }
0xb3: {  	s2 =	sadd.s32 $0x13900, s0;
	[sflag:s20] =	ssyncadd.s32 $0xFFFFC180  }
0xb4: {  	[tilespmem:s24], [sflag:$0x2] =	stream.indirect.gather [hbm4b:s4+s22], $0x80, s2, s22, $0xb8;
	[tilespmem:$0x1E080] =	vst v63  }
0xb5: {  	_ =	swait.ge [sflag:s25], $0x3E80  }
0xb6: {  	[sflag:s25] =	ssyncset.done $0x0  }
0xb7: {  	s6 =	sadd.s32 $0x14C80, s0;
	[sflag:s25] =	ssyncadd.s32 $0xFFFFC180  }
0xb8: {  	[spmem:s1] =	stream.indirect.scatter.add.f32 [tilespmem:s23], [sflag:$0x3], $0x80, s6, s22, $0xb8;
	[tilespmem:$0x1E080] =	vst v63  }
0xb9: {  	_ =	swait.ge [sflag:s20], $0x3E80  }
0xba: {  	[sflag:s20] =	ssyncset.done $0x0  }
0xbb: {  	s7 =	sadd.s32 $0x13980, s0;
	[sflag:s20] =	ssyncadd.s32 $0xFFFFC180  }
0xbc: {  	[tilespmem:s23], [sflag:$0x1] =	stream.indirect.gather [hbm4b:s4+s22], $0x80, s7, s22, $0xb8;
	[tilespmem:$0x1E080] =	vst v63  }
0xbd: {  	_ =	swait.ge [sflag:s26], $0x3E80  }
0xbe: {  	[sflag:s26] =	ssyncset.done $0x0  }
0xbf: {  	s5 =	sadd.s32 $0x14D00, s0;
	[sflag:s26] =	ssyncadd.s32 $0xFFFFC180  }
0xc0: {  	[spmem:s1] =	stream.indirect.scatter.add.f32 [tilespmem:s24], [sflag:$0x3], $0x80, s5, s22, $0xb8;
	[tilespmem:$0x1E080] =	vst v63  }
0xc1: {  	_ =	swait.ge [sflag:s20], $0x3E80  }
0xc2: {  	[sflag:s20] =	ssyncset.done $0x0  }
0xc3: {  	[sflag:s20] =	ssyncadd.s32 $0xFFFFC180  }
0xc4: {  	[tilespmem:s24], [sflag:$0x2] =	stream.indirect.gather [hbm4b:s4+s22], $0x80, s28, s22, $0xb8;
	[tilespmem:$0x1E080] =	vst v63  }
0xc5: {  	_ =	swait.ge [sflag:s25], $0x3E80  }
0xc6: {  	[sflag:s25] =	ssyncset.done $0x0  }
0xc7: {  	[sflag:s25] =	ssyncadd.s32 $0xFFFFC180  }
0xc8: {  	[spmem:s1] =	stream.indirect.scatter.add.f32 [tilespmem:s23], [sflag:$0x3], $0x80, s29, s22, $0xb8;
	[tilespmem:$0x1E080] =	vst v63  }
0xc9: {  	_ =	swait.ge [sflag:s20], $0x3E80  }
0xca: {  	[sflag:s20] =	ssyncset.done $0x0  }
0xcb: {  	[sflag:s20] =	ssyncadd.s32 $0xFFFFC180  }
0xcc: {  	_ =	swait.ge [sflag:s26], $0x3E80  }
0xcd: {  	[sflag:s26] =	ssyncset.done $0x0  }
0xce: {  	[sflag:s26] =	ssyncadd.s32 $0xFFFFC180  }
0xcf: {  	[spmem:s1] =	stream.indirect.scatter.add.f32 [tilespmem:s24], [sflag:$0x3], $0x80, s30, s22, $0xb8;
	[tilespmem:$0x1E080] =	vst v63  }
0xd0: {  	s6 =	stileid.u32;
	_ =	swait.ge [sflag:s20], $0x3E80  }
0xd1: {  	s31 =	sadd.s32 $0x1, s31;
	s0 =	sshll.u32 s6, $0x6;
	[sflag:s20] =	ssyncset.done $0x0  }
0xd2: {  	p0 =	sne.s32 s31, s11;
	s0 =	sor.u32 $0x1C03, s0;
	[sflag:s20] =	ssyncadd.s32 $0xFFFFC180  }
.Ltmp3:
0xd3: {  	s7 =	sshrl.u32 s9, $0x3;
	[bflag:$0x0] =	sbarrier.arrive $0xFFFF;
	(pc) =	sbr.rel @p0 .LBB2_1-.Ltmp3, $4  }
0xd4: {  	[hbm:s10], [sflag:s0] =	dma.local [spmem:s7], $0x2800  }
0xd5: {  	_ =	swait.ge [sflag:s20], $0x2800  }
0xd6: {  	[sflag:s20] =	ssyncset.done $0x0  }
0xd7: {  	[sflag:s20] =	ssyncadd.s32 $0xFFFFD800  }
0xd8: {  	_ =	sfence.sel $0x180000  }
0xd9: {  	[bflag:$0x0] =	sbarrier.arrive $0xFFFF  }
0xda: {  	_ =	strace $0x9000004D  }
0xdb: {  	s0 =	stileid.u32;
	[bflag:$0x2] =	sbarrier.arrive $0xFFFF  }
0xdc: {  	p0 =	sne.s32 s0, $0x0;
	s0 =	rddreg [dreg:$0x3]  }
0xdd: {  	s0 =	sadd.s32 @!p0 $0x100000, s0  }
0xde: {  	[sflag:s0] =	ssyncadd.tile.s32 @!p0 $0x1;
	_ =	shalt  }
.Lfunc_end2:
_tile_overlayer_lowered:
.L_overlay_start_2:
0xdf: {  	(tag) =	ssettag $0x2  }
0xe0: {  	s0 =	rddreg [dreg:$0x0];
	s2 =	stileid.u32  }
0xe1: {  	s1 =	rddreg [dreg:$0x1];
	p0 =	sne.s32 s2, $0x0  }
0xe2: {  	s3 =	rddreg [dreg:$0x2];
	[bflag:$0x3] =	sbarrier.arrive $0xFFFF;
	s2 =	simm.s32 @!p0 $0x1C03  }
0xe3: {  	[timem:s3], [sflag:s2] =	dma.local @!p0 [hbm:s0], s1  }
0xe4: {  	s0 =	simm.s32 @!p0 $0x3  }
0xe5: {  	_ =	swait.ge @!p0 [sflag:s0], s1  }
0xe6: {  	s1 =	ssub.s32 @!p0 $0x0, s1;
	[sflag:s0] =	ssyncset.done @!p0 $0x0  }
0xe7: {  	[sflag:s0] =	ssyncadd.s32 @!p0 s1  }
0xe8: {  	[bflag:$0x3] =	sbarrier.arrive $0xFFFF  }
0xe9: {  	_ =	shalt  }

// kernel: kernel.8.cloned.1.call-start
scs
__scs_entry_jumppad:
0x0: {  	(pc) =	sbr.rel $0x88, $3  }
0x1: {  	(tag) =	ssettag $0x0;
	lr =	simm.s32 $0x1  }
0x2: {  	[smem:$0x3F9B] =	sst lr;
	_ =	strace $0xD0000000  }
0x3: {  	_ = 	snop  }
0x4: {  	_ = 	snop  }
0x5: {  	_ = 	snop  }
0x6: {  	_ = 	snop  }
0x7: {  	_ = 	snop  }
__scs_overlays_trampoline_lowered:
0x8: {  	[smem:$0x3FAA] =	sst s0  }
0x9: {  	[smem:$0x3FAB] =	sst s1  }
0xa: {  	[smem:$0x3FAC] =	sst s2  }
0xb: {  	[smem:$0x3FAD] =	sst s3  }
0xc: {  	[smem:$0x3FAE] =	sst s4  }
0xd: {  	[smem:$0x3FAF] =	sst s5  }
0xe: {  	[smem:$0x3FB0] =	sst s6  }
0xf: {  	[smem:$0x3FB1] =	sst s7  }
0x10: {  	[smem:$0x3FB2] =	sst s8  }
0x11: {  	[smem:$0x3FB3] =	sst s9;
	s0 =	simm.s32 @!p0 $0x0  }
0x12: {  	s1 =	sld [smem:$0x3F99];
	s0 =	simm.s32 @p0 $0x1  }
0x13: {  	[smem:$0x3FB4] =	sst s0;
	s0 =	simm.s32 @!p1 $0x0  }
0x14: {  	s2 =	sld [smem:$0x3F98];
	s0 =	simm.s32 @p1 $0x1  }
0x15: {  	[smem:$0x3FB5] =	sst s0;
	s0 =	simm.s32 @!p2 $0x0  }
0x16: {  	s3 =	sld [smem:$0x3FDB];
	s0 =	simm.s32 @p2 $0x1  }
0x17: {  	s4 =	simm.s32 $0x1BF5;
	[smem:$0x3FB7] =	sst s0  }
0x18: {  	s0 =	sld [smem:$0x3F9A];
	_ =	swait.ge [sflag:s4], $0x0  }
0x19: {  	s7 =	sld [smem:$0x3F9B]  }
0x1a: {  	s8 =	sadd.s32 $0xFFFFE003, lr  }
0x1b: {  	s9 =	sadd.s32 $0xFFFFFEF7, lr;
	s5 =	simm.s32 $0xFFFFFFFF;
	p2 =	slt.u32 s8, $0xFFFFF086  }
0x1c: {  	p1 =	slt.u32 s9, $0xF7A;
	s5 =	simm.s32 @!p2 $0x0  }
0x1d: {  	s5 =	simm.s32 @p1 $0x1;
	p0 =	seq.s32 s7, s2  }
0x1e: {  	s7 =	smul.u32 @!p0 $0xF7A, s2;
	p2 =	seq.s32 @!p0 s5, $0x0  }
0x1f: {  	s9 =	smul.u32 $0xF7A, s1;
	s8 =	simm.s32 @!p0 $0x1BF5;
	p2 =	por !p2, p0  }
0x20: {  	[sflag:s8] =	ssyncset.s32 @!p0 $0xFFFFF086;
	s6 =	sadd.s32 @!p0 s3, s7;
	s7 =	simm.s32 @!p0 $0x108  }
0x21: {  	s3 =	sadd.s32 s3, s9;
	s6 =	sadd.s32 @!p0 $0x88, s6;
	s7 =	simm.s32 @p2 $0x1082  }
0x22: {  	[simem:s7], [sflag:s8] =	dma.local @!p0 [hbm:s6], $0xF7A  }
0x23: {  	s9 =	sor.u32 $0xD0000000, s2;
	s6 =	simm.s32 $0x108;
	_ =	swait.ge @!p0 [sflag:s8], $0x0  }
0x24: {  	s3 =	sadd.s32 $0x88, s3;
	s6 =	simm.s32 @!p1 $0x1082;
	[sflag:s4] =	ssyncset.s32 $0xFFFFF086  }
0x25: {  	[simem:s6], [sflag:s4] =	dma.local [hbm:s3], $0xF7A  }
0x26: {  	[smem:$0x3F9B] =	sst s1;
	(tag) =	ssettag s2;
	_ =	strace s9  }
0x27: {  	s1 =	sld [smem:$0x3FAB]  }
0x28: {  	s2 =	sld [smem:$0x3FAC]  }
0x29: {  	s4 =	sld [smem:$0x3FAE]  }
0x2a: {  	p0 =	seq.s32 s5, $0x0;
	s5 =	sld [smem:$0x3FAF]  }
0x2b: {  	s6 =	sld [smem:$0x3FB0]  }
0x2c: {  	s7 =	sld [smem:$0x3FB1]  }
0x2d: {  	s3 =	simm.s32 $0x108;
	s8 =	sld [smem:$0x3FB2]  }
0x2e: {  	s3 =	simm.s32 @!p0 $0x1082;
	s9 =	sld [smem:$0x3FB3]  }
0x2f: {  	lr =	sadd.s32 s0, s3;
	s0 =	sld [smem:$0x3FAA]  }
0x30: {  	s3 =	sld [smem:$0x3FAD]  }
0x31: {  	[smem:$0x3FB6] =	sst s10  }
0x32: {  	s10 =	sld [smem:$0x3FB4];
	_ =	sdelay $0x3  }
0x33: {  	p0 =	seq.s32 s10, $0x1;
	s10 =	sld [smem:$0x3FB6];
	_ =	sdelay $0x3  }
0x34: {  	[smem:$0x3FB6] =	sst s10  }
0x35: {  	s10 =	sld [smem:$0x3FB5];
	_ =	sdelay $0x3  }
0x36: {  	p1 =	seq.s32 s10, $0x1;
	s10 =	sld [smem:$0x3FB6];
	_ =	sdelay $0x3  }
0x37: {  	[smem:$0x3FB6] =	sst s10  }
0x38: {  	s10 =	sld [smem:$0x3FB7]  }
0x39: {  	_ = 	snop;
	(pc) =	sbr.ind lr, $3  }
0x3a: {  	_ = 	snop  }
0x3b: {  	_ = 	snop  }
0x3c: {  	p2 =	seq.s32 s10, $0x1;
	s10 =	sld [smem:$0x3FB6]  }
0x3d: {  	_ =	shalt  }
0x3e: {  	_ =	shalt  }
0x3f: {  	_ =	shalt  }
0x40: {  	_ =	shalt  }
0x41: {  	_ =	shalt  }
0x42: {  	_ =	shalt  }
0x43: {  	_ =	shalt  }
0x44: {  	_ =	shalt  }
0x45: {  	_ =	shalt  }
0x46: {  	_ =	shalt  }
0x47: {  	_ =	shalt  }
0x48: {  	_ =	shalt  }
0x49: {  	_ =	shalt  }
0x4a: {  	_ =	shalt  }
0x4b: {  	_ =	shalt  }
0x4c: {  	_ =	shalt  }
0x4d: {  	_ =	shalt  }
0x4e: {  	_ =	shalt  }
0x4f: {  	_ =	shalt  }
0x50: {  	_ =	shalt  }
0x51: {  	_ =	shalt  }
0x52: {  	_ =	shalt  }
0x53: {  	_ =	shalt  }
0x54: {  	_ =	shalt  }
0x55: {  	_ =	shalt  }
0x56: {  	_ =	shalt  }
0x57: {  	_ =	shalt  }
0x58: {  	_ =	shalt  }
0x59: {  	_ =	shalt  }
0x5a: {  	_ =	shalt  }
0x5b: {  	_ =	shalt  }
0x5c: {  	_ =	shalt  }
0x5d: {  	_ =	shalt  }
0x5e: {  	_ =	shalt  }
0x5f: {  	_ =	shalt  }
0x60: {  	_ =	shalt  }
0x61: {  	_ =	shalt  }
0x62: {  	_ =	shalt  }
0x63: {  	_ =	shalt  }
0x64: {  	_ =	shalt  }
0x65: {  	_ =	shalt  }
0x66: {  	_ =	shalt  }
0x67: {  	_ =	shalt  }
0x68: {  	_ =	shalt  }
0x69: {  	_ =	shalt  }
0x6a: {  	_ =	shalt  }
0x6b: {  	_ =	shalt  }
0x6c: {  	_ =	shalt  }
0x6d: {  	_ =	shalt  }
0x6e: {  	_ =	shalt  }
0x6f: {  	_ =	shalt  }
0x70: {  	_ =	shalt  }
0x71: {  	_ =	shalt  }
0x72: {  	_ =	shalt  }
0x73: {  	_ =	shalt  }
0x74: {  	_ =	shalt  }
0x75: {  	_ =	shalt  }
0x76: {  	_ =	shalt  }
0x77: {  	_ =	shalt  }
0x78: {  	_ =	shalt  }
0x79: {  	_ =	shalt  }
0x7a: {  	_ =	shalt  }
0x7b: {  	_ =	shalt  }
0x7c: {  	_ =	shalt  }
0x7d: {  	_ =	shalt  }
0x7e: {  	_ =	shalt  }
0x7f: {  	_ =	shalt  }
0x80: {  	_ =	shalt  }
0x81: {  	_ =	shalt  }
0x82: {  	_ =	shalt  }
0x83: {  	_ =	shalt  }
0x84: {  	_ =	shalt  }
0x85: {  	_ =	shalt  }
0x86: {  	_ =	shalt  }
0x87: {  	_ =	shalt  }
.Lfunc_end0:
.L_simem_size_0:
called_computation_lowered:
.L_overlay_start_0:
0x88: {  	s2 =	sld [smem:$0x3FD9]  }
0x89: {  	s3 =	sld [smem:$0x3FFE];
	_ =	sdelay $0x1  }
0x8a: {  	s1 =	srdreg.scid  }
0x8b: {  	s0 =	sand.u32 $0x1, s1  }
0x8c: {  	s17 =	sshll.u32 s0, $0xA;
	s2 =	sadd.s32 s3, s2  }
0x8d: {  	s2 =	sadd.s32 s2, s17  }
0x8e: {  	[smem:$0x3FC2] =	sst s2  }
0x8f: {  	_ = 	snop  }
0x90: {  	s2 =	sld [smem:$0x3FD0];
	(tm) =	ssettm $0x1  }
0x91: {  	s18 =	sld [smem:$0x3FFB];
	_ =	sdelay $0x3  }
0x92: {  	_ =	strace s18  }
0x93: {  	s3 =	sld [smem:$0x3FFC];
	_ =	sdelay $0x3  }
0x94: {  	_ =	strace s3  }
0x95: {  	s3 =	sld [smem:$0x3FFD];
	_ =	sdelay $0x3  }
0x96: {  	_ =	strace s3  }
0x97: {  	_ =	strace $0x8FFFFFFF  }
0x98: {  	s19 =	sld [smem:$0x3FDB];
	_ =	sdelay $0x1  }
0x99: {  	s4 =	simm.s32 $_scs_section_size  }
0x9a: {  	s5 =	simm.s32 $_size__tile_overlayer_lowered;
	s6 =	simm.s32 $_tile_overlayer_lowered  }
0x9b: {  	s22 =	simm.s32 $0x1BFF;
	s21 =	sshll.u32 s6, $0x1;
	s3 =	sadd.s32 s4, s19  }
0x9c: {  	s7 =	simm.s32 $0x0;
	s20 =	sshll.u32 s5, $0x1;
	s5 =	sadd.s32 s21, s3  }
0x9d: {  	[timem:s7], [sflag:s22] =	dma.local [hbm:s5], s20  }
0x9e: {  	_ =	swait.ge [sflag:s22], s20  }
0x9f: {  	s4 =	ssub.s32 $0x0, s20;
	[sflag:s22] =	ssyncset.done $0x0  }
0xa0: {  	[sflag:s22] =	ssyncadd.s32 s4;
	_ =	sdelay $0x1  }
0xa1: {  	s23 =	simm.s32 $0x1B8B  }
0xa2: {  	_ =	swait.ge [sflag:s23], $0x1  }
0xa3: {  	[sflag:s23] =	ssyncset.done $0x0  }
0xa4: {  	s25 =	simm.s32 $0x1B8E;
	s24 =	sld [smem:$0x3FFE];
	[sflag:s23] =	ssyncadd.s32 $0xFFFFFFFF  }
0xa5: {  	s26 =	simm.s32 $execute0_lowered;
	[smem:$0x3FD2] =	sst s25  }
0xa6: {  	s5 =	sshll.u32 s26, $0x1;
	_ =	strace $0x80000046;
	[dreg:$0x1] =	wrdreg $0xFFFFFFFF  }
0xa7: {  	s28 =	simm.s32 $_size_execute0_lowered;
	s3 =	sadd.s32 s3, s5;
	[dreg:$0x0] =	wrdreg $0x0  }
0xa8: {  	s5 =	sshll.u32 s28, $0x1;
	[dreg:$0x2] =	wrdreg s3  }
0xa9: {  	[dreg:$0x3] =	wrdreg s5  }
0xaa: {  	[dreg:$0x4] =	wrdreg $0xC0  }
0xab: {  	_ =	task [dreg:s7], $0x5FFFF  }
0xac: {  	[dreg:$0x1] =	wrdreg $0xFFFFFFFF  }
0xad: {  	[dreg:$0x0] =	wrdreg $0x60  }
0xae: {  	[dreg:$0x2] =	wrdreg s2  }
0xaf: {  	[dreg:$0x3] =	wrdreg s24  }
0xb0: {  	[dreg:$0x4] =	wrdreg $0x0  }
0xb1: {  	[dreg:$0x5] =	wrdreg $0x9  }
0xb2: {  	_ =	task.clear_ibuf [dreg:s7], $0x6FFFF;
	_ =	strace $0x90000046  }
0xb3: {  	s29 =	simm.s32 $0x9;
	_ =	strace $0x80000048  }
0xb4: {  	_ =	swait.ge [sflag:s29], $0x1  }
0xb5: {  	[sflag:s29] =	ssyncadd.s32 $0xFFFFFFFF  }
0xb6: {  	_ =	strace $0x90000048  }
0xb7: {  	_ =	sfence  }
0xb8: {  	s30 =	sld [smem:$0x0];
	_ =	sdelay $0x2  }
0xb9: {  	s31 =	sshll.u32 s1, $0xD;
	s1 =	sshrl.u32 s1, $0x2  }
0xba: {  	s3 =	sand.u32 $0x4000, s31;
	s1 =	sadd.s32 s1, s30  }
0xbb: {  	s0 =	sor.u32 s3, s0;
	s1 =	sshll.u32 s1, $0x11  }
0xbc: {  	s0 =	sor.u32 s1, s0  }
0xbd: {  	s0 =	sadd.s32 $0x8F2B, s0  }
0xbe: {  	[sflag:s0] =	ssyncadd.remote.s32 $0x1  }
0xbf: {  	_ =	sfence.sel $0xFFFF  }
0xc0: {  	[dreg:$0x0] =	wrdreg $0xFFFFFFFF;
	(pc) =	sbr.abs _section_cstart, $3  }
0xc1: {  	[dreg:$0x1] =	wrdreg $0xFFFFFFFF  }
0xc2: {  	_ =	task.clear_ibuf [dreg:s7], $0x2FFFF;
	_ =	strace $0x9FFFFFFF  }
0xc3: {  	(tm) =	ssettm $0x7FFFFFFF  }
tec
execute0_lowered:
.L_overlay_start_1:
0x0: {  	(tag) =	ssettag $0x1  }
0x1: {  	s5 =	rddreg [dreg:$0x0]  }
0x2: {  	s4 =	rddreg [dreg:$0x1]  }
0x3: {  	s2 =	rddreg [dreg:$0x2]  }
0x4: {  	s0 =	rddreg [dreg:$0x3];
	s3 =	simm.s32 $0x0;
	s6 =	srdreg.scid  }
0x5: {  	s1 =	stileid.u32;
	s11 =	simm.s32 $0x7D;
	s12 =	simm.s32 $0x2A80  }
0x6: {  	s13 =	simm.s32 $0x1;
	s16 =	simm.s32 $0x20;
	s17 =	simm.s32 $0x10  }
0x7: {  	s18 =	simm.s32 $0x0;
	[smem:$0x7FF] =	sst s3;
	s7 =	smul.u32 $0x500, s1  }
0x8: {  	s6 =	sand.u32 $0x1, s6;
	s9 =	smul.u32 $0xA00, s1;
	s14 =	sshll.u32 s1, $0x6  }
0x9: {  	_ =	strace $0x80000047;
	s8 =	sshll.u32 s6, $0x7;
	s31 =	sshll.u32 s6, $0x4  }
0xa: {  	s6 =	ssub.s32 $0x2, s6;
	s14 =	sor.u32 $0x1C02, s14;
	s7 =	sor.u32 s8, s7  }
0xb: {  	s8 =	sor.u32 s1, s31;
	s10 =	sshrl.u32 s6, $0x1;
	s9 =	sshrl.u32 s9, $0x2  }
0xc: {  	s7 =	sshrl.u32 s7, $0x3;
	s8 =	smul.u32 $0x500, s8;
	s10 =	ssub.s32 s6, s10  }
0xd: {  	s7 =	sadd.s32 s7, s4;
	s4 =	sadd.s32 s9, s2;
	s9 =	simm.s32 $0x2  }
0xe: {  	s5 =	sadd.s32 s5, s8;
	s6 =	sadd.s32 $0x1E00, s7;
	s7 =	smax.u32 s10, $0x1  }
0xf: {  	v0 =	vimm.f32 $1.000000000e+00;
	v1 =	vimm.f32 $0.0e+00;
	s8 =	simm.s32 $0x2B00;
	s10 =	simm.s32 $0x280;
	s15 =	sshrl.u32 s4, $0x3  }
.LBB2_1:
0x10: {  	[tilespmem:$0x2A80] =	vst v0  }
0x11: {  	[tilespmem:$0x2A90] =	vst v0  }
0x12: {  	[tilespmem:$0x2AA0] =	vst v0  }
0x13: {  	[tilespmem:$0x2AB0] =	vst v0  }
0x14: {  	[tilespmem:$0x2AC0] =	vst v0  }
0x15: {  	[tilespmem:$0x2AD0] =	vst v0  }
0x16: {  	[tilespmem:$0x2AE0] =	vst v0  }
0x17: {  	[tilespmem:$0x2AF0] =	vst v0  }
0x18: {  	[tilespmem:$0x2B00] =	vst v1  }
0x19: {  	[tilespmem:$0x2B10] =	vst v1  }
0x1a: {  	[tilespmem:$0x2B20] =	vst v1  }
0x1b: {  	[tilespmem:$0x2B30] =	vst v1  }
0x1c: {  	[tilespmem:$0x2B40] =	vst v1  }
0x1d: {  	[tilespmem:$0x2B50] =	vst v1  }
0x1e: {  	[tilespmem:$0x2B60] =	vst v1  }
0x1f: {  	[tilespmem:$0x2B70] =	vst v1  }
0x20: {  	[tilespmem:$0x2B80] =	vst v1  }
0x21: {  	[tilespmem:$0x2B90] =	vst v1  }
0x22: {  	[tilespmem:$0x2BA0] =	vst v1  }
0x23: {  	[tilespmem:$0x2BB0] =	vst v1  }
0x24: {  	[tilespmem:$0x2BC0] =	vst v1  }
0x25: {  	[tilespmem:$0x2BD0] =	vst v1  }
0x26: {  	[tilespmem:$0x2BE0] =	vst v1  }
0x27: {  	[tilespmem:$0x2BF0] =	vst v1  }
0x28: {  	[tilespmem:$0x2C00] =	vst v1  }
0x29: {  	[tilespmem:$0x2C10] =	vst v1  }
0x2a: {  	[tilespmem:$0x2C20] =	vst v1  }
0x2b: {  	[tilespmem:$0x2C30] =	vst v1  }
0x2c: {  	[tilespmem:$0x2C40] =	vst v1  }
0x2d: {  	[tilespmem:$0x2C50] =	vst v1  }
0x2e: {  	[tilespmem:$0x2C60] =	vst v1  }
0x2f: {  	[tilespmem:$0x2C70] =	vst v1  }
0x30: {  	[tilespmem:$0x2C80] =	vst v1  }
0x31: {  	[tilespmem:$0x2C90] =	vst v1  }
0x32: {  	[tilespmem:$0x2CA0] =	vst v1  }
0x33: {  	[tilespmem:$0x2CB0] =	vst v1  }
0x34: {  	[tilespmem:$0x2CC0] =	vst v1  }
0x35: {  	[tilespmem:$0x2CD0] =	vst v1  }
0x36: {  	[tilespmem:$0x2CE0] =	vst v1  }
0x37: {  	[tilespmem:$0x2CF0] =	vst v1  }
0x38: {  	[tilespmem:$0x2D00] =	vst v1  }
0x39: {  	[tilespmem:$0x2D10] =	vst v1  }
0x3a: {  	[tilespmem:$0x2D20] =	vst v1  }
0x3b: {  	[tilespmem:$0x2D30] =	vst v1  }
0x3c: {  	[tilespmem:$0x2D40] =	vst v1  }
0x3d: {  	[tilespmem:$0x2D50] =	vst v1  }
0x3e: {  	[tilespmem:$0x2D60] =	vst v1  }
0x3f: {  	[tilespmem:$0x2D70] =	vst v1  }
0x40: {  	[spmem:s4] =	stream.linear.scatter [tilespmem:s8], [sflag:$0x2], $0x280, $0x38;
	[tilespmem:$0x2D80] =	vst v63  }
0x41: {  	_ =	swait.ge [sflag:s9], $0x280  }
0x42: {  	[sflag:s9] =	ssyncset.done $0x0  }
0x43: {  	[sflag:s9] =	ssyncadd.s32 $0xFFFFFD80  }
0x44: {  	[bflag:$0x0] =	sbarrier.arrive $0xFFFF  }
0x45: {  	[tilespmem:s10], [sflag:$0x2] =	stream.linear.gather [hbm4b:s5+s3], $0x2800, $0x38;
	[tilespmem:$0x2D80] =	vst v63  }
0x46: {  	_ =	swait.ge [sflag:s9], $0x2800  }
0x47: {  	[sflag:s9] =	ssyncset.done $0x0  }
0x48: {  	s19 =	simm.s32 $0x280;
	[sflag:s9] =	ssyncadd.s32 $0xFFFFD800  }
0x49: {  	[spmem:s2] =	stream.indirect.scatter.add.f32 [tilespmem:s12], [sflag:$0x1], $0x1, s19, s11, $0xb8;
	[tilespmem:$0x2D80] =	vst v63  }
0x4a: {  	s28 =	simm.s32 $0x300  }
0x4b: {  	[spmem:s2] =	stream.indirect.scatter.add.f32 [tilespmem:s12], [sflag:$0x1], $0x1, s28, s11, $0xb8;
	[tilespmem:$0x2D80] =	vst v63  }
0x4c: {  	s29 =	simm.s32 $0x380  }
0x4d: {  	[spmem:s2] =	stream.indirect.scatter.add.f32 [tilespmem:s12], [sflag:$0x1], $0x1, s29, s11, $0xb8;
	[tilespmem:$0x2D80] =	vst v63  }
0x4e: {  	s30 =	simm.s32 $0x400  }
0x4f: {  	[spmem:s2] =	stream.indirect.scatter.add.f32 [tilespmem:s12], [sflag:$0x1], $0x1, s30, s11, $0xb8;
	[tilespmem:$0x2D80] =	vst v63  }
0x50: {  	s31 =	simm.s32 $0x480  }
0x51: {  	[spmem:s2] =	stream.indirect.scatter.add.f32 [tilespmem:s12], [sflag:$0x1], $0x1, s31, s11, $0xb8;
	[tilespmem:$0x2D80] =	vst v63  }
0x52: {  	s20 =	simm.s32 $0x500  }
0x53: {  	[spmem:s2] =	stream.indirect.scatter.add.f32 [tilespmem:s12], [sflag:$0x1], $0x1, s20, s11, $0xb8;
	[tilespmem:$0x2D80] =	vst v63  }
0x54: {  	s21 =	simm.s32 $0x580  }
0x55: {  	[spmem:s2] =	stream.indirect.scatter.add.f32 [tilespmem:s12], [sflag:$0x1], $0x1, s21, s11, $0xb8;
	[tilespmem:$0x2D80] =	vst v63  }
0x56: {  	s22 =	simm.s32 $0x600  }
0x57: {  	[spmem:s2] =	stream.indirect.scatter.add.f32 [tilespmem:s12], [sflag:$0x1], $0x1, s22, s11, $0xb8;
	[tilespmem:$0x2D80] =	vst v63  }
0x58: {  	s23 =	simm.s32 $0x680  }
0x59: {  	[spmem:s2] =	stream.indirect.scatter.add.f32 [tilespmem:s12], [sflag:$0x1], $0x1, s23, s11, $0xb8;
	[tilespmem:$0x2D80] =	vst v63  }
0x5a: {  	s24 =	simm.s32 $0x700  }
0x5b: {  	[spmem:s2] =	stream.indirect.scatter.add.f32 [tilespmem:s12], [sflag:$0x1], $0x1, s24, s11, $0xb8;
	[tilespmem:$0x2D80] =	vst v63  }
0x5c: {  	s25 =	simm.s32 $0x780  }
0x5d: {  	[spmem:s2] =	stream.indirect.scatter.add.f32 [tilespmem:s12], [sflag:$0x1], $0x1, s25, s11, $0xb8;
	[tilespmem:$0x2D80] =	vst v63  }
0x5e: {  	s26 =	simm.s32 $0x800  }
0x5f: {  	[spmem:s2] =	stream.indirect.scatter.add.f32 [tilespmem:s12], [sflag:$0x1], $0x1, s26, s11, $0xb8;
	[tilespmem:$0x2D80] =	vst v63  }
0x60: {  	s28 =	simm.s32 $0x880  }
0x61: {  	[spmem:s2] =	stream.indirect.scatter.add.f32 [tilespmem:s12], [sflag:$0x1], $0x1, s28, s11, $0xb8;
	[tilespmem:$0x2D80] =	vst v63  }
0x62: {  	s29 =	simm.s32 $0x900  }
0x63: {  	[spmem:s2] =	stream.indirect.scatter.add.f32 [tilespmem:s12], [sflag:$0x1], $0x1, s29, s11, $0xb8;
	[tilespmem:$0x2D80] =	vst v63  }
0x64: {  	s30 =	simm.s32 $0x980  }
0x65: {  	[spmem:s2] =	stream.indirect.scatter.add.f32 [tilespmem:s12], [sflag:$0x1], $0x1, s30, s11, $0xb8;
	[tilespmem:$0x2D80] =	vst v63  }
0x66: {  	s31 =	simm.s32 $0xA00  }
0x67: {  	[spmem:s2] =	stream.indirect.scatter.add.f32 [tilespmem:s12], [sflag:$0x1], $0x1, s31, s11, $0xb8;
	[tilespmem:$0x2D80] =	vst v63  }
0x68: {  	_ =	swait.ge [sflag:s13], $0x7D  }
0x69: {  	[sflag:s13] =	ssyncset.done $0x0  }
0x6a: {  	[sflag:s13] =	ssyncadd.s32 $0xFFFFFF83  }
0x6b: {  	_ =	swait.ge [sflag:s13], $0x7D  }
0x6c: {  	[sflag:s13] =	ssyncset.done $0x0  }
0x6d: {  	[sflag:s13] =	ssyncadd.s32 $0xFFFFFF83  }
0x6e: {  	_ =	swait.ge [sflag:s13], $0x7D  }
0x6f: {  	[sflag:s13] =	ssyncset.done $0x0  }
0x70: {  	[sflag:s13] =	ssyncadd.s32 $0xFFFFFF83  }
0x71: {  	_ =	swait.ge [sflag:s13], $0x7D  }
0x72: {  	[sflag:s13] =	ssyncset.done $0x0  }
0x73: {  	[sflag:s13] =	ssyncadd.s32 $0xFFFFFF83  }
0x74: {  	_ =	swait.ge [sflag:s13], $0x7D  }
0x75: {  	[sflag:s13] =	ssyncset.done $0x0  }
0x76: {  	[sflag:s13] =	ssyncadd.s32 $0xFFFFFF83  }
0x77: {  	_ =	swait.ge [sflag:s13], $0x7D  }
0x78: {  	[sflag:s13] =	ssyncset.done $0x0  }
0x79: {  	[sflag:s13] =	ssyncadd.s32 $0xFFFFFF83  }
0x7a: {  	_ =	swait.ge [sflag:s13], $0x7D  }
0x7b: {  	[sflag:s13] =	ssyncset.done $0x0  }
0x7c: {  	[sflag:s13] =	ssyncadd.s32 $0xFFFFFF83  }
0x7d: {  	_ =	swait.ge [sflag:s13], $0x7D  }
0x7e: {  	[sflag:s13] =	ssyncset.done $0x0  }
0x7f: {  	[sflag:s13] =	ssyncadd.s32 $0xFFFFFF83  }
0x80: {  	_ =	swait.ge [sflag:s13], $0x7D  }
0x81: {  	[sflag:s13] =	ssyncset.done $0x0  }
0x82: {  	[sflag:s13] =	ssyncadd.s32 $0xFFFFFF83  }
0x83: {  	_ =	swait.ge [sflag:s13], $0x7D  }
0x84: {  	[sflag:s13] =	ssyncset.done $0x0  }
0x85: {  	[sflag:s13] =	ssyncadd.s32 $0xFFFFFF83  }
0x86: {  	_ =	swait.ge [sflag:s13], $0x7D  }
0x87: {  	[sflag:s13] =	ssyncset.done $0x0  }
0x88: {  	[sflag:s13] =	ssyncadd.s32 $0xFFFFFF83  }
0x89: {  	_ =	swait.ge [sflag:s13], $0x7D  }
0x8a: {  	[sflag:s13] =	ssyncset.done $0x0  }
0x8b: {  	[sflag:s13] =	ssyncadd.s32 $0xFFFFFF83  }
0x8c: {  	_ =	swait.ge [sflag:s13], $0x7D  }
0x8d: {  	[sflag:s13] =	ssyncset.done $0x0  }
0x8e: {  	[sflag:s13] =	ssyncadd.s32 $0xFFFFFF83  }
0x8f: {  	_ =	swait.ge [sflag:s13], $0x7D  }
0x90: {  	[sflag:s13] =	ssyncset.done $0x0  }
0x91: {  	[sflag:s13] =	ssyncadd.s32 $0xFFFFFF83  }
0x92: {  	_ =	swait.ge [sflag:s13], $0x7D  }
0x93: {  	[sflag:s13] =	ssyncset.done $0x0  }
0x94: {  	[sflag:s13] =	ssyncadd.s32 $0xFFFFFF83  }
0x95: {  	_ =	swait.ge [sflag:s13], $0x7D  }
0x96: {  	s21 =	simm.s32 $0x800;
	s22 =	simm.s32 $0x4000;
	[sflag:s13] =	ssyncset.done $0x0  }
.LBB2_2:
0x97: {  	s23 =	sadd.s32 $0x280, s21  }
0x98: {  	[sflag:s13] =	ssyncadd.s32 $0xFFFFFF83;
	s20 =	smov.u32 s22;
	s19 =	sadd.s32 $0x2000, s22  }
0x99: {  	[spmem:s2] =	stream.indirect.scatter.add.f32 [tilespmem:s12], [sflag:$0x1], $0x1, s23, s11, $0xb8;
	[tilespmem:$0x2D80] =	vst v63  }
0x9a: {  	p0 =	sne.s32 s22, $0x8000;
	s22 =	sadd.s32 $0x300, s21  }
0x9b: {  	[spmem:s2] =	stream.indirect.scatter.add.f32 [tilespmem:s12], [sflag:$0x1], $0x1, s22, s11, $0xb8;
	[tilespmem:$0x2D80] =	vst v63  }
0x9c: {  	s22 =	sadd.s32 $0x380, s21  }
0x9d: {  	[spmem:s2] =	stream.indirect.scatter.add.f32 [tilespmem:s12], [sflag:$0x1], $0x1, s22, s11, $0xb8;
	[tilespmem:$0x2D80] =	vst v63  }
0x9e: {  	s22 =	sadd.s32 $0x400, s21  }
0x9f: {  	[spmem:s2] =	stream.indirect.scatter.add.f32 [tilespmem:s12], [sflag:$0x1], $0x1, s22, s11, $0xb8;
	[tilespmem:$0x2D80] =	vst v63  }
0xa0: {  	s22 =	sadd.s32 $0x480, s21  }
0xa1: {  	[spmem:s2] =	stream.indirect.scatter.add.f32 [tilespmem:s12], [sflag:$0x1], $0x1, s22, s11, $0xb8;
	[tilespmem:$0x2D80] =	vst v63  }
0xa2: {  	s22 =	sadd.s32 $0x500, s21  }
0xa3: {  	[spmem:s2] =	stream.indirect.scatter.add.f32 [tilespmem:s12], [sflag:$0x1], $0x1, s22, s11, $0xb8;
	[tilespmem:$0x2D80] =	vst v63  }
0xa4: {  	s22 =	sadd.s32 $0x580, s21  }
0xa5: {  	[spmem:s2] =	stream.indirect.scatter.add.f32 [tilespmem:s12], [sflag:$0x1], $0x1, s22, s11, $0xb8;
	[tilespmem:$0x2D80] =	vst v63  }
0xa6: {  	s22 =	sadd.s32 $0x600, s21  }
0xa7: {  	[spmem:s2] =	stream.indirect.scatter.add.f32 [tilespmem:s12], [sflag:$0x1], $0x1, s22, s11, $0xb8;
	[tilespmem:$0x2D80] =	vst v63  }
0xa8: {  	s22 =	sadd.s32 $0x680, s21  }
0xa9: {  	[spmem:s2] =	stream.indirect.scatter.add.f32 [tilespmem:s12], [sflag:$0x1], $0x1, s22, s11, $0xb8;
	[tilespmem:$0x2D80] =	vst v63  }
0xaa: {  	s22 =	sadd.s32 $0x700, s21  }
0xab: {  	[spmem:s2] =	stream.indirect.scatter.add.f32 [tilespmem:s12], [sflag:$0x1], $0x1, s22, s11, $0xb8;
	[tilespmem:$0x2D80] =	vst v63  }
0xac: {  	s22 =	sadd.s32 $0x780, s21  }
0xad: {  	[spmem:s2] =	stream.indirect.scatter.add.f32 [tilespmem:s12], [sflag:$0x1], $0x1, s22, s11, $0xb8;
	[tilespmem:$0x2D80] =	vst v63  }
0xae: {  	s22 =	sadd.s32 $0x800, s21  }
0xaf: {  	[spmem:s2] =	stream.indirect.scatter.add.f32 [tilespmem:s12], [sflag:$0x1], $0x1, s22, s11, $0xb8;
	[tilespmem:$0x2D80] =	vst v63  }
0xb0: {  	s22 =	sadd.s32 $0x880, s21  }
0xb1: {  	[spmem:s2] =	stream.indirect.scatter.add.f32 [tilespmem:s12], [sflag:$0x1], $0x1, s22, s11, $0xb8;
	[tilespmem:$0x2D80] =	vst v63  }
0xb2: {  	s22 =	sadd.s32 $0x900, s21  }
0xb3: {  	[spmem:s2] =	stream.indirect.scatter.add.f32 [tilespmem:s12], [sflag:$0x1], $0x1, s22, s11, $0xb8;
	[tilespmem:$0x2D80] =	vst v63  }
0xb4: {  	s22 =	sadd.s32 $0x980, s21  }
0xb5: {  	[spmem:s2] =	stream.indirect.scatter.add.f32 [tilespmem:s12], [sflag:$0x1], $0x1, s22, s11, $0xb8;
	[tilespmem:$0x2D80] =	vst v63  }
0xb6: {  	s21 =	sadd.s32 $0xA00, s21  }
0xb7: {  	[spmem:s2] =	stream.indirect.scatter.add.f32 [tilespmem:s12], [sflag:$0x1], $0x1, s21, s11, $0xb8;
	[tilespmem:$0x2D80] =	vst v63  }
0xb8: {  	_ =	swait.ge [sflag:s13], $0x7D  }
0xb9: {  	[sflag:s13] =	ssyncset.done $0x0  }
0xba: {  	[sflag:s13] =	ssyncadd.s32 $0xFFFFFF83  }
0xbb: {  	_ =	swait.ge [sflag:s13], $0x7D  }
0xbc: {  	[sflag:s13] =	ssyncset.done $0x0  }
0xbd: {  	[sflag:s13] =	ssyncadd.s32 $0xFFFFFF83  }
0xbe: {  	_ =	swait.ge [sflag:s13], $0x7D  }
0xbf: {  	[sflag:s13] =	ssyncset.done $0x0  }
0xc0: {  	[sflag:s13] =	ssyncadd.s32 $0xFFFFFF83  }
0xc1: {  	_ =	swait.ge [sflag:s13], $0x7D  }
0xc2: {  	[sflag:s13] =	ssyncset.done $0x0  }
0xc3: {  	[sflag:s13] =	ssyncadd.s32 $0xFFFFFF83  }
0xc4: {  	_ =	swait.ge [sflag:s13], $0x7D  }
0xc5: {  	[sflag:s13] =	ssyncset.done $0x0  }
0xc6: {  	[sflag:s13] =	ssyncadd.s32 $0xFFFFFF83  }
0xc7: {  	_ =	swait.ge [sflag:s13], $0x7D  }
0xc8: {  	[sflag:s13] =	ssyncset.done $0x0  }
0xc9: {  	[sflag:s13] =	ssyncadd.s32 $0xFFFFFF83  }
0xca: {  	_ =	swait.ge [sflag:s13], $0x7D  }
0xcb: {  	[sflag:s13] =	ssyncset.done $0x0  }
0xcc: {  	[sflag:s13] =	ssyncadd.s32 $0xFFFFFF83  }
0xcd: {  	_ =	swait.ge [sflag:s13], $0x7D  }
0xce: {  	[sflag:s13] =	ssyncset.done $0x0  }
0xcf: {  	[sflag:s13] =	ssyncadd.s32 $0xFFFFFF83  }
0xd0: {  	_ =	swait.ge [sflag:s13], $0x7D  }
0xd1: {  	[sflag:s13] =	ssyncset.done $0x0  }
0xd2: {  	[sflag:s13] =	ssyncadd.s32 $0xFFFFFF83  }
0xd3: {  	_ =	swait.ge [sflag:s13], $0x7D  }
0xd4: {  	[sflag:s13] =	ssyncset.done $0x0  }
0xd5: {  	[sflag:s13] =	ssyncadd.s32 $0xFFFFFF83  }
0xd6: {  	_ =	swait.ge [sflag:s13], $0x7D  }
0xd7: {  	[sflag:s13] =	ssyncset.done $0x0  }
0xd8: {  	[sflag:s13] =	ssyncadd.s32 $0xFFFFFF83  }
0xd9: {  	_ =	swait.ge [sflag:s13], $0x7D  }
0xda: {  	[sflag:s13] =	ssyncset.done $0x0  }
0xdb: {  	[sflag:s13] =	ssyncadd.s32 $0xFFFFFF83  }
0xdc: {  	_ =	swait.ge [sflag:s13], $0x7D  }
0xdd: {  	[sflag:s13] =	ssyncset.done $0x0  }
0xde: {  	[sflag:s13] =	ssyncadd.s32 $0xFFFFFF83  }
0xdf: {  	_ =	swait.ge [sflag:s13], $0x7D  }
0xe0: {  	[sflag:s13] =	ssyncset.done $0x0  }
0xe1: {  	[sflag:s13] =	ssyncadd.s32 $0xFFFFFF83  }
.Ltmp0:
0xe2: {  	_ =	swait.ge [sflag:s13], $0x7D;
	(pc) =	sbr.rel @p0 .LBB2_2-.Ltmp0, $4  }
0xe3: {  	[sflag:s13] =	ssyncset.done $0x0  }
0xe4: {  	[sflag:s13] =	ssyncadd.s32 $0xFFFFFF83  }
0xe5: {  	_ =	swait.ge [sflag:s13], $0x7D  }
0xe6: {  	s22 =	smov.u32 s19;
	s21 =	sshra.s32 s20, $0x2;
	[sflag:s13] =	ssyncset.done $0x0  }
0xe7: {  	s19 =	sadd.s32 $0x280, s21;
	[sflag:s13] =	ssyncadd.s32 $0xFFFFFF83  }
0xe8: {  	[spmem:s2] =	stream.indirect.scatter.add.f32 [tilespmem:s12], [sflag:$0x1], $0x1, s19, s11, $0xb8;
	[tilespmem:$0x2D80] =	vst v63  }
0xe9: {  	s26 =	sadd.s32 $0x300, s21  }
0xea: {  	[spmem:s2] =	stream.indirect.scatter.add.f32 [tilespmem:s12], [sflag:$0x1], $0x1, s26, s11, $0xb8;
	[tilespmem:$0x2D80] =	vst v63  }
0xeb: {  	s28 =	sadd.s32 $0x380, s21  }
0xec: {  	[spmem:s2] =	stream.indirect.scatter.add.f32 [tilespmem:s12], [sflag:$0x1], $0x1, s28, s11, $0xb8;
	[tilespmem:$0x2D80] =	vst v63  }
0xed: {  	s29 =	sadd.s32 $0x400, s21  }
0xee: {  	[spmem:s2] =	stream.indirect.scatter.add.f32 [tilespmem:s12], [sflag:$0x1], $0x1, s29, s11, $0xb8;
	[tilespmem:$0x2D80] =	vst v63  }
0xef: {  	s30 =	sadd.s32 $0x480, s21  }
0xf0: {  	[spmem:s2] =	stream.indirect.scatter.add.f32 [tilespmem:s12], [sflag:$0x1], $0x1, s30, s11, $0xb8;
	[tilespmem:$0x2D80] =	vst v63  }
0xf1: {  	s31 =	sadd.s32 $0x500, s21  }
0xf2: {  	[spmem:s2] =	stream.indirect.scatter.add.f32 [tilespmem:s12], [sflag:$0x1], $0x1, s31, s11, $0xb8;
	[tilespmem:$0x2D80] =	vst v63  }
0xf3: {  	s20 =	sadd.s32 $0x580, s21  }
0xf4: {  	[spmem:s2] =	stream.indirect.scatter.add.f32 [tilespmem:s12], [sflag:$0x1], $0x1, s20, s11, $0xb8;
	[tilespmem:$0x2D80] =	vst v63  }
0xf5: {  	s22 =	sadd.s32 $0x600, s21  }
0xf6: {  	[spmem:s2] =	stream.indirect.scatter.add.f32 [tilespmem:s12], [sflag:$0x1], $0x1, s22, s11, $0xb8;
	[tilespmem:$0x2D80] =	vst v63  }
0xf7: {  	s23 =	sadd.s32 $0x680, s21  }
0xf8: {  	[spmem:s2] =	stream.indirect.scatter.add.f32 [tilespmem:s12], [sflag:$0x1], $0x1, s23, s11, $0xb8;
	[tilespmem:$0x2D80] =	vst v63  }
0xf9: {  	s24 =	sadd.s32 $0x700, s21  }
0xfa: {  	[spmem:s2] =	stream.indirect.scatter.add.f32 [tilespmem:s12], [sflag:$0x1], $0x1, s24, s11, $0xb8;
	[tilespmem:$0x2D80] =	vst v63  }
0xfb: {  	s25 =	sadd.s32 $0x780, s21  }
0xfc: {  	[spmem:s2] =	stream.indirect.scatter.add.f32 [tilespmem:s12], [sflag:$0x1], $0x1, s25, s11, $0xb8;
	[tilespmem:$0x2D80] =	vst v63  }
0xfd: {  	s26 =	sadd.s32 $0x800, s21  }
0xfe: {  	[spmem:s2] =	stream.indirect.scatter.add.f32 [tilespmem:s12], [sflag:$0x1], $0x1, s26, s11, $0xb8;
	[tilespmem:$0x2D80] =	vst v63  }
0xff: {  	s28 =	sadd.s32 $0x880, s21  }
0x100: {  	[spmem:s2] =	stream.indirect.scatter.add.f32 [tilespmem:s12], [sflag:$0x1], $0x1, s28, s11, $0xb8;
	[tilespmem:$0x2D80] =	vst v63  }
0x101: {  	s29 =	sadd.s32 $0x900, s21  }
0x102: {  	[spmem:s2] =	stream.indirect.scatter.add.f32 [tilespmem:s12], [sflag:$0x1], $0x1, s29, s11, $0xb8;
	[tilespmem:$0x2D80] =	vst v63  }
0x103: {  	s30 =	sadd.s32 $0x980, s21  }
0x104: {  	[spmem:s2] =	stream.indirect.scatter.add.f32 [tilespmem:s12], [sflag:$0x1], $0x1, s30, s11, $0xb8;
	[tilespmem:$0x2D80] =	vst v63  }
0x105: {  	s31 =	sadd.s32 $0xA00, s21  }
0x106: {  	[spmem:s2] =	stream.indirect.scatter.add.f32 [tilespmem:s12], [sflag:$0x1], $0x1, s31, s11, $0xb8;
	[tilespmem:$0x2D80] =	vst v63  }
0x107: {  	_ =	swait.ge [sflag:s13], $0x7D  }
0x108: {  	[sflag:s13] =	ssyncset.done $0x0  }
0x109: {  	[sflag:s13] =	ssyncadd.s32 $0xFFFFFF83  }
0x10a: {  	_ =	swait.ge [sflag:s13], $0x7D  }
0x10b: {  	[sflag:s13] =	ssyncset.done $0x0  }
0x10c: {  	[sflag:s13] =	ssyncadd.s32 $0xFFFFFF83  }
0x10d: {  	_ =	swait.ge [sflag:s13], $0x7D  }
0x10e: {  	[sflag:s13] =	ssyncset.done $0x0  }
0x10f: {  	[sflag:s13] =	ssyncadd.s32 $0xFFFFFF83  }
0x110: {  	_ =	swait.ge [sflag:s13], $0x7D  }
0x111: {  	[sflag:s13] =	ssyncset.done $0x0  }
0x112: {  	[sflag:s13] =	ssyncadd.s32 $0xFFFFFF83  }
0x113: {  	_ =	swait.ge [sflag:s13], $0x7D  }
0x114: {  	[sflag:s13] =	ssyncset.done $0x0  }
0x115: {  	[sflag:s13] =	ssyncadd.s32 $0xFFFFFF83  }
0x116: {  	_ =	swait.ge [sflag:s13], $0x7D  }
0x117: {  	[sflag:s13] =	ssyncset.done $0x0  }
0x118: {  	[sflag:s13] =	ssyncadd.s32 $0xFFFFFF83  }
0x119: {  	_ =	swait.ge [sflag:s13], $0x7D  }
0x11a: {  	[sflag:s13] =	ssyncset.done $0x0  }
0x11b: {  	[sflag:s13] =	ssyncadd.s32 $0xFFFFFF83  }
0x11c: {  	_ =	swait.ge [sflag:s13], $0x7D  }
0x11d: {  	[sflag:s13] =	ssyncset.done $0x0  }
0x11e: {  	[sflag:s13] =	ssyncadd.s32 $0xFFFFFF83  }
0x11f: {  	_ =	swait.ge [sflag:s13], $0x7D  }
0x120: {  	[sflag:s13] =	ssyncset.done $0x0  }
0x121: {  	[sflag:s13] =	ssyncadd.s32 $0xFFFFFF83  }
0x122: {  	_ =	swait.ge [sflag:s13], $0x7D  }
0x123: {  	[sflag:s13] =	ssyncset.done $0x0  }
0x124: {  	[sflag:s13] =	ssyncadd.s32 $0xFFFFFF83  }
0x125: {  	_ =	swait.ge [sflag:s13], $0x7D  }
0x126: {  	[sflag:s13] =	ssyncset.done $0x0  }
0x127: {  	[sflag:s13] =	ssyncadd.s32 $0xFFFFFF83  }
0x128: {  	_ =	swait.ge [sflag:s13], $0x7D  }
0x129: {  	[sflag:s13] =	ssyncset.done $0x0  }
0x12a: {  	[sflag:s13] =	ssyncadd.s32 $0xFFFFFF83  }
0x12b: {  	_ =	swait.ge [sflag:s13], $0x7D  }
0x12c: {  	[sflag:s13] =	ssyncset.done $0x0  }
0x12d: {  	[sflag:s13] =	ssyncadd.s32 $0xFFFFFF83  }
0x12e: {  	_ =	swait.ge [sflag:s13], $0x7D  }
0x12f: {  	[sflag:s13] =	ssyncset.done $0x0  }
0x130: {  	[sflag:s13] =	ssyncadd.s32 $0xFFFFFF83  }
0x131: {  	_ =	swait.ge [sflag:s13], $0x7D  }
0x132: {  	[sflag:s13] =	ssyncset.done $0x0  }
0x133: {  	[sflag:s13] =	ssyncadd.s32 $0xFFFFFF83  }
0x134: {  	_ =	swait.ge [sflag:s13], $0x7D  }
0x135: {  	s18 =	sadd.s32 $0x1, s18;
	[sflag:s13] =	ssyncset.done $0x0  }
0x136: {  	p0 =	sne.s32 s18, s7;
	[sflag:s13] =	ssyncadd.s32 $0xFFFFFF83  }
.Ltmp1:
0x137: {  	[bflag:$0x0] =	sbarrier.arrive $0xFFFF;
	(pc) =	sbr.rel @p0 .LBB2_1-.Ltmp1, $4  }
0x138: {  	[hbm:s6@s16], [sflag:s14] =	dma.strided [spmem:s15@s17], $0x50, s13, $0x10   }
0x139: {  	_ =	swait.ge [sflag:s9], $0x50  }
0x13a: {  	[sflag:s9] =	ssyncset.done $0x0  }
0x13b: {  	[sflag:s9] =	ssyncadd.s32 $0xFFFFFFB0  }
0x13c: {  	_ =	sfence.sel $0x180000  }
0x13d: {  	[bflag:$0x0] =	sbarrier.arrive $0xFFFF  }
0x13e: {  	p0 =	sne.s32 s1, $0x0;
	_ =	strace $0x90000047  }
0x13f: {  	s0 =	sadd.s32 @!p0 $0x100000, s0;
	[bflag:$0x2] =	sbarrier.arrive $0xFFFF  }
0x140: {  	[sflag:s0] =	ssyncadd.tile.s32 @!p0 $0x1;
	_ =	shalt  }
.Lfunc_end2:
_tile_overlayer_lowered:
.L_overlay_start_2:
0x141: {  	(tag) =	ssettag $0x2  }
0x142: {  	s0 =	rddreg [dreg:$0x0];
	s2 =	stileid.u32  }
0x143: {  	s1 =	rddreg [dreg:$0x1];
	p0 =	sne.s32 s2, $0x0  }
0x144: {  	s3 =	rddreg [dreg:$0x2];
	[bflag:$0x3] =	sbarrier.arrive $0xFFFF;
	s2 =	simm.s32 @!p0 $0x1C02  }
0x145: {  	[timem:s3], [sflag:s2] =	dma.local @!p0 [hbm:s0], s1  }
0x146: {  	s0 =	simm.s32 @!p0 $0x2  }
0x147: {  	_ =	swait.ge @!p0 [sflag:s0], s1  }
0x148: {  	s1 =	ssub.s32 @!p0 $0x0, s1;
	[sflag:s0] =	ssyncset.done @!p0 $0x0  }
0x149: {  	[sflag:s0] =	ssyncadd.s32 @!p0 s1  }
0x14a: {  	[bflag:$0x3] =	sbarrier.arrive $0xFFFF  }
0x14b: {  	_ =	shalt  }

</sc_bundles>
